<compile_context>
chip_gen: v7x
topology: tpu7x:2x2x1
jax: 0.10.2.dev20260603
libtpu: 0.0.44.dev20260713+nightly
codegen_flags: <defaults>
</compile_context>

<pallas_src>
import functools

import jax
import jax.numpy as jnp
from jax import lax
from jax.experimental import pallas as pl
from jax.experimental.pallas import tpu as pltpu
from jax.experimental.pallas import tpu_sc as plsc

_LAYER_DIMS = [1024, 2048, 2048, 512]
_B = 128
_E1, _E2, _E3 = 131072, 131072, 32768
_E = _E1 + _E2 + _E3
_W1_WORDS = 1024 * 2048
_W2_WORDS = 2048 * 2048
_W3_WORDS = 2048 * 512
_TOTAL_WORDS = _W1_WORDS + _W2_WORDS + _W3_WORDS

_NSUB = 16
_NCORE = 2
_NW = _NSUB * _NCORE

_EBLK = 1024
_ACC = 58 * 2048
_UNIT = 4096

_LAYERS = [
    (0, _E1 // _EBLK, 2048, -1024),
    (_E1, _E2 // _EBLK, 2048, -1024 * 2048 - 3072),
    (_E1 + _E2, _E3 // _EBLK, 512, -3072 * 512 - 5120),
]
_WBASE = [0, _W1_WORDS, _W1_WORDS + _W2_WORDS]
_WROWS = [1024, 2048, 2048]
_RPS = [58, 58, 232]


def _make_slices():
    slices = []
    for li in range(3):
        estart, nblk, ncols, cadd = _LAYERS[li]
        rows, rps = _WROWS[li], _RPS[li]
        for first in range(0, rows, rps):
            nrows = min(rps, rows - first)
            words = nrows * ncols
            assert words % _UNIT == 0
            slices.append(dict(
                estart=estart, nblk=nblk,
                ncols=ncols, cadd=cadd - first * ncols,
                words=words, wsel=li,
                obase=first * ncols,
            ))
    while len(slices) % _NW:
        slices.append(dict(estart=0, nblk=0, ncols=0, cadd=0,
                           words=0, wsel=3, obase=0))
    return slices


_SLICES = _make_slices()
_NROUNDS = len(_SLICES) // _NW


def _sel(wid, vals):
    out = jnp.int32(vals[0])
    for k in range(1, _NW):
        out = jnp.where(wid == k, jnp.int32(vals[k]), out)
    return out


def _densify_body(e3_hbm, w1_hbm, w2_hbm, w3_hbm, acc, ev0, ev1, sem0, sem1):
    wid = lax.axis_index("s") * _NCORE + lax.axis_index("c")
    outs = (w1_hbm, w2_hbm, w3_hbm)

    def _eslice(eb):
        return e3_hbm.at[:, pl.ds(pl.multiple_of(eb, _EBLK), _EBLK)]

    for r in range(_NROUNDS):
        tab = _SLICES[r * _NW:(r + 1) * _NW]
        estart = _sel(wid, [t["estart"] for t in tab])
        nblk = _sel(wid, [t["nblk"] for t in tab])
        ncols = _sel(wid, [t["ncols"] for t in tab])
        cadd = _sel(wid, [t["cadd"] for t in tab])
        words = _sel(wid, [t["words"] for t in tab])
        wsel = _sel(wid, [t["wsel"] for t in tab])
        obase = _sel(wid, [t["obase"] for t in tab])

        @pl.loop(0, _ACC // 16, unroll=8)
        def _zero(i):
            acc[pl.ds(i * 16, 16)] = jnp.zeros((16,), jnp.float32)

        def _process(ev):
            @plsc.parallel_loop(0, _EBLK // 16, unroll=4)
            def _groups(g):
                s = ev[0, pl.ds(g * 16, 16)]
                d = ev[1, pl.ds(g * 16, 16)]
                wv = plsc.bitcast(ev[2, pl.ds(g * 16, 16)], jnp.float32)
                off = s * ncols + d + cadd
                ok = (off >= 0) & (off < words)
                offc = jnp.where(ok, off, 0)
                wz = jnp.where(ok, wv, 0.0)
                plsc.addupdate_scatter(acc, [offc], wz)

        @pl.when(nblk > 0)
        def _scan():
            pltpu.async_copy(_eslice(estart), ev0, sem0)

            @pl.loop(0, nblk // 2)
            def _blocks(i):
                b0 = 2 * i
                pltpu.async_copy(_eslice(estart + (b0 + 1) * _EBLK), ev1, sem1)
                pltpu.make_async_copy(_eslice(estart + b0 * _EBLK), ev0, sem0).wait()
                _process(ev0)

                @pl.when(b0 + 2 < nblk)
                def _pf():
                    pltpu.async_copy(_eslice(estart + (b0 + 2) * _EBLK), ev0, sem0)

                pltpu.make_async_copy(_eslice(estart + (b0 + 1) * _EBLK), ev1, sem1).wait()
                _process(ev1)

        sizes = {}
        for t in tab:
            if t["words"]:
                sizes.setdefault((t["wsel"], t["words"]), True)
        for (wi, sz) in sizes:
            @pl.when((wsel == wi) & (words == sz))
            def _out(wi=wi, sz=sz):
                ob = pl.multiple_of(obase, 8)
                pltpu.sync_copy(acc.at[pl.ds(0, sz)],
                                outs[wi].at[pl.ds(ob, sz)])


@functools.partial(
    pl.kernel,
    out_type=(
        jax.ShapeDtypeStruct((_W1_WORDS,), jnp.float32),
        jax.ShapeDtypeStruct((_W2_WORDS,), jnp.float32),
        jax.ShapeDtypeStruct((_W3_WORDS,), jnp.float32),
    ),
    mesh=plsc.VectorSubcoreMesh(core_axis_name="c", subcore_axis_name="s"),
    compiler_params=pltpu.CompilerParams(needs_layout_passes=False),
    scratch_types=[
        pltpu.VMEM((_ACC,), jnp.float32),
        pltpu.VMEM((3, _EBLK), jnp.int32),
        pltpu.VMEM((3, _EBLK), jnp.int32),
        pltpu.SemaphoreType.DMA,
        pltpu.SemaphoreType.DMA,
    ],
)
def _densify(e3_hbm, w1_hbm, w2_hbm, w3_hbm, acc, ev0, ev1, sem0, sem1):
    _densify_body(e3_hbm, w1_hbm, w2_hbm, w3_hbm, acc, ev0, ev1, sem0, sem1)


def _ln_relu(h, g, b):
    mu = jnp.mean(h, axis=-1, keepdims=True)
    var = jnp.mean((h - mu) * (h - mu), axis=-1, keepdims=True)
    y = (h - mu) * lax.rsqrt(var + 1e-5) * g + b
    return jnp.maximum(y, 0.0)


def _mlp_body(x_ref, w1_ref, w2_ref, w3_ref, b1_ref, b2_ref, b3_ref,
              g1_ref, be1_ref, g2_ref, be2_ref, out_ref):
    dot = functools.partial(
        lax.dot_general,
        dimension_numbers=(((1,), (0,)), ((), ())),
        precision=lax.Precision.HIGHEST,
        preferred_element_type=jnp.float32,
    )
    h = dot(x_ref[...], w1_ref[...]) + b1_ref[...]
    h = _ln_relu(h, g1_ref[...], be1_ref[...])
    h = dot(h, w2_ref[...]) + b2_ref[...]
    h = _ln_relu(h, g2_ref[...], be2_ref[...])
    out_ref[...] = dot(h, w3_ref[...]) + b3_ref[...]


def _mlp(x, w1, w2, w3, b1, b2, b3, g1, be1, g2, be2):
    n_in = 11
    return pl.pallas_call(
        _mlp_body,
        out_shape=jax.ShapeDtypeStruct((_B, _LAYER_DIMS[3]), jnp.float32),
        in_specs=[pl.BlockSpec(memory_space=pltpu.VMEM)] * n_in,
        out_specs=pl.BlockSpec(memory_space=pltpu.VMEM),
    )(x, w1, w2, w3, b1, b2, b3, g1, be1, g2, be2)


def kernel(x, edge_index, weight, bias, ln_gamma, ln_beta):
    e3 = jnp.concatenate(
        [edge_index, lax.bitcast_convert_type(weight, jnp.int32)[None]], axis=0)
    w1f, w2f, w3f = _densify(e3)
    w1 = w1f.reshape(1024, 2048)
    w2 = w2f.reshape(2048, 2048)
    w3 = w3f.reshape(2048, 512)
    b1 = bias[None, 0:2048]
    b2 = bias[None, 2048:4096]
    b3 = bias[None, 4096:4608]
    g1, g2 = ln_gamma[0][None], ln_gamma[1][None]
    be1, be2 = ln_beta[0][None], ln_beta[1][None]
    return _mlp(x, w1, w2, w3, b1, b2, b3, g1, be1, g2, be2)

# --- scband reference (transcript-rebuilt; emitter-appended) ---
"""Pipeline reference for scband-sparse-network2-1460288880653 (READ-ONLY COPY).

The authoritative reference and input builder live on the scoring server;
editing this copy changes nothing except your own understanding.
"""

import jax, jax.numpy as jnp
import numpy as np

INPUT_DIM = 1024
HIDDEN_DIMS = [2048, 2048]
OUTPUT_DIM = 512
LAYER_DIMS = [INPUT_DIM] + HIDDEN_DIMS + [OUTPUT_DIM]
LAYER_IDX = [0, 1024, 3072, 5120, 5632]
TOTAL_NODES = 5632
FAN_IN = 64
BATCH = 128


def setup_inputs(seed: int = 0) -> dict:
    key = jax.random.key(seed)
    ks = jax.random.split(key, 4)
    srcs, dsts = [], []
    for i in range(1, len(LAYER_DIMS)):
        ne = LAYER_DIMS[i] * FAN_IN
        srcs.append(jax.random.randint(jax.random.fold_in(ks[0], i), (ne,), LAYER_IDX[i - 1], LAYER_IDX[i], dtype=jnp.int32))
        dsts.append(jax.random.randint(jax.random.fold_in(ks[1], i), (ne,), LAYER_IDX[i], LAYER_IDX[i + 1], dtype=jnp.int32))
    src = jnp.concatenate(srcs)
    dst = jnp.concatenate(dsts)
    edge_index = jnp.stack([src, dst], axis=0)
    E = edge_index.shape[1]
    # weight init mirrors set_connections: randn(E) / sqrt(fan_in of target node)
    fan_in = jnp.bincount(dst, length=TOTAL_NODES)
    fan_in_per_edge = jnp.maximum(fan_in[dst], 1).astype(jnp.float32)
    weight = jax.random.normal(ks[2], (E,), dtype=jnp.float32) / jnp.sqrt(fan_in_per_edge)
    bias = jnp.zeros((TOTAL_NODES - INPUT_DIM,), dtype=jnp.float32)
    ln_gamma = jnp.ones((len(HIDDEN_DIMS), HIDDEN_DIMS[0]), dtype=jnp.float32)
    ln_beta = jnp.zeros((len(HIDDEN_DIMS), HIDDEN_DIMS[0]), dtype=jnp.float32)
    x = jax.random.normal(ks[3], (BATCH, INPUT_DIM), dtype=jnp.float32)
    return {"x": x, "edge_index": edge_index, "weight": weight, "bias": bias, "ln_gamma": ln_gamma, "ln_beta": ln_beta}


def reference(x, edge_index, weight, bias, ln_gamma, ln_beta):
    B = x.shape[0]
    src = edge_index[0]
    dst = edge_index[1]
    activations = jnp.zeros((B, TOTAL_NODES), dtype=x.dtype).at[:, :INPUT_DIM].set(x)
    prev = activations
    n_layers = len(LAYER_DIMS)
    for i in range(1, n_layers):
        s, e = LAYER_IDX[i], LAYER_IDX[i + 1]
        # sparse.mm(W^T, prev^T)^T == scatter-add of w * prev[:, src] into dst
        contrib = prev[:, src] * weight[None, :]                      # [B, E] edge gather
        weighted_all = jax.ops.segment_sum(contrib.T, dst, num_segments=TOTAL_NODES).T  # [B, total]
        cur = weighted_all[:, s:e] + bias[s - INPUT_DIM:e - INPUT_DIM]
        if i < n_layers - 1:
            g = ln_gamma[i - 1]
            b = ln_beta[i - 1]
            mu = jnp.mean(cur, axis=-1, keepdims=True)
            var = jnp.var(cur, axis=-1, keepdims=True)
            cur = jnp.maximum((cur - mu) / jnp.sqrt(var + 1e-5) * g + b, 0.0)
        activations = activations.at[:, s:e].set(cur)
        prev = activations
    return activations[:, LAYER_IDX[-2]:LAYER_IDX[-1]]

if __name__ == "__main__":
    import jax
    _d = setup_inputs()
    print(jax.jit(kernel)(*tuple(_d.values())))

</pallas_src>

<mosaic_0001>
#map = affine_map<(d0, d1) -> (0, 0)>
#map1 = affine_map<(d0, d1) -> (0)>
module attributes {stable_mosaic.version = 14 : i64} {
  func.func @_densify(%arg0: i32, %arg1: i32, %arg2: memref<3x294912xi32, #tpu.memory_space<hbm>>, %arg3: memref<2097152xf32, #tpu.memory_space<hbm>>, %arg4: memref<4194304xf32, #tpu.memory_space<hbm>>, %arg5: memref<1048576xf32, #tpu.memory_space<hbm>>, %arg6: memref<118784xf32, #tpu.memory_space<vmem>>, %arg7: memref<3x1024xi32, #tpu.memory_space<vmem>>, %arg8: memref<3x1024xi32, #tpu.memory_space<vmem>>, %arg9: memref<!tpu.dma_semaphore, #tpu.memory_space<semaphore_mem>>, %arg10: memref<!tpu.dma_semaphore, #tpu.memory_space<semaphore_mem>>) attributes {dimension_semantics = [#tpu.dimension_semantics<core_parallel>, #tpu.dimension_semantics<subcore_parallel>], iteration_bounds = array<i64: 2, 16>, scalar_prefetch = 0 : i64, scratch_operands = 5 : i64, tpu.core_type = #tpu.core_type<sc_vector_subcore>, window_params = [{transform_indices = #map}, {transform_indices = #map1}, {transform_indices = #map1}, {transform_indices = #map1}]} {
    %mul3A = arith.constant 2 : i32
    %mul3A_0 = arith.muli %arg1, %mul3A : i32
    %add3A = arith.addi %mul3A_0, %arg0 : i32
    %eq3A = arith.constant 1 : i32
    %eq3A_1 = arith.cmpi eq, %add3A, %eq3A : i32
    %jit3A = arith.constant 0 : i32
    %jit3A_2 = arith.constant 0 : i32
    %select_n3A = arith.select %eq3A_1, %jit3A, %jit3A_2 : i32
    %eq3A_3 = arith.constant 2 : i32
    %eq3A_4 = arith.cmpi eq, %add3A, %eq3A_3 : i32
    %jit3A_5 = arith.constant 0 : i32
    %select_n3A_6 = arith.select %eq3A_4, %jit3A_5, %select_n3A : i32
    %eq3A_7 = arith.constant 3 : i32
    %eq3A_8 = arith.cmpi eq, %add3A, %eq3A_7 : i32
    %jit3A_9 = arith.constant 0 : i32
    %select_n3A_10 = arith.select %eq3A_8, %jit3A_9, %select_n3A_6 : i32
    %eq3A_11 = arith.constant 4 : i32
    %eq3A_12 = arith.cmpi eq, %add3A, %eq3A_11 : i32
    %jit3A_13 = arith.constant 0 : i32
    %select_n3A_14 = arith.select %eq3A_12, %jit3A_13, %select_n3A_10 : i32
    %eq3A_15 = arith.constant 5 : i32
    %eq3A_16 = arith.cmpi eq, %add3A, %eq3A_15 : i32
    %jit3A_17 = arith.constant 0 : i32
    %select_n3A_18 = arith.select %eq3A_16, %jit3A_17, %select_n3A_14 : i32
    %eq3A_19 = arith.constant 6 : i32
    %eq3A_20 = arith.cmpi eq, %add3A, %eq3A_19 : i32
    %jit3A_21 = arith.constant 0 : i32
    %select_n3A_22 = arith.select %eq3A_20, %jit3A_21, %select_n3A_18 : i32
    %eq3A_23 = arith.constant 7 : i32
    %eq3A_24 = arith.cmpi eq, %add3A, %eq3A_23 : i32
    %jit3A_25 = arith.constant 0 : i32
    %select_n3A_26 = arith.select %eq3A_24, %jit3A_25, %select_n3A_22 : i32
    %eq3A_27 = arith.constant 8 : i32
    %eq3A_28 = arith.cmpi eq, %add3A, %eq3A_27 : i32
    %jit3A_29 = arith.constant 0 : i32
    %select_n3A_30 = arith.select %eq3A_28, %jit3A_29, %select_n3A_26 : i32
    %eq3A_31 = arith.constant 9 : i32
    %eq3A_32 = arith.cmpi eq, %add3A, %eq3A_31 : i32
    %jit3A_33 = arith.constant 0 : i32
    %select_n3A_34 = arith.select %eq3A_32, %jit3A_33, %select_n3A_30 : i32
    %eq3A_35 = arith.constant 10 : i32
    %eq3A_36 = arith.cmpi eq, %add3A, %eq3A_35 : i32
    %jit3A_37 = arith.constant 0 : i32
    %select_n3A_38 = arith.select %eq3A_36, %jit3A_37, %select_n3A_34 : i32
    %eq3A_39 = arith.constant 11 : i32
    %eq3A_40 = arith.cmpi eq, %add3A, %eq3A_39 : i32
    %jit3A_41 = arith.constant 0 : i32
    %select_n3A_42 = arith.select %eq3A_40, %jit3A_41, %select_n3A_38 : i32
    %eq3A_43 = arith.constant 12 : i32
    %eq3A_44 = arith.cmpi eq, %add3A, %eq3A_43 : i32
    %jit3A_45 = arith.constant 0 : i32
    %select_n3A_46 = arith.select %eq3A_44, %jit3A_45, %select_n3A_42 : i32
    %eq3A_47 = arith.constant 13 : i32
    %eq3A_48 = arith.cmpi eq, %add3A, %eq3A_47 : i32
    %jit3A_49 = arith.constant 0 : i32
    %select_n3A_50 = arith.select %eq3A_48, %jit3A_49, %select_n3A_46 : i32
    %eq3A_51 = arith.constant 14 : i32
    %eq3A_52 = arith.cmpi eq, %add3A, %eq3A_51 : i32
    %jit3A_53 = arith.constant 0 : i32
    %select_n3A_54 = arith.select %eq3A_52, %jit3A_53, %select_n3A_50 : i32
    %eq3A_55 = arith.constant 15 : i32
    %eq3A_56 = arith.cmpi eq, %add3A, %eq3A_55 : i32
    %jit3A_57 = arith.constant 0 : i32
    %select_n3A_58 = arith.select %eq3A_56, %jit3A_57, %select_n3A_54 : i32
    %eq3A_59 = arith.constant 16 : i32
    %eq3A_60 = arith.cmpi eq, %add3A, %eq3A_59 : i32
    %jit3A_61 = arith.constant 0 : i32
    %select_n3A_62 = arith.select %eq3A_60, %jit3A_61, %select_n3A_58 : i32
    %eq3A_63 = arith.constant 17 : i32
    %eq3A_64 = arith.cmpi eq, %add3A, %eq3A_63 : i32
    %jit3A_65 = arith.constant 0 : i32
    %select_n3A_66 = arith.select %eq3A_64, %jit3A_65, %select_n3A_62 : i32
    %eq3A_67 = arith.constant 18 : i32
    %eq3A_68 = arith.cmpi eq, %add3A, %eq3A_67 : i32
    %jit3A_69 = arith.constant 131072 : i32
    %select_n3A_70 = arith.select %eq3A_68, %jit3A_69, %select_n3A_66 : i32
    %eq3A_71 = arith.constant 19 : i32
    %eq3A_72 = arith.cmpi eq, %add3A, %eq3A_71 : i32
    %jit3A_73 = arith.constant 131072 : i32
    %select_n3A_74 = arith.select %eq3A_72, %jit3A_73, %select_n3A_70 : i32
    %eq3A_75 = arith.constant 20 : i32
    %eq3A_76 = arith.cmpi eq, %add3A, %eq3A_75 : i32
    %jit3A_77 = arith.constant 131072 : i32
    %select_n3A_78 = arith.select %eq3A_76, %jit3A_77, %select_n3A_74 : i32
    %eq3A_79 = arith.constant 21 : i32
    %eq3A_80 = arith.cmpi eq, %add3A, %eq3A_79 : i32
    %jit3A_81 = arith.constant 131072 : i32
    %select_n3A_82 = arith.select %eq3A_80, %jit3A_81, %select_n3A_78 : i32
    %eq3A_83 = arith.constant 22 : i32
    %eq3A_84 = arith.cmpi eq, %add3A, %eq3A_83 : i32
    %jit3A_85 = arith.constant 131072 : i32
    %select_n3A_86 = arith.select %eq3A_84, %jit3A_85, %select_n3A_82 : i32
    %eq3A_87 = arith.constant 23 : i32
    %eq3A_88 = arith.cmpi eq, %add3A, %eq3A_87 : i32
    %jit3A_89 = arith.constant 131072 : i32
    %select_n3A_90 = arith.select %eq3A_88, %jit3A_89, %select_n3A_86 : i32
    %eq3A_91 = arith.constant 24 : i32
    %eq3A_92 = arith.cmpi eq, %add3A, %eq3A_91 : i32
    %jit3A_93 = arith.constant 131072 : i32
    %select_n3A_94 = arith.select %eq3A_92, %jit3A_93, %select_n3A_90 : i32
    %eq3A_95 = arith.constant 25 : i32
    %eq3A_96 = arith.cmpi eq, %add3A, %eq3A_95 : i32
    %jit3A_97 = arith.constant 131072 : i32
    %select_n3A_98 = arith.select %eq3A_96, %jit3A_97, %select_n3A_94 : i32
    %eq3A_99 = arith.constant 26 : i32
    %eq3A_100 = arith.cmpi eq, %add3A, %eq3A_99 : i32
    %jit3A_101 = arith.constant 131072 : i32
    %select_n3A_102 = arith.select %eq3A_100, %jit3A_101, %select_n3A_98 : i32
    %eq3A_103 = arith.constant 27 : i32
    %eq3A_104 = arith.cmpi eq, %add3A, %eq3A_103 : i32
    %jit3A_105 = arith.constant 131072 : i32
    %select_n3A_106 = arith.select %eq3A_104, %jit3A_105, %select_n3A_102 : i32
    %eq3A_107 = arith.constant 28 : i32
    %eq3A_108 = arith.cmpi eq, %add3A, %eq3A_107 : i32
    %jit3A_109 = arith.constant 131072 : i32
    %select_n3A_110 = arith.select %eq3A_108, %jit3A_109, %select_n3A_106 : i32
    %eq3A_111 = arith.constant 29 : i32
    %eq3A_112 = arith.cmpi eq, %add3A, %eq3A_111 : i32
    %jit3A_113 = arith.constant 131072 : i32
    %select_n3A_114 = arith.select %eq3A_112, %jit3A_113, %select_n3A_110 : i32
    %eq3A_115 = arith.constant 30 : i32
    %eq3A_116 = arith.cmpi eq, %add3A, %eq3A_115 : i32
    %jit3A_117 = arith.constant 131072 : i32
    %select_n3A_118 = arith.select %eq3A_116, %jit3A_117, %select_n3A_114 : i32
    %eq3A_119 = arith.constant 31 : i32
    %eq3A_120 = arith.cmpi eq, %add3A, %eq3A_119 : i32
    %jit3A_121 = arith.constant 131072 : i32
    %select_n3A_122 = arith.select %eq3A_120, %jit3A_121, %select_n3A_118 : i32
    %eq3A_123 = arith.constant 1 : i32
    %eq3A_124 = arith.cmpi eq, %add3A, %eq3A_123 : i32
    %jit3A_125 = arith.constant 128 : i32
    %jit3A_126 = arith.constant 128 : i32
    %select_n3A_127 = arith.select %eq3A_124, %jit3A_125, %jit3A_126 : i32
    %eq3A_128 = arith.constant 2 : i32
    %eq3A_129 = arith.cmpi eq, %add3A, %eq3A_128 : i32
    %jit3A_130 = arith.constant 128 : i32
    %select_n3A_131 = arith.select %eq3A_129, %jit3A_130, %select_n3A_127 : i32
    %eq3A_132 = arith.constant 3 : i32
    %eq3A_133 = arith.cmpi eq, %add3A, %eq3A_132 : i32
    %jit3A_134 = arith.constant 128 : i32
    %select_n3A_135 = arith.select %eq3A_133, %jit3A_134, %select_n3A_131 : i32
    %eq3A_136 = arith.constant 4 : i32
    %eq3A_137 = arith.cmpi eq, %add3A, %eq3A_136 : i32
    %jit3A_138 = arith.constant 128 : i32
    %select_n3A_139 = arith.select %eq3A_137, %jit3A_138, %select_n3A_135 : i32
    %eq3A_140 = arith.constant 5 : i32
    %eq3A_141 = arith.cmpi eq, %add3A, %eq3A_140 : i32
    %jit3A_142 = arith.constant 128 : i32
    %select_n3A_143 = arith.select %eq3A_141, %jit3A_142, %select_n3A_139 : i32
    %eq3A_144 = arith.constant 6 : i32
    %eq3A_145 = arith.cmpi eq, %add3A, %eq3A_144 : i32
    %jit3A_146 = arith.constant 128 : i32
    %select_n3A_147 = arith.select %eq3A_145, %jit3A_146, %select_n3A_143 : i32
    %eq3A_148 = arith.constant 7 : i32
    %eq3A_149 = arith.cmpi eq, %add3A, %eq3A_148 : i32
    %jit3A_150 = arith.constant 128 : i32
    %select_n3A_151 = arith.select %eq3A_149, %jit3A_150, %select_n3A_147 : i32
    %eq3A_152 = arith.constant 8 : i32
    %eq3A_153 = arith.cmpi eq, %add3A, %eq3A_152 : i32
    %jit3A_154 = arith.constant 128 : i32
    %select_n3A_155 = arith.select %eq3A_153, %jit3A_154, %select_n3A_151 : i32
    %eq3A_156 = arith.constant 9 : i32
    %eq3A_157 = arith.cmpi eq, %add3A, %eq3A_156 : i32
    %jit3A_158 = arith.constant 128 : i32
    %select_n3A_159 = arith.select %eq3A_157, %jit3A_158, %select_n3A_155 : i32
    %eq3A_160 = arith.constant 10 : i32
    %eq3A_161 = arith.cmpi eq, %add3A, %eq3A_160 : i32
    %jit3A_162 = arith.constant 128 : i32
    %select_n3A_163 = arith.select %eq3A_161, %jit3A_162, %select_n3A_159 : i32
    %eq3A_164 = arith.constant 11 : i32
    %eq3A_165 = arith.cmpi eq, %add3A, %eq3A_164 : i32
    %jit3A_166 = arith.constant 128 : i32
    %select_n3A_167 = arith.select %eq3A_165, %jit3A_166, %select_n3A_163 : i32
    %eq3A_168 = arith.constant 12 : i32
    %eq3A_169 = arith.cmpi eq, %add3A, %eq3A_168 : i32
    %jit3A_170 = arith.constant 128 : i32
    %select_n3A_171 = arith.select %eq3A_169, %jit3A_170, %select_n3A_167 : i32
    %eq3A_172 = arith.constant 13 : i32
    %eq3A_173 = arith.cmpi eq, %add3A, %eq3A_172 : i32
    %jit3A_174 = arith.constant 128 : i32
    %select_n3A_175 = arith.select %eq3A_173, %jit3A_174, %select_n3A_171 : i32
    %eq3A_176 = arith.constant 14 : i32
    %eq3A_177 = arith.cmpi eq, %add3A, %eq3A_176 : i32
    %jit3A_178 = arith.constant 128 : i32
    %select_n3A_179 = arith.select %eq3A_177, %jit3A_178, %select_n3A_175 : i32
    %eq3A_180 = arith.constant 15 : i32
    %eq3A_181 = arith.cmpi eq, %add3A, %eq3A_180 : i32
    %jit3A_182 = arith.constant 128 : i32
    %select_n3A_183 = arith.select %eq3A_181, %jit3A_182, %select_n3A_179 : i32
    %eq3A_184 = arith.constant 16 : i32
    %eq3A_185 = arith.cmpi eq, %add3A, %eq3A_184 : i32
    %jit3A_186 = arith.constant 128 : i32
    %select_n3A_187 = arith.select %eq3A_185, %jit3A_186, %select_n3A_183 : i32
    %eq3A_188 = arith.constant 17 : i32
    %eq3A_189 = arith.cmpi eq, %add3A, %eq3A_188 : i32
    %jit3A_190 = arith.constant 128 : i32
    %select_n3A_191 = arith.select %eq3A_189, %jit3A_190, %select_n3A_187 : i32
    %eq3A_192 = arith.constant 18 : i32
    %eq3A_193 = arith.cmpi eq, %add3A, %eq3A_192 : i32
    %jit3A_194 = arith.constant 128 : i32
    %select_n3A_195 = arith.select %eq3A_193, %jit3A_194, %select_n3A_191 : i32
    %eq3A_196 = arith.constant 19 : i32
    %eq3A_197 = arith.cmpi eq, %add3A, %eq3A_196 : i32
    %jit3A_198 = arith.constant 128 : i32
    %select_n3A_199 = arith.select %eq3A_197, %jit3A_198, %select_n3A_195 : i32
    %eq3A_200 = arith.constant 20 : i32
    %eq3A_201 = arith.cmpi eq, %add3A, %eq3A_200 : i32
    %jit3A_202 = arith.constant 128 : i32
    %select_n3A_203 = arith.select %eq3A_201, %jit3A_202, %select_n3A_199 : i32
    %eq3A_204 = arith.constant 21 : i32
    %eq3A_205 = arith.cmpi eq, %add3A, %eq3A_204 : i32
    %jit3A_206 = arith.constant 128 : i32
    %select_n3A_207 = arith.select %eq3A_205, %jit3A_206, %select_n3A_203 : i32
    %eq3A_208 = arith.constant 22 : i32
    %eq3A_209 = arith.cmpi eq, %add3A, %eq3A_208 : i32
    %jit3A_210 = arith.constant 128 : i32
    %select_n3A_211 = arith.select %eq3A_209, %jit3A_210, %select_n3A_207 : i32
    %eq3A_212 = arith.constant 23 : i32
    %eq3A_213 = arith.cmpi eq, %add3A, %eq3A_212 : i32
    %jit3A_214 = arith.constant 128 : i32
    %select_n3A_215 = arith.select %eq3A_213, %jit3A_214, %select_n3A_211 : i32
    %eq3A_216 = arith.constant 24 : i32
    %eq3A_217 = arith.cmpi eq, %add3A, %eq3A_216 : i32
    %jit3A_218 = arith.constant 128 : i32
    %select_n3A_219 = arith.select %eq3A_217, %jit3A_218, %select_n3A_215 : i32
    %eq3A_220 = arith.constant 25 : i32
    %eq3A_221 = arith.cmpi eq, %add3A, %eq3A_220 : i32
    %jit3A_222 = arith.constant 128 : i32
    %select_n3A_223 = arith.select %eq3A_221, %jit3A_222, %select_n3A_219 : i32
    %eq3A_224 = arith.constant 26 : i32
    %eq3A_225 = arith.cmpi eq, %add3A, %eq3A_224 : i32
    %jit3A_226 = arith.constant 128 : i32
    %select_n3A_227 = arith.select %eq3A_225, %jit3A_226, %select_n3A_223 : i32
    %eq3A_228 = arith.constant 27 : i32
    %eq3A_229 = arith.cmpi eq, %add3A, %eq3A_228 : i32
    %jit3A_230 = arith.constant 128 : i32
    %select_n3A_231 = arith.select %eq3A_229, %jit3A_230, %select_n3A_227 : i32
    %eq3A_232 = arith.constant 28 : i32
    %eq3A_233 = arith.cmpi eq, %add3A, %eq3A_232 : i32
    %jit3A_234 = arith.constant 128 : i32
    %select_n3A_235 = arith.select %eq3A_233, %jit3A_234, %select_n3A_231 : i32
    %eq3A_236 = arith.constant 29 : i32
    %eq3A_237 = arith.cmpi eq, %add3A, %eq3A_236 : i32
    %jit3A_238 = arith.constant 128 : i32
    %select_n3A_239 = arith.select %eq3A_237, %jit3A_238, %select_n3A_235 : i32
    %eq3A_240 = arith.constant 30 : i32
    %eq3A_241 = arith.cmpi eq, %add3A, %eq3A_240 : i32
    %jit3A_242 = arith.constant 128 : i32
    %select_n3A_243 = arith.select %eq3A_241, %jit3A_242, %select_n3A_239 : i32
    %eq3A_244 = arith.constant 31 : i32
    %eq3A_245 = arith.cmpi eq, %add3A, %eq3A_244 : i32
    %jit3A_246 = arith.constant 128 : i32
    %select_n3A_247 = arith.select %eq3A_245, %jit3A_246, %select_n3A_243 : i32
    %eq3A_248 = arith.constant 1 : i32
    %eq3A_249 = arith.cmpi eq, %add3A, %eq3A_248 : i32
    %jit3A_250 = arith.constant 2048 : i32
    %jit3A_251 = arith.constant 2048 : i32
    %select_n3A_252 = arith.select %eq3A_249, %jit3A_250, %jit3A_251 : i32
    %eq3A_253 = arith.constant 2 : i32
    %eq3A_254 = arith.cmpi eq, %add3A, %eq3A_253 : i32
    %jit3A_255 = arith.constant 2048 : i32
    %select_n3A_256 = arith.select %eq3A_254, %jit3A_255, %select_n3A_252 : i32
    %eq3A_257 = arith.constant 3 : i32
    %eq3A_258 = arith.cmpi eq, %add3A, %eq3A_257 : i32
    %jit3A_259 = arith.constant 2048 : i32
    %select_n3A_260 = arith.select %eq3A_258, %jit3A_259, %select_n3A_256 : i32
    %eq3A_261 = arith.constant 4 : i32
    %eq3A_262 = arith.cmpi eq, %add3A, %eq3A_261 : i32
    %jit3A_263 = arith.constant 2048 : i32
    %select_n3A_264 = arith.select %eq3A_262, %jit3A_263, %select_n3A_260 : i32
    %eq3A_265 = arith.constant 5 : i32
    %eq3A_266 = arith.cmpi eq, %add3A, %eq3A_265 : i32
    %jit3A_267 = arith.constant 2048 : i32
    %select_n3A_268 = arith.select %eq3A_266, %jit3A_267, %select_n3A_264 : i32
    %eq3A_269 = arith.constant 6 : i32
    %eq3A_270 = arith.cmpi eq, %add3A, %eq3A_269 : i32
    %jit3A_271 = arith.constant 2048 : i32
    %select_n3A_272 = arith.select %eq3A_270, %jit3A_271, %select_n3A_268 : i32
    %eq3A_273 = arith.constant 7 : i32
    %eq3A_274 = arith.cmpi eq, %add3A, %eq3A_273 : i32
    %jit3A_275 = arith.constant 2048 : i32
    %select_n3A_276 = arith.select %eq3A_274, %jit3A_275, %select_n3A_272 : i32
    %eq3A_277 = arith.constant 8 : i32
    %eq3A_278 = arith.cmpi eq, %add3A, %eq3A_277 : i32
    %jit3A_279 = arith.constant 2048 : i32
    %select_n3A_280 = arith.select %eq3A_278, %jit3A_279, %select_n3A_276 : i32
    %eq3A_281 = arith.constant 9 : i32
    %eq3A_282 = arith.cmpi eq, %add3A, %eq3A_281 : i32
    %jit3A_283 = arith.constant 2048 : i32
    %select_n3A_284 = arith.select %eq3A_282, %jit3A_283, %select_n3A_280 : i32
    %eq3A_285 = arith.constant 10 : i32
    %eq3A_286 = arith.cmpi eq, %add3A, %eq3A_285 : i32
    %jit3A_287 = arith.constant 2048 : i32
    %select_n3A_288 = arith.select %eq3A_286, %jit3A_287, %select_n3A_284 : i32
    %eq3A_289 = arith.constant 11 : i32
    %eq3A_290 = arith.cmpi eq, %add3A, %eq3A_289 : i32
    %jit3A_291 = arith.constant 2048 : i32
    %select_n3A_292 = arith.select %eq3A_290, %jit3A_291, %select_n3A_288 : i32
    %eq3A_293 = arith.constant 12 : i32
    %eq3A_294 = arith.cmpi eq, %add3A, %eq3A_293 : i32
    %jit3A_295 = arith.constant 2048 : i32
    %select_n3A_296 = arith.select %eq3A_294, %jit3A_295, %select_n3A_292 : i32
    %eq3A_297 = arith.constant 13 : i32
    %eq3A_298 = arith.cmpi eq, %add3A, %eq3A_297 : i32
    %jit3A_299 = arith.constant 2048 : i32
    %select_n3A_300 = arith.select %eq3A_298, %jit3A_299, %select_n3A_296 : i32
    %eq3A_301 = arith.constant 14 : i32
    %eq3A_302 = arith.cmpi eq, %add3A, %eq3A_301 : i32
    %jit3A_303 = arith.constant 2048 : i32
    %select_n3A_304 = arith.select %eq3A_302, %jit3A_303, %select_n3A_300 : i32
    %eq3A_305 = arith.constant 15 : i32
    %eq3A_306 = arith.cmpi eq, %add3A, %eq3A_305 : i32
    %jit3A_307 = arith.constant 2048 : i32
    %select_n3A_308 = arith.select %eq3A_306, %jit3A_307, %select_n3A_304 : i32
    %eq3A_309 = arith.constant 16 : i32
    %eq3A_310 = arith.cmpi eq, %add3A, %eq3A_309 : i32
    %jit3A_311 = arith.constant 2048 : i32
    %select_n3A_312 = arith.select %eq3A_310, %jit3A_311, %select_n3A_308 : i32
    %eq3A_313 = arith.constant 17 : i32
    %eq3A_314 = arith.cmpi eq, %add3A, %eq3A_313 : i32
    %jit3A_315 = arith.constant 2048 : i32
    %select_n3A_316 = arith.select %eq3A_314, %jit3A_315, %select_n3A_312 : i32
    %eq3A_317 = arith.constant 18 : i32
    %eq3A_318 = arith.cmpi eq, %add3A, %eq3A_317 : i32
    %jit3A_319 = arith.constant 2048 : i32
    %select_n3A_320 = arith.select %eq3A_318, %jit3A_319, %select_n3A_316 : i32
    %eq3A_321 = arith.constant 19 : i32
    %eq3A_322 = arith.cmpi eq, %add3A, %eq3A_321 : i32
    %jit3A_323 = arith.constant 2048 : i32
    %select_n3A_324 = arith.select %eq3A_322, %jit3A_323, %select_n3A_320 : i32
    %eq3A_325 = arith.constant 20 : i32
    %eq3A_326 = arith.cmpi eq, %add3A, %eq3A_325 : i32
    %jit3A_327 = arith.constant 2048 : i32
    %select_n3A_328 = arith.select %eq3A_326, %jit3A_327, %select_n3A_324 : i32
    %eq3A_329 = arith.constant 21 : i32
    %eq3A_330 = arith.cmpi eq, %add3A, %eq3A_329 : i32
    %jit3A_331 = arith.constant 2048 : i32
    %select_n3A_332 = arith.select %eq3A_330, %jit3A_331, %select_n3A_328 : i32
    %eq3A_333 = arith.constant 22 : i32
    %eq3A_334 = arith.cmpi eq, %add3A, %eq3A_333 : i32
    %jit3A_335 = arith.constant 2048 : i32
    %select_n3A_336 = arith.select %eq3A_334, %jit3A_335, %select_n3A_332 : i32
    %eq3A_337 = arith.constant 23 : i32
    %eq3A_338 = arith.cmpi eq, %add3A, %eq3A_337 : i32
    %jit3A_339 = arith.constant 2048 : i32
    %select_n3A_340 = arith.select %eq3A_338, %jit3A_339, %select_n3A_336 : i32
    %eq3A_341 = arith.constant 24 : i32
    %eq3A_342 = arith.cmpi eq, %add3A, %eq3A_341 : i32
    %jit3A_343 = arith.constant 2048 : i32
    %select_n3A_344 = arith.select %eq3A_342, %jit3A_343, %select_n3A_340 : i32
    %eq3A_345 = arith.constant 25 : i32
    %eq3A_346 = arith.cmpi eq, %add3A, %eq3A_345 : i32
    %jit3A_347 = arith.constant 2048 : i32
    %select_n3A_348 = arith.select %eq3A_346, %jit3A_347, %select_n3A_344 : i32
    %eq3A_349 = arith.constant 26 : i32
    %eq3A_350 = arith.cmpi eq, %add3A, %eq3A_349 : i32
    %jit3A_351 = arith.constant 2048 : i32
    %select_n3A_352 = arith.select %eq3A_350, %jit3A_351, %select_n3A_348 : i32
    %eq3A_353 = arith.constant 27 : i32
    %eq3A_354 = arith.cmpi eq, %add3A, %eq3A_353 : i32
    %jit3A_355 = arith.constant 2048 : i32
    %select_n3A_356 = arith.select %eq3A_354, %jit3A_355, %select_n3A_352 : i32
    %eq3A_357 = arith.constant 28 : i32
    %eq3A_358 = arith.cmpi eq, %add3A, %eq3A_357 : i32
    %jit3A_359 = arith.constant 2048 : i32
    %select_n3A_360 = arith.select %eq3A_358, %jit3A_359, %select_n3A_356 : i32
    %eq3A_361 = arith.constant 29 : i32
    %eq3A_362 = arith.cmpi eq, %add3A, %eq3A_361 : i32
    %jit3A_363 = arith.constant 2048 : i32
    %select_n3A_364 = arith.select %eq3A_362, %jit3A_363, %select_n3A_360 : i32
    %eq3A_365 = arith.constant 30 : i32
    %eq3A_366 = arith.cmpi eq, %add3A, %eq3A_365 : i32
    %jit3A_367 = arith.constant 2048 : i32
    %select_n3A_368 = arith.select %eq3A_366, %jit3A_367, %select_n3A_364 : i32
    %eq3A_369 = arith.constant 31 : i32
    %eq3A_370 = arith.cmpi eq, %add3A, %eq3A_369 : i32
    %jit3A_371 = arith.constant 2048 : i32
    %select_n3A_372 = arith.select %eq3A_370, %jit3A_371, %select_n3A_368 : i32
    %eq3A_373 = arith.constant 1 : i32
    %eq3A_374 = arith.cmpi eq, %add3A, %eq3A_373 : i32
    %jit3A_375 = arith.constant -119808 : i32
    %jit3A_376 = arith.constant -1024 : i32
    %select_n3A_377 = arith.select %eq3A_374, %jit3A_375, %jit3A_376 : i32
    %eq3A_378 = arith.constant 2 : i32
    %eq3A_379 = arith.cmpi eq, %add3A, %eq3A_378 : i32
    %jit3A_380 = arith.constant -238592 : i32
    %select_n3A_381 = arith.select %eq3A_379, %jit3A_380, %select_n3A_377 : i32
    %eq3A_382 = arith.constant 3 : i32
    %eq3A_383 = arith.cmpi eq, %add3A, %eq3A_382 : i32
    %jit3A_384 = arith.constant -357376 : i32
    %select_n3A_385 = arith.select %eq3A_383, %jit3A_384, %select_n3A_381 : i32
    %eq3A_386 = arith.constant 4 : i32
    %eq3A_387 = arith.cmpi eq, %add3A, %eq3A_386 : i32
    %jit3A_388 = arith.constant -476160 : i32
    %select_n3A_389 = arith.select %eq3A_387, %jit3A_388, %select_n3A_385 : i32
    %eq3A_390 = arith.constant 5 : i32
    %eq3A_391 = arith.cmpi eq, %add3A, %eq3A_390 : i32
    %jit3A_392 = arith.constant -594944 : i32
    %select_n3A_393 = arith.select %eq3A_391, %jit3A_392, %select_n3A_389 : i32
    %eq3A_394 = arith.constant 6 : i32
    %eq3A_395 = arith.cmpi eq, %add3A, %eq3A_394 : i32
    %jit3A_396 = arith.constant -713728 : i32
    %select_n3A_397 = arith.select %eq3A_395, %jit3A_396, %select_n3A_393 : i32
    %eq3A_398 = arith.constant 7 : i32
    %eq3A_399 = arith.cmpi eq, %add3A, %eq3A_398 : i32
    %jit3A_400 = arith.constant -832512 : i32
    %select_n3A_401 = arith.select %eq3A_399, %jit3A_400, %select_n3A_397 : i32
    %eq3A_402 = arith.constant 8 : i32
    %eq3A_403 = arith.cmpi eq, %add3A, %eq3A_402 : i32
    %jit3A_404 = arith.constant -951296 : i32
    %select_n3A_405 = arith.select %eq3A_403, %jit3A_404, %select_n3A_401 : i32
    %eq3A_406 = arith.constant 9 : i32
    %eq3A_407 = arith.cmpi eq, %add3A, %eq3A_406 : i32
    %jit3A_408 = arith.constant -1070080 : i32
    %select_n3A_409 = arith.select %eq3A_407, %jit3A_408, %select_n3A_405 : i32
    %eq3A_410 = arith.constant 10 : i32
    %eq3A_411 = arith.cmpi eq, %add3A, %eq3A_410 : i32
    %jit3A_412 = arith.constant -1188864 : i32
    %select_n3A_413 = arith.select %eq3A_411, %jit3A_412, %select_n3A_409 : i32
    %eq3A_414 = arith.constant 11 : i32
    %eq3A_415 = arith.cmpi eq, %add3A, %eq3A_414 : i32
    %jit3A_416 = arith.constant -1307648 : i32
    %select_n3A_417 = arith.select %eq3A_415, %jit3A_416, %select_n3A_413 : i32
    %eq3A_418 = arith.constant 12 : i32
    %eq3A_419 = arith.cmpi eq, %add3A, %eq3A_418 : i32
    %jit3A_420 = arith.constant -1426432 : i32
    %select_n3A_421 = arith.select %eq3A_419, %jit3A_420, %select_n3A_417 : i32
    %eq3A_422 = arith.constant 13 : i32
    %eq3A_423 = arith.cmpi eq, %add3A, %eq3A_422 : i32
    %jit3A_424 = arith.constant -1545216 : i32
    %select_n3A_425 = arith.select %eq3A_423, %jit3A_424, %select_n3A_421 : i32
    %eq3A_426 = arith.constant 14 : i32
    %eq3A_427 = arith.cmpi eq, %add3A, %eq3A_426 : i32
    %jit3A_428 = arith.constant -1664000 : i32
    %select_n3A_429 = arith.select %eq3A_427, %jit3A_428, %select_n3A_425 : i32
    %eq3A_430 = arith.constant 15 : i32
    %eq3A_431 = arith.cmpi eq, %add3A, %eq3A_430 : i32
    %jit3A_432 = arith.constant -1782784 : i32
    %select_n3A_433 = arith.select %eq3A_431, %jit3A_432, %select_n3A_429 : i32
    %eq3A_434 = arith.constant 16 : i32
    %eq3A_435 = arith.cmpi eq, %add3A, %eq3A_434 : i32
    %jit3A_436 = arith.constant -1901568 : i32
    %select_n3A_437 = arith.select %eq3A_435, %jit3A_436, %select_n3A_433 : i32
    %eq3A_438 = arith.constant 17 : i32
    %eq3A_439 = arith.cmpi eq, %add3A, %eq3A_438 : i32
    %jit3A_440 = arith.constant -2020352 : i32
    %select_n3A_441 = arith.select %eq3A_439, %jit3A_440, %select_n3A_437 : i32
    %eq3A_442 = arith.constant 18 : i32
    %eq3A_443 = arith.cmpi eq, %add3A, %eq3A_442 : i32
    %jit3A_444 = arith.constant -2100224 : i32
    %select_n3A_445 = arith.select %eq3A_443, %jit3A_444, %select_n3A_441 : i32
    %eq3A_446 = arith.constant 19 : i32
    %eq3A_447 = arith.cmpi eq, %add3A, %eq3A_446 : i32
    %jit3A_448 = arith.constant -2219008 : i32
    %select_n3A_449 = arith.select %eq3A_447, %jit3A_448, %select_n3A_445 : i32
    %eq3A_450 = arith.constant 20 : i32
    %eq3A_451 = arith.cmpi eq, %add3A, %eq3A_450 : i32
    %jit3A_452 = arith.constant -2337792 : i32
    %select_n3A_453 = arith.select %eq3A_451, %jit3A_452, %select_n3A_449 : i32
    %eq3A_454 = arith.constant 21 : i32
    %eq3A_455 = arith.cmpi eq, %add3A, %eq3A_454 : i32
    %jit3A_456 = arith.constant -2456576 : i32
    %select_n3A_457 = arith.select %eq3A_455, %jit3A_456, %select_n3A_453 : i32
    %eq3A_458 = arith.constant 22 : i32
    %eq3A_459 = arith.cmpi eq, %add3A, %eq3A_458 : i32
    %jit3A_460 = arith.constant -2575360 : i32
    %select_n3A_461 = arith.select %eq3A_459, %jit3A_460, %select_n3A_457 : i32
    %eq3A_462 = arith.constant 23 : i32
    %eq3A_463 = arith.cmpi eq, %add3A, %eq3A_462 : i32
    %jit3A_464 = arith.constant -2694144 : i32
    %select_n3A_465 = arith.select %eq3A_463, %jit3A_464, %select_n3A_461 : i32
    %eq3A_466 = arith.constant 24 : i32
    %eq3A_467 = arith.cmpi eq, %add3A, %eq3A_466 : i32
    %jit3A_468 = arith.constant -2812928 : i32
    %select_n3A_469 = arith.select %eq3A_467, %jit3A_468, %select_n3A_465 : i32
    %eq3A_470 = arith.constant 25 : i32
    %eq3A_471 = arith.cmpi eq, %add3A, %eq3A_470 : i32
    %jit3A_472 = arith.constant -2931712 : i32
    %select_n3A_473 = arith.select %eq3A_471, %jit3A_472, %select_n3A_469 : i32
    %eq3A_474 = arith.constant 26 : i32
    %eq3A_475 = arith.cmpi eq, %add3A, %eq3A_474 : i32
    %jit3A_476 = arith.constant -3050496 : i32
    %select_n3A_477 = arith.select %eq3A_475, %jit3A_476, %select_n3A_473 : i32
    %eq3A_478 = arith.constant 27 : i32
    %eq3A_479 = arith.cmpi eq, %add3A, %eq3A_478 : i32
    %jit3A_480 = arith.constant -3169280 : i32
    %select_n3A_481 = arith.select %eq3A_479, %jit3A_480, %select_n3A_477 : i32
    %eq3A_482 = arith.constant 28 : i32
    %eq3A_483 = arith.cmpi eq, %add3A, %eq3A_482 : i32
    %jit3A_484 = arith.constant -3288064 : i32
    %select_n3A_485 = arith.select %eq3A_483, %jit3A_484, %select_n3A_481 : i32
    %eq3A_486 = arith.constant 29 : i32
    %eq3A_487 = arith.cmpi eq, %add3A, %eq3A_486 : i32
    %jit3A_488 = arith.constant -3406848 : i32
    %select_n3A_489 = arith.select %eq3A_487, %jit3A_488, %select_n3A_485 : i32
    %eq3A_490 = arith.constant 30 : i32
    %eq3A_491 = arith.cmpi eq, %add3A, %eq3A_490 : i32
    %jit3A_492 = arith.constant -3525632 : i32
    %select_n3A_493 = arith.select %eq3A_491, %jit3A_492, %select_n3A_489 : i32
    %eq3A_494 = arith.constant 31 : i32
    %eq3A_495 = arith.cmpi eq, %add3A, %eq3A_494 : i32
    %jit3A_496 = arith.constant -3644416 : i32
    %select_n3A_497 = arith.select %eq3A_495, %jit3A_496, %select_n3A_493 : i32
    %eq3A_498 = arith.constant 1 : i32
    %eq3A_499 = arith.cmpi eq, %add3A, %eq3A_498 : i32
    %jit3A_500 = arith.constant 118784 : i32
    %jit3A_501 = arith.constant 118784 : i32
    %select_n3A_502 = arith.select %eq3A_499, %jit3A_500, %jit3A_501 : i32
    %eq3A_503 = arith.constant 2 : i32
    %eq3A_504 = arith.cmpi eq, %add3A, %eq3A_503 : i32
    %jit3A_505 = arith.constant 118784 : i32
    %select_n3A_506 = arith.select %eq3A_504, %jit3A_505, %select_n3A_502 : i32
    %eq3A_507 = arith.constant 3 : i32
    %eq3A_508 = arith.cmpi eq, %add3A, %eq3A_507 : i32
    %jit3A_509 = arith.constant 118784 : i32
    %select_n3A_510 = arith.select %eq3A_508, %jit3A_509, %select_n3A_506 : i32
    %eq3A_511 = arith.constant 4 : i32
    %eq3A_512 = arith.cmpi eq, %add3A, %eq3A_511 : i32
    %jit3A_513 = arith.constant 118784 : i32
    %select_n3A_514 = arith.select %eq3A_512, %jit3A_513, %select_n3A_510 : i32
    %eq3A_515 = arith.constant 5 : i32
    %eq3A_516 = arith.cmpi eq, %add3A, %eq3A_515 : i32
    %jit3A_517 = arith.constant 118784 : i32
    %select_n3A_518 = arith.select %eq3A_516, %jit3A_517, %select_n3A_514 : i32
    %eq3A_519 = arith.constant 6 : i32
    %eq3A_520 = arith.cmpi eq, %add3A, %eq3A_519 : i32
    %jit3A_521 = arith.constant 118784 : i32
    %select_n3A_522 = arith.select %eq3A_520, %jit3A_521, %select_n3A_518 : i32
    %eq3A_523 = arith.constant 7 : i32
    %eq3A_524 = arith.cmpi eq, %add3A, %eq3A_523 : i32
    %jit3A_525 = arith.constant 118784 : i32
    %select_n3A_526 = arith.select %eq3A_524, %jit3A_525, %select_n3A_522 : i32
    %eq3A_527 = arith.constant 8 : i32
    %eq3A_528 = arith.cmpi eq, %add3A, %eq3A_527 : i32
    %jit3A_529 = arith.constant 118784 : i32
    %select_n3A_530 = arith.select %eq3A_528, %jit3A_529, %select_n3A_526 : i32
    %eq3A_531 = arith.constant 9 : i32
    %eq3A_532 = arith.cmpi eq, %add3A, %eq3A_531 : i32
    %jit3A_533 = arith.constant 118784 : i32
    %select_n3A_534 = arith.select %eq3A_532, %jit3A_533, %select_n3A_530 : i32
    %eq3A_535 = arith.constant 10 : i32
    %eq3A_536 = arith.cmpi eq, %add3A, %eq3A_535 : i32
    %jit3A_537 = arith.constant 118784 : i32
    %select_n3A_538 = arith.select %eq3A_536, %jit3A_537, %select_n3A_534 : i32
    %eq3A_539 = arith.constant 11 : i32
    %eq3A_540 = arith.cmpi eq, %add3A, %eq3A_539 : i32
    %jit3A_541 = arith.constant 118784 : i32
    %select_n3A_542 = arith.select %eq3A_540, %jit3A_541, %select_n3A_538 : i32
    %eq3A_543 = arith.constant 12 : i32
    %eq3A_544 = arith.cmpi eq, %add3A, %eq3A_543 : i32
    %jit3A_545 = arith.constant 118784 : i32
    %select_n3A_546 = arith.select %eq3A_544, %jit3A_545, %select_n3A_542 : i32
    %eq3A_547 = arith.constant 13 : i32
    %eq3A_548 = arith.cmpi eq, %add3A, %eq3A_547 : i32
    %jit3A_549 = arith.constant 118784 : i32
    %select_n3A_550 = arith.select %eq3A_548, %jit3A_549, %select_n3A_546 : i32
    %eq3A_551 = arith.constant 14 : i32
    %eq3A_552 = arith.cmpi eq, %add3A, %eq3A_551 : i32
    %jit3A_553 = arith.constant 118784 : i32
    %select_n3A_554 = arith.select %eq3A_552, %jit3A_553, %select_n3A_550 : i32
    %eq3A_555 = arith.constant 15 : i32
    %eq3A_556 = arith.cmpi eq, %add3A, %eq3A_555 : i32
    %jit3A_557 = arith.constant 118784 : i32
    %select_n3A_558 = arith.select %eq3A_556, %jit3A_557, %select_n3A_554 : i32
    %eq3A_559 = arith.constant 16 : i32
    %eq3A_560 = arith.cmpi eq, %add3A, %eq3A_559 : i32
    %jit3A_561 = arith.constant 118784 : i32
    %select_n3A_562 = arith.select %eq3A_560, %jit3A_561, %select_n3A_558 : i32
    %eq3A_563 = arith.constant 17 : i32
    %eq3A_564 = arith.cmpi eq, %add3A, %eq3A_563 : i32
    %jit3A_565 = arith.constant 77824 : i32
    %select_n3A_566 = arith.select %eq3A_564, %jit3A_565, %select_n3A_562 : i32
    %eq3A_567 = arith.constant 18 : i32
    %eq3A_568 = arith.cmpi eq, %add3A, %eq3A_567 : i32
    %jit3A_569 = arith.constant 118784 : i32
    %select_n3A_570 = arith.select %eq3A_568, %jit3A_569, %select_n3A_566 : i32
    %eq3A_571 = arith.constant 19 : i32
    %eq3A_572 = arith.cmpi eq, %add3A, %eq3A_571 : i32
    %jit3A_573 = arith.constant 118784 : i32
    %select_n3A_574 = arith.select %eq3A_572, %jit3A_573, %select_n3A_570 : i32
    %eq3A_575 = arith.constant 20 : i32
    %eq3A_576 = arith.cmpi eq, %add3A, %eq3A_575 : i32
    %jit3A_577 = arith.constant 118784 : i32
    %select_n3A_578 = arith.select %eq3A_576, %jit3A_577, %select_n3A_574 : i32
    %eq3A_579 = arith.constant 21 : i32
    %eq3A_580 = arith.cmpi eq, %add3A, %eq3A_579 : i32
    %jit3A_581 = arith.constant 118784 : i32
    %select_n3A_582 = arith.select %eq3A_580, %jit3A_581, %select_n3A_578 : i32
    %eq3A_583 = arith.constant 22 : i32
    %eq3A_584 = arith.cmpi eq, %add3A, %eq3A_583 : i32
    %jit3A_585 = arith.constant 118784 : i32
    %select_n3A_586 = arith.select %eq3A_584, %jit3A_585, %select_n3A_582 : i32
    %eq3A_587 = arith.constant 23 : i32
    %eq3A_588 = arith.cmpi eq, %add3A, %eq3A_587 : i32
    %jit3A_589 = arith.constant 118784 : i32
    %select_n3A_590 = arith.select %eq3A_588, %jit3A_589, %select_n3A_586 : i32
    %eq3A_591 = arith.constant 24 : i32
    %eq3A_592 = arith.cmpi eq, %add3A, %eq3A_591 : i32
    %jit3A_593 = arith.constant 118784 : i32
    %select_n3A_594 = arith.select %eq3A_592, %jit3A_593, %select_n3A_590 : i32
    %eq3A_595 = arith.constant 25 : i32
    %eq3A_596 = arith.cmpi eq, %add3A, %eq3A_595 : i32
    %jit3A_597 = arith.constant 118784 : i32
    %select_n3A_598 = arith.select %eq3A_596, %jit3A_597, %select_n3A_594 : i32
    %eq3A_599 = arith.constant 26 : i32
    %eq3A_600 = arith.cmpi eq, %add3A, %eq3A_599 : i32
    %jit3A_601 = arith.constant 118784 : i32
    %select_n3A_602 = arith.select %eq3A_600, %jit3A_601, %select_n3A_598 : i32
    %eq3A_603 = arith.constant 27 : i32
    %eq3A_604 = arith.cmpi eq, %add3A, %eq3A_603 : i32
    %jit3A_605 = arith.constant 118784 : i32
    %select_n3A_606 = arith.select %eq3A_604, %jit3A_605, %select_n3A_602 : i32
    %eq3A_607 = arith.constant 28 : i32
    %eq3A_608 = arith.cmpi eq, %add3A, %eq3A_607 : i32
    %jit3A_609 = arith.constant 118784 : i32
    %select_n3A_610 = arith.select %eq3A_608, %jit3A_609, %select_n3A_606 : i32
    %eq3A_611 = arith.constant 29 : i32
    %eq3A_612 = arith.cmpi eq, %add3A, %eq3A_611 : i32
    %jit3A_613 = arith.constant 118784 : i32
    %select_n3A_614 = arith.select %eq3A_612, %jit3A_613, %select_n3A_610 : i32
    %eq3A_615 = arith.constant 30 : i32
    %eq3A_616 = arith.cmpi eq, %add3A, %eq3A_615 : i32
    %jit3A_617 = arith.constant 118784 : i32
    %select_n3A_618 = arith.select %eq3A_616, %jit3A_617, %select_n3A_614 : i32
    %eq3A_619 = arith.constant 31 : i32
    %eq3A_620 = arith.cmpi eq, %add3A, %eq3A_619 : i32
    %jit3A_621 = arith.constant 118784 : i32
    %select_n3A_622 = arith.select %eq3A_620, %jit3A_621, %select_n3A_618 : i32
    %eq3A_623 = arith.constant 1 : i32
    %eq3A_624 = arith.cmpi eq, %add3A, %eq3A_623 : i32
    %jit3A_625 = arith.constant 0 : i32
    %jit3A_626 = arith.constant 0 : i32
    %select_n3A_627 = arith.select %eq3A_624, %jit3A_625, %jit3A_626 : i32
    %eq3A_628 = arith.constant 2 : i32
    %eq3A_629 = arith.cmpi eq, %add3A, %eq3A_628 : i32
    %jit3A_630 = arith.constant 0 : i32
    %select_n3A_631 = arith.select %eq3A_629, %jit3A_630, %select_n3A_627 : i32
    %eq3A_632 = arith.constant 3 : i32
    %eq3A_633 = arith.cmpi eq, %add3A, %eq3A_632 : i32
    %jit3A_634 = arith.constant 0 : i32
    %select_n3A_635 = arith.select %eq3A_633, %jit3A_634, %select_n3A_631 : i32
    %eq3A_636 = arith.constant 4 : i32
    %eq3A_637 = arith.cmpi eq, %add3A, %eq3A_636 : i32
    %jit3A_638 = arith.constant 0 : i32
    %select_n3A_639 = arith.select %eq3A_637, %jit3A_638, %select_n3A_635 : i32
    %eq3A_640 = arith.constant 5 : i32
    %eq3A_641 = arith.cmpi eq, %add3A, %eq3A_640 : i32
    %jit3A_642 = arith.constant 0 : i32
    %select_n3A_643 = arith.select %eq3A_641, %jit3A_642, %select_n3A_639 : i32
    %eq3A_644 = arith.constant 6 : i32
    %eq3A_645 = arith.cmpi eq, %add3A, %eq3A_644 : i32
    %jit3A_646 = arith.constant 0 : i32
    %select_n3A_647 = arith.select %eq3A_645, %jit3A_646, %select_n3A_643 : i32
    %eq3A_648 = arith.constant 7 : i32
    %eq3A_649 = arith.cmpi eq, %add3A, %eq3A_648 : i32
    %jit3A_650 = arith.constant 0 : i32
    %select_n3A_651 = arith.select %eq3A_649, %jit3A_650, %select_n3A_647 : i32
    %eq3A_652 = arith.constant 8 : i32
    %eq3A_653 = arith.cmpi eq, %add3A, %eq3A_652 : i32
    %jit3A_654 = arith.constant 0 : i32
    %select_n3A_655 = arith.select %eq3A_653, %jit3A_654, %select_n3A_651 : i32
    %eq3A_656 = arith.constant 9 : i32
    %eq3A_657 = arith.cmpi eq, %add3A, %eq3A_656 : i32
    %jit3A_658 = arith.constant 0 : i32
    %select_n3A_659 = arith.select %eq3A_657, %jit3A_658, %select_n3A_655 : i32
    %eq3A_660 = arith.constant 10 : i32
    %eq3A_661 = arith.cmpi eq, %add3A, %eq3A_660 : i32
    %jit3A_662 = arith.constant 0 : i32
    %select_n3A_663 = arith.select %eq3A_661, %jit3A_662, %select_n3A_659 : i32
    %eq3A_664 = arith.constant 11 : i32
    %eq3A_665 = arith.cmpi eq, %add3A, %eq3A_664 : i32
    %jit3A_666 = arith.constant 0 : i32
    %select_n3A_667 = arith.select %eq3A_665, %jit3A_666, %select_n3A_663 : i32
    %eq3A_668 = arith.constant 12 : i32
    %eq3A_669 = arith.cmpi eq, %add3A, %eq3A_668 : i32
    %jit3A_670 = arith.constant 0 : i32
    %select_n3A_671 = arith.select %eq3A_669, %jit3A_670, %select_n3A_667 : i32
    %eq3A_672 = arith.constant 13 : i32
    %eq3A_673 = arith.cmpi eq, %add3A, %eq3A_672 : i32
    %jit3A_674 = arith.constant 0 : i32
    %select_n3A_675 = arith.select %eq3A_673, %jit3A_674, %select_n3A_671 : i32
    %eq3A_676 = arith.constant 14 : i32
    %eq3A_677 = arith.cmpi eq, %add3A, %eq3A_676 : i32
    %jit3A_678 = arith.constant 0 : i32
    %select_n3A_679 = arith.select %eq3A_677, %jit3A_678, %select_n3A_675 : i32
    %eq3A_680 = arith.constant 15 : i32
    %eq3A_681 = arith.cmpi eq, %add3A, %eq3A_680 : i32
    %jit3A_682 = arith.constant 0 : i32
    %select_n3A_683 = arith.select %eq3A_681, %jit3A_682, %select_n3A_679 : i32
    %eq3A_684 = arith.constant 16 : i32
    %eq3A_685 = arith.cmpi eq, %add3A, %eq3A_684 : i32
    %jit3A_686 = arith.constant 0 : i32
    %select_n3A_687 = arith.select %eq3A_685, %jit3A_686, %select_n3A_683 : i32
    %eq3A_688 = arith.constant 17 : i32
    %eq3A_689 = arith.cmpi eq, %add3A, %eq3A_688 : i32
    %jit3A_690 = arith.constant 0 : i32
    %select_n3A_691 = arith.select %eq3A_689, %jit3A_690, %select_n3A_687 : i32
    %eq3A_692 = arith.constant 18 : i32
    %eq3A_693 = arith.cmpi eq, %add3A, %eq3A_692 : i32
    %jit3A_694 = arith.constant 1 : i32
    %select_n3A_695 = arith.select %eq3A_693, %jit3A_694, %select_n3A_691 : i32
    %eq3A_696 = arith.constant 19 : i32
    %eq3A_697 = arith.cmpi eq, %add3A, %eq3A_696 : i32
    %jit3A_698 = arith.constant 1 : i32
    %select_n3A_699 = arith.select %eq3A_697, %jit3A_698, %select_n3A_695 : i32
    %eq3A_700 = arith.constant 20 : i32
    %eq3A_701 = arith.cmpi eq, %add3A, %eq3A_700 : i32
    %jit3A_702 = arith.constant 1 : i32
    %select_n3A_703 = arith.select %eq3A_701, %jit3A_702, %select_n3A_699 : i32
    %eq3A_704 = arith.constant 21 : i32
    %eq3A_705 = arith.cmpi eq, %add3A, %eq3A_704 : i32
    %jit3A_706 = arith.constant 1 : i32
    %select_n3A_707 = arith.select %eq3A_705, %jit3A_706, %select_n3A_703 : i32
    %eq3A_708 = arith.constant 22 : i32
    %eq3A_709 = arith.cmpi eq, %add3A, %eq3A_708 : i32
    %jit3A_710 = arith.constant 1 : i32
    %select_n3A_711 = arith.select %eq3A_709, %jit3A_710, %select_n3A_707 : i32
    %eq3A_712 = arith.constant 23 : i32
    %eq3A_713 = arith.cmpi eq, %add3A, %eq3A_712 : i32
    %jit3A_714 = arith.constant 1 : i32
    %select_n3A_715 = arith.select %eq3A_713, %jit3A_714, %select_n3A_711 : i32
    %eq3A_716 = arith.constant 24 : i32
    %eq3A_717 = arith.cmpi eq, %add3A, %eq3A_716 : i32
    %jit3A_718 = arith.constant 1 : i32
    %select_n3A_719 = arith.select %eq3A_717, %jit3A_718, %select_n3A_715 : i32
    %eq3A_720 = arith.constant 25 : i32
    %eq3A_721 = arith.cmpi eq, %add3A, %eq3A_720 : i32
    %jit3A_722 = arith.constant 1 : i32
    %select_n3A_723 = arith.select %eq3A_721, %jit3A_722, %select_n3A_719 : i32
    %eq3A_724 = arith.constant 26 : i32
    %eq3A_725 = arith.cmpi eq, %add3A, %eq3A_724 : i32
    %jit3A_726 = arith.constant 1 : i32
    %select_n3A_727 = arith.select %eq3A_725, %jit3A_726, %select_n3A_723 : i32
    %eq3A_728 = arith.constant 27 : i32
    %eq3A_729 = arith.cmpi eq, %add3A, %eq3A_728 : i32
    %jit3A_730 = arith.constant 1 : i32
    %select_n3A_731 = arith.select %eq3A_729, %jit3A_730, %select_n3A_727 : i32
    %eq3A_732 = arith.constant 28 : i32
    %eq3A_733 = arith.cmpi eq, %add3A, %eq3A_732 : i32
    %jit3A_734 = arith.constant 1 : i32
    %select_n3A_735 = arith.select %eq3A_733, %jit3A_734, %select_n3A_731 : i32
    %eq3A_736 = arith.constant 29 : i32
    %eq3A_737 = arith.cmpi eq, %add3A, %eq3A_736 : i32
    %jit3A_738 = arith.constant 1 : i32
    %select_n3A_739 = arith.select %eq3A_737, %jit3A_738, %select_n3A_735 : i32
    %eq3A_740 = arith.constant 30 : i32
    %eq3A_741 = arith.cmpi eq, %add3A, %eq3A_740 : i32
    %jit3A_742 = arith.constant 1 : i32
    %select_n3A_743 = arith.select %eq3A_741, %jit3A_742, %select_n3A_739 : i32
    %eq3A_744 = arith.constant 31 : i32
    %eq3A_745 = arith.cmpi eq, %add3A, %eq3A_744 : i32
    %jit3A_746 = arith.constant 1 : i32
    %select_n3A_747 = arith.select %eq3A_745, %jit3A_746, %select_n3A_743 : i32
    %eq3A_748 = arith.constant 1 : i32
    %eq3A_749 = arith.cmpi eq, %add3A, %eq3A_748 : i32
    %jit3A_750 = arith.constant 118784 : i32
    %jit3A_751 = arith.constant 0 : i32
    %select_n3A_752 = arith.select %eq3A_749, %jit3A_750, %jit3A_751 : i32
    %eq3A_753 = arith.constant 2 : i32
    %eq3A_754 = arith.cmpi eq, %add3A, %eq3A_753 : i32
    %jit3A_755 = arith.constant 237568 : i32
    %select_n3A_756 = arith.select %eq3A_754, %jit3A_755, %select_n3A_752 : i32
    %eq3A_757 = arith.constant 3 : i32
    %eq3A_758 = arith.cmpi eq, %add3A, %eq3A_757 : i32
    %jit3A_759 = arith.constant 356352 : i32
    %select_n3A_760 = arith.select %eq3A_758, %jit3A_759, %select_n3A_756 : i32
    %eq3A_761 = arith.constant 4 : i32
    %eq3A_762 = arith.cmpi eq, %add3A, %eq3A_761 : i32
    %jit3A_763 = arith.constant 475136 : i32
    %select_n3A_764 = arith.select %eq3A_762, %jit3A_763, %select_n3A_760 : i32
    %eq3A_765 = arith.constant 5 : i32
    %eq3A_766 = arith.cmpi eq, %add3A, %eq3A_765 : i32
    %jit3A_767 = arith.constant 593920 : i32
    %select_n3A_768 = arith.select %eq3A_766, %jit3A_767, %select_n3A_764 : i32
    %eq3A_769 = arith.constant 6 : i32
    %eq3A_770 = arith.cmpi eq, %add3A, %eq3A_769 : i32
    %jit3A_771 = arith.constant 712704 : i32
    %select_n3A_772 = arith.select %eq3A_770, %jit3A_771, %select_n3A_768 : i32
    %eq3A_773 = arith.constant 7 : i32
    %eq3A_774 = arith.cmpi eq, %add3A, %eq3A_773 : i32
    %jit3A_775 = arith.constant 831488 : i32
    %select_n3A_776 = arith.select %eq3A_774, %jit3A_775, %select_n3A_772 : i32
    %eq3A_777 = arith.constant 8 : i32
    %eq3A_778 = arith.cmpi eq, %add3A, %eq3A_777 : i32
    %jit3A_779 = arith.constant 950272 : i32
    %select_n3A_780 = arith.select %eq3A_778, %jit3A_779, %select_n3A_776 : i32
    %eq3A_781 = arith.constant 9 : i32
    %eq3A_782 = arith.cmpi eq, %add3A, %eq3A_781 : i32
    %jit3A_783 = arith.constant 1069056 : i32
    %select_n3A_784 = arith.select %eq3A_782, %jit3A_783, %select_n3A_780 : i32
    %eq3A_785 = arith.constant 10 : i32
    %eq3A_786 = arith.cmpi eq, %add3A, %eq3A_785 : i32
    %jit3A_787 = arith.constant 1187840 : i32
    %select_n3A_788 = arith.select %eq3A_786, %jit3A_787, %select_n3A_784 : i32
    %eq3A_789 = arith.constant 11 : i32
    %eq3A_790 = arith.cmpi eq, %add3A, %eq3A_789 : i32
    %jit3A_791 = arith.constant 1306624 : i32
    %select_n3A_792 = arith.select %eq3A_790, %jit3A_791, %select_n3A_788 : i32
    %eq3A_793 = arith.constant 12 : i32
    %eq3A_794 = arith.cmpi eq, %add3A, %eq3A_793 : i32
    %jit3A_795 = arith.constant 1425408 : i32
    %select_n3A_796 = arith.select %eq3A_794, %jit3A_795, %select_n3A_792 : i32
    %eq3A_797 = arith.constant 13 : i32
    %eq3A_798 = arith.cmpi eq, %add3A, %eq3A_797 : i32
    %jit3A_799 = arith.constant 1544192 : i32
    %select_n3A_800 = arith.select %eq3A_798, %jit3A_799, %select_n3A_796 : i32
    %eq3A_801 = arith.constant 14 : i32
    %eq3A_802 = arith.cmpi eq, %add3A, %eq3A_801 : i32
    %jit3A_803 = arith.constant 1662976 : i32
    %select_n3A_804 = arith.select %eq3A_802, %jit3A_803, %select_n3A_800 : i32
    %eq3A_805 = arith.constant 15 : i32
    %eq3A_806 = arith.cmpi eq, %add3A, %eq3A_805 : i32
    %jit3A_807 = arith.constant 1781760 : i32
    %select_n3A_808 = arith.select %eq3A_806, %jit3A_807, %select_n3A_804 : i32
    %eq3A_809 = arith.constant 16 : i32
    %eq3A_810 = arith.cmpi eq, %add3A, %eq3A_809 : i32
    %jit3A_811 = arith.constant 1900544 : i32
    %select_n3A_812 = arith.select %eq3A_810, %jit3A_811, %select_n3A_808 : i32
    %eq3A_813 = arith.constant 17 : i32
    %eq3A_814 = arith.cmpi eq, %add3A, %eq3A_813 : i32
    %jit3A_815 = arith.constant 2019328 : i32
    %select_n3A_816 = arith.select %eq3A_814, %jit3A_815, %select_n3A_812 : i32
    %eq3A_817 = arith.constant 18 : i32
    %eq3A_818 = arith.cmpi eq, %add3A, %eq3A_817 : i32
    %jit3A_819 = arith.constant 0 : i32
    %select_n3A_820 = arith.select %eq3A_818, %jit3A_819, %select_n3A_816 : i32
    %eq3A_821 = arith.constant 19 : i32
    %eq3A_822 = arith.cmpi eq, %add3A, %eq3A_821 : i32
    %jit3A_823 = arith.constant 118784 : i32
    %select_n3A_824 = arith.select %eq3A_822, %jit3A_823, %select_n3A_820 : i32
    %eq3A_825 = arith.constant 20 : i32
    %eq3A_826 = arith.cmpi eq, %add3A, %eq3A_825 : i32
    %jit3A_827 = arith.constant 237568 : i32
    %select_n3A_828 = arith.select %eq3A_826, %jit3A_827, %select_n3A_824 : i32
    %eq3A_829 = arith.constant 21 : i32
    %eq3A_830 = arith.cmpi eq, %add3A, %eq3A_829 : i32
    %jit3A_831 = arith.constant 356352 : i32
    %select_n3A_832 = arith.select %eq3A_830, %jit3A_831, %select_n3A_828 : i32
    %eq3A_833 = arith.constant 22 : i32
    %eq3A_834 = arith.cmpi eq, %add3A, %eq3A_833 : i32
    %jit3A_835 = arith.constant 475136 : i32
    %select_n3A_836 = arith.select %eq3A_834, %jit3A_835, %select_n3A_832 : i32
    %eq3A_837 = arith.constant 23 : i32
    %eq3A_838 = arith.cmpi eq, %add3A, %eq3A_837 : i32
    %jit3A_839 = arith.constant 593920 : i32
    %select_n3A_840 = arith.select %eq3A_838, %jit3A_839, %select_n3A_836 : i32
    %eq3A_841 = arith.constant 24 : i32
    %eq3A_842 = arith.cmpi eq, %add3A, %eq3A_841 : i32
    %jit3A_843 = arith.constant 712704 : i32
    %select_n3A_844 = arith.select %eq3A_842, %jit3A_843, %select_n3A_840 : i32
    %eq3A_845 = arith.constant 25 : i32
    %eq3A_846 = arith.cmpi eq, %add3A, %eq3A_845 : i32
    %jit3A_847 = arith.constant 831488 : i32
    %select_n3A_848 = arith.select %eq3A_846, %jit3A_847, %select_n3A_844 : i32
    %eq3A_849 = arith.constant 26 : i32
    %eq3A_850 = arith.cmpi eq, %add3A, %eq3A_849 : i32
    %jit3A_851 = arith.constant 950272 : i32
    %select_n3A_852 = arith.select %eq3A_850, %jit3A_851, %select_n3A_848 : i32
    %eq3A_853 = arith.constant 27 : i32
    %eq3A_854 = arith.cmpi eq, %add3A, %eq3A_853 : i32
    %jit3A_855 = arith.constant 1069056 : i32
    %select_n3A_856 = arith.select %eq3A_854, %jit3A_855, %select_n3A_852 : i32
    %eq3A_857 = arith.constant 28 : i32
    %eq3A_858 = arith.cmpi eq, %add3A, %eq3A_857 : i32
    %jit3A_859 = arith.constant 1187840 : i32
    %select_n3A_860 = arith.select %eq3A_858, %jit3A_859, %select_n3A_856 : i32
    %eq3A_861 = arith.constant 29 : i32
    %eq3A_862 = arith.cmpi eq, %add3A, %eq3A_861 : i32
    %jit3A_863 = arith.constant 1306624 : i32
    %select_n3A_864 = arith.select %eq3A_862, %jit3A_863, %select_n3A_860 : i32
    %eq3A_865 = arith.constant 30 : i32
    %eq3A_866 = arith.cmpi eq, %add3A, %eq3A_865 : i32
    %jit3A_867 = arith.constant 1425408 : i32
    %select_n3A_868 = arith.select %eq3A_866, %jit3A_867, %select_n3A_864 : i32
    %eq3A_869 = arith.constant 31 : i32
    %eq3A_870 = arith.cmpi eq, %add3A, %eq3A_869 : i32
    %jit3A_871 = arith.constant 1544192 : i32
    %select_n3A_872 = arith.select %eq3A_870, %jit3A_871, %select_n3A_868 : i32
    %scan3A = arith.constant 0 : i32
    %scan3A_873 = arith.constant 7424 : i32
    %scan3A_874 = arith.addi %scan3A, %scan3A_873 : i32
    %scan3A_875 = arith.constant 8 : i32
    scf.for %scan3A_1819 = %scan3A to %scan3A_874 step %scan3A_875  : i32 {
      %mul3A_1820 = arith.constant 1 : i32
      %mul3A_1821 = arith.muli %scan3A_1819, %mul3A_1820 : i32
      %add3A_1822 = arith.constant 0 : i32
      %add3A_1823 = arith.addi %add3A_1822, %mul3A_1821 : i32
      %broadcast_in_dim3A = arith.constant 0.000000e+00 : f32
      %broadcast_in_dim3A_1824 = vector.broadcast %broadcast_in_dim3A : f32 to vector<16xf32>
      %mul3A_1825 = arith.constant 16 : i32
      %mul3A_1826 = arith.muli %add3A_1823, %mul3A_1825 : i32
      %swap3A = arith.index_cast %mul3A_1826 : i32 to index
      %swap3A_1827 = tpu.vector_load %arg6[%swap3A] {strides = array<i32>} : memref<118784xf32, #tpu.memory_space<vmem>>, vector<16xf32>,
      tpu.vector_store %arg6[%swap3A], %broadcast_in_dim3A_1824 {strides = array<i32>} : memref<118784xf32, #tpu.memory_space<vmem>>, vector<16xf32>,
      %scan3A_1828 = arith.constant 1 : i32
      %scan3A_1829 = arith.addi %scan3A_1819, %scan3A_1828 : i32
      %mul3A_1830 = arith.constant 1 : i32
      %mul3A_1831 = arith.muli %scan3A_1829, %mul3A_1830 : i32
      %add3A_1832 = arith.constant 0 : i32
      %add3A_1833 = arith.addi %add3A_1832, %mul3A_1831 : i32
      %broadcast_in_dim3A_1834 = arith.constant 0.000000e+00 : f32
      %broadcast_in_dim3A_1835 = vector.broadcast %broadcast_in_dim3A_1834 : f32 to vector<16xf32>
      %mul3A_1836 = arith.constant 16 : i32
      %mul3A_1837 = arith.muli %add3A_1833, %mul3A_1836 : i32
      %swap3A_1838 = arith.index_cast %mul3A_1837 : i32 to index
      %swap3A_1839 = tpu.vector_load %arg6[%swap3A_1838] {strides = array<i32>} : memref<118784xf32, #tpu.memory_space<vmem>>, vector<16xf32>,
      tpu.vector_store %arg6[%swap3A_1838], %broadcast_in_dim3A_1835 {strides = array<i32>} : memref<118784xf32, #tpu.memory_space<vmem>>, vector<16xf32>,
      %scan3A_1840 = arith.constant 2 : i32
      %scan3A_1841 = arith.addi %scan3A_1819, %scan3A_1840 : i32
      %mul3A_1842 = arith.constant 1 : i32
      %mul3A_1843 = arith.muli %scan3A_1841, %mul3A_1842 : i32
      %add3A_1844 = arith.constant 0 : i32
      %add3A_1845 = arith.addi %add3A_1844, %mul3A_1843 : i32
      %broadcast_in_dim3A_1846 = arith.constant 0.000000e+00 : f32
      %broadcast_in_dim3A_1847 = vector.broadcast %broadcast_in_dim3A_1846 : f32 to vector<16xf32>
      %mul3A_1848 = arith.constant 16 : i32
      %mul3A_1849 = arith.muli %add3A_1845, %mul3A_1848 : i32
      %swap3A_1850 = arith.index_cast %mul3A_1849 : i32 to index
      %swap3A_1851 = tpu.vector_load %arg6[%swap3A_1850] {strides = array<i32>} : memref<118784xf32, #tpu.memory_space<vmem>>, vector<16xf32>,
      tpu.vector_store %arg6[%swap3A_1850], %broadcast_in_dim3A_1847 {strides = array<i32>} : memref<118784xf32, #tpu.memory_space<vmem>>, vector<16xf32>,
      %scan3A_1852 = arith.constant 3 : i32
      %scan3A_1853 = arith.addi %scan3A_1819, %scan3A_1852 : i32
      %mul3A_1854 = arith.constant 1 : i32
      %mul3A_1855 = arith.muli %scan3A_1853, %mul3A_1854 : i32
      %add3A_1856 = arith.constant 0 : i32
      %add3A_1857 = arith.addi %add3A_1856, %mul3A_1855 : i32
      %broadcast_in_dim3A_1858 = arith.constant 0.000000e+00 : f32
      %broadcast_in_dim3A_1859 = vector.broadcast %broadcast_in_dim3A_1858 : f32 to vector<16xf32>
      %mul3A_1860 = arith.constant 16 : i32
      %mul3A_1861 = arith.muli %add3A_1857, %mul3A_1860 : i32
      %swap3A_1862 = arith.index_cast %mul3A_1861 : i32 to index
      %swap3A_1863 = tpu.vector_load %arg6[%swap3A_1862] {strides = array<i32>} : memref<118784xf32, #tpu.memory_space<vmem>>, vector<16xf32>,
      tpu.vector_store %arg6[%swap3A_1862], %broadcast_in_dim3A_1859 {strides = array<i32>} : memref<118784xf32, #tpu.memory_space<vmem>>, vector<16xf32>,
      %scan3A_1864 = arith.constant 4 : i32
      %scan3A_1865 = arith.addi %scan3A_1819, %scan3A_1864 : i32
      %mul3A_1866 = arith.constant 1 : i32
      %mul3A_1867 = arith.muli %scan3A_1865, %mul3A_1866 : i32
      %add3A_1868 = arith.constant 0 : i32
      %add3A_1869 = arith.addi %add3A_1868, %mul3A_1867 : i32
      %broadcast_in_dim3A_1870 = arith.constant 0.000000e+00 : f32
      %broadcast_in_dim3A_1871 = vector.broadcast %broadcast_in_dim3A_1870 : f32 to vector<16xf32>
      %mul3A_1872 = arith.constant 16 : i32
      %mul3A_1873 = arith.muli %add3A_1869, %mul3A_1872 : i32
      %swap3A_1874 = arith.index_cast %mul3A_1873 : i32 to index
      %swap3A_1875 = tpu.vector_load %arg6[%swap3A_1874] {strides = array<i32>} : memref<118784xf32, #tpu.memory_space<vmem>>, vector<16xf32>,
      tpu.vector_store %arg6[%swap3A_1874], %broadcast_in_dim3A_1871 {strides = array<i32>} : memref<118784xf32, #tpu.memory_space<vmem>>, vector<16xf32>,
      %scan3A_1876 = arith.constant 5 : i32
      %scan3A_1877 = arith.addi %scan3A_1819, %scan3A_1876 : i32
      %mul3A_1878 = arith.constant 1 : i32
      %mul3A_1879 = arith.muli %scan3A_1877, %mul3A_1878 : i32
      %add3A_1880 = arith.constant 0 : i32
      %add3A_1881 = arith.addi %add3A_1880, %mul3A_1879 : i32
      %broadcast_in_dim3A_1882 = arith.constant 0.000000e+00 : f32
      %broadcast_in_dim3A_1883 = vector.broadcast %broadcast_in_dim3A_1882 : f32 to vector<16xf32>
      %mul3A_1884 = arith.constant 16 : i32
      %mul3A_1885 = arith.muli %add3A_1881, %mul3A_1884 : i32
      %swap3A_1886 = arith.index_cast %mul3A_1885 : i32 to index
      %swap3A_1887 = tpu.vector_load %arg6[%swap3A_1886] {strides = array<i32>} : memref<118784xf32, #tpu.memory_space<vmem>>, vector<16xf32>,
      tpu.vector_store %arg6[%swap3A_1886], %broadcast_in_dim3A_1883 {strides = array<i32>} : memref<118784xf32, #tpu.memory_space<vmem>>, vector<16xf32>,
      %scan3A_1888 = arith.constant 6 : i32
      %scan3A_1889 = arith.addi %scan3A_1819, %scan3A_1888 : i32
      %mul3A_1890 = arith.constant 1 : i32
      %mul3A_1891 = arith.muli %scan3A_1889, %mul3A_1890 : i32
      %add3A_1892 = arith.constant 0 : i32
      %add3A_1893 = arith.addi %add3A_1892, %mul3A_1891 : i32
      %broadcast_in_dim3A_1894 = arith.constant 0.000000e+00 : f32
      %broadcast_in_dim3A_1895 = vector.broadcast %broadcast_in_dim3A_1894 : f32 to vector<16xf32>
      %mul3A_1896 = arith.constant 16 : i32
      %mul3A_1897 = arith.muli %add3A_1893, %mul3A_1896 : i32
      %swap3A_1898 = arith.index_cast %mul3A_1897 : i32 to index
      %swap3A_1899 = tpu.vector_load %arg6[%swap3A_1898] {strides = array<i32>} : memref<118784xf32, #tpu.memory_space<vmem>>, vector<16xf32>,
      tpu.vector_store %arg6[%swap3A_1898], %broadcast_in_dim3A_1895 {strides = array<i32>} : memref<118784xf32, #tpu.memory_space<vmem>>, vector<16xf32>,
      %scan3A_1900 = arith.constant 7 : i32
      %scan3A_1901 = arith.addi %scan3A_1819, %scan3A_1900 : i32
      %mul3A_1902 = arith.constant 1 : i32
      %mul3A_1903 = arith.muli %scan3A_1901, %mul3A_1902 : i32
      %add3A_1904 = arith.constant 0 : i32
      %add3A_1905 = arith.addi %add3A_1904, %mul3A_1903 : i32
      %broadcast_in_dim3A_1906 = arith.constant 0.000000e+00 : f32
      %broadcast_in_dim3A_1907 = vector.broadcast %broadcast_in_dim3A_1906 : f32 to vector<16xf32>
      %mul3A_1908 = arith.constant 16 : i32
      %mul3A_1909 = arith.muli %add3A_1905, %mul3A_1908 : i32
      %swap3A_1910 = arith.index_cast %mul3A_1909 : i32 to index
      %swap3A_1911 = tpu.vector_load %arg6[%swap3A_1910] {strides = array<i32>} : memref<118784xf32, #tpu.memory_space<vmem>>, vector<16xf32>,
      tpu.vector_store %arg6[%swap3A_1910], %broadcast_in_dim3A_1907 {strides = array<i32>} : memref<118784xf32, #tpu.memory_space<vmem>>, vector<16xf32>,
    }
    %scan3A_876 = arith.constant 7424 : i32
    %gt3A = arith.constant 0 : i32
    %gt3A_877 = arith.cmpi sgt, %select_n3A_247, %gt3A : i32
    %convert_element_type3A = arith.extui %gt3A_877 : i1 to i32
    %cond3A = arith.constant 0 : i32
    %cond3A_878 = arith.cmpi ne, %convert_element_type3A, %cond3A : i32
    scf.if %cond3A_878 {
      %multiple_of3A = tpu.assume_multiple %select_n3A_122, 1024 : i32
      %dma_start3A = arith.constant 0 : i32
      %dma_start3A_1819 = tpu.memref_slice %arg2[%dma_start3A, %multiple_of3A] : memref<3x294912xi32, #tpu.memory_space<hbm>> -> memref<3x1024xi32, #tpu.memory_space<hbm>>
      %dma_start3A_1820 = arith.constant 0 : i32
      %dma_start3A_1821 = tpu.memref_slice %arg2[%dma_start3A_1820, %multiple_of3A] : memref<3x294912xi32, #tpu.memory_space<hbm>> -> memref<3x1024xi32, #tpu.memory_space<hbm>>
      tpu.enqueue_dma source(%dma_start3A_1821 : memref<3x1024xi32, #tpu.memory_space<hbm>>) target(%arg7 : memref<3x1024xi32, #tpu.memory_space<vmem>>) target_semaphore(%arg9 : memref<!tpu.dma_semaphore, #tpu.memory_space<semaphore_mem>>)
      %jit3A_1822 = arith.constant 2 : i32
      %div3A = arith.divsi %select_n3A_247, %jit3A_1822 : i32
      %sign3A = arith.constant 0 : i32
      %sign3A_1823 = arith.cmpi sgt, %select_n3A_247, %sign3A : i32
      %sign3A_1824 = arith.extui %sign3A_1823 : i1 to i32
      %sign3A_1825 = arith.constant 0 : i32
      %sign3A_1826 = arith.cmpi slt, %select_n3A_247, %sign3A_1825 : i32
      %sign3A_1827 = arith.extui %sign3A_1826 : i1 to i32
      %sign3A_1828 = arith.subi %sign3A_1824, %sign3A_1827 : i32
      %sign3A_1829 = arith.constant 0 : i32
      %sign3A_1830 = arith.cmpi sgt, %jit3A_1822, %sign3A_1829 : i32
      %sign3A_1831 = arith.extui %sign3A_1830 : i1 to i32
      %sign3A_1832 = arith.constant 0 : i32
      %sign3A_1833 = arith.cmpi slt, %jit3A_1822, %sign3A_1832 : i32
      %sign3A_1834 = arith.extui %sign3A_1833 : i1 to i32
      %sign3A_1835 = arith.subi %sign3A_1831, %sign3A_1834 : i32
      %ne3A = arith.cmpi ne, %sign3A_1828, %sign3A_1835 : i32
      %rem3A = arith.remsi %select_n3A_247, %jit3A_1822 : i32
      %ne3A_1836 = arith.constant 0 : i32
      %ne3A_1837 = arith.cmpi ne, %rem3A, %ne3A_1836 : i32
      %and3A_1838 = arith.andi %ne3A, %ne3A_1837 : i1
      %sub3A = arith.constant 1 : i32
      %sub3A_1839 = arith.subi %div3A, %sub3A : i32
      %select_n3A_1840 = arith.select %and3A_1838, %sub3A_1839, %div3A : i32
      %sub3A_1841 = arith.constant 0 : i32
      %sub3A_1842 = arith.subi %select_n3A_1840, %sub3A_1841 : i32
      %sub3A_1843 = arith.constant 1 : i32
      %sub3A_1844 = arith.constant 1 : i32
      %sub3A_1845 = arith.subi %sub3A_1843, %sub3A_1844 : i32
      %add3A_1846 = arith.addi %sub3A_1842, %sub3A_1845 : i32
      %div3A_1847 = arith.constant 1 : i32
      %div3A_1848 = arith.divsi %add3A_1846, %div3A_1847 : i32
      %while3A = arith.constant 1 : i32
      %while3A_1849 = arith.constant 0 : i32
      %while3A_1850 = arith.constant 0 : i32
      %while3A_1851 = arith.subi %div3A_1848, %while3A_1850 : i32
      %while3A_1852 = arith.addi %while3A_1850, %while3A_1851 : i32
      %while3A_1853 = arith.constant 1 : i32
      %while3A_1854 = arith.divsi %while3A_1851, %while3A_1853 : i32
      %while3A_1855 = arith.muli %while3A_1854, %while3A_1853 : i32
      %while3A_1856 = arith.addi %while3A_1850, %while3A_1855 : i32
      %while3A_1857 = arith.constant 1 : i32
      scf.for %while3A_1859 = %while3A_1850 to %while3A_1856 step %while3A_1857  : i32 {
        %mul3A_1860 = arith.muli %while3A_1859, %while3A : i32
        %add3A_1861 = arith.addi %while3A_1849, %mul3A_1860 : i32
        %mul3A_1862 = arith.constant 2 : i32
        %mul3A_1863 = arith.muli %mul3A_1862, %add3A_1861 : i32
        %add3A_1864 = arith.constant 1 : i32
        %add3A_1865 = arith.addi %mul3A_1863, %add3A_1864 : i32
        %mul3A_1866 = arith.constant 1024 : i32
        %mul3A_1867 = arith.muli %add3A_1865, %mul3A_1866 : i32
        %add3A_1868 = arith.addi %select_n3A_122, %mul3A_1867 : i32
        %multiple_of3A_1869 = tpu.assume_multiple %add3A_1868, 1024 : i32
        %dma_start3A_1870 = arith.constant 0 : i32
        %dma_start3A_1871 = tpu.memref_slice %arg2[%dma_start3A_1870, %multiple_of3A_1869] : memref<3x294912xi32, #tpu.memory_space<hbm>> -> memref<3x1024xi32, #tpu.memory_space<hbm>>
        %dma_start3A_1872 = arith.constant 0 : i32
        %dma_start3A_1873 = tpu.memref_slice %arg2[%dma_start3A_1872, %multiple_of3A_1869] : memref<3x294912xi32, #tpu.memory_space<hbm>> -> memref<3x1024xi32, #tpu.memory_space<hbm>>
        tpu.enqueue_dma source(%dma_start3A_1873 : memref<3x1024xi32, #tpu.memory_space<hbm>>) target(%arg8 : memref<3x1024xi32, #tpu.memory_space<vmem>>) target_semaphore(%arg10 : memref<!tpu.dma_semaphore, #tpu.memory_space<semaphore_mem>>)
        %mul3A_1874 = arith.constant 1024 : i32
        %mul3A_1875 = arith.muli %mul3A_1863, %mul3A_1874 : i32
        %add3A_1876 = arith.addi %select_n3A_122, %mul3A_1875 : i32
        %multiple_of3A_1877 = tpu.assume_multiple %add3A_1876, 1024 : i32
        %dma_wait3A = arith.constant 0 : i32
        %dma_wait3A_1878 = tpu.memref_slice %arg2[%dma_wait3A, %multiple_of3A_1877] : memref<3x294912xi32, #tpu.memory_space<hbm>> -> memref<3x1024xi32, #tpu.memory_space<hbm>>
        %dma_wait3A_1879 = arith.constant 0 : i32
        %dma_wait3A_1880 = tpu.memref_slice %arg2[%dma_wait3A_1879, %multiple_of3A_1877] : memref<3x294912xi32, #tpu.memory_space<hbm>> -> memref<3x1024xi32, #tpu.memory_space<hbm>>
        tpu.wait_dma2 semaphore(%arg9 : memref<!tpu.dma_semaphore, #tpu.memory_space<semaphore_mem>>) src(%dma_wait3A_1880 : memref<3x1024xi32, #tpu.memory_space<hbm>>) dst(%arg7 : memref<3x1024xi32, #tpu.memory_space<vmem>>)
        %parallel_loop3A = arith.constant 0 : i32
        %parallel_loop3A_1881 = arith.constant 64 : i32
        %parallel_loop3A_1882 = arith.constant 1 : i32
        scf.for %parallel_loop3A_1901 = %parallel_loop3A to %parallel_loop3A_1881 step %parallel_loop3A_1882  : i32 {
          %parallel_loop3A_1902 = arith.constant 16 : i32
          %parallel_loop3A_1903 = arith.muli %parallel_loop3A_1901, %parallel_loop3A_1902 : i32
          %parallel_loop3A_1904 = arith.constant 0 : i32
          %parallel_loop3A_1905 = arith.index_cast %parallel_loop3A_1904 : i32 to index
          %parallel_loop3A_1906 = arith.index_cast %parallel_loop3A_1903 : i32 to index
          %parallel_loop3A_1907 = tpu.vector_load %arg7[%parallel_loop3A_1905, %parallel_loop3A_1906] {strides = array<i32>} : memref<3x1024xi32, #tpu.memory_space<vmem>>, vector<16xi32>,
          %parallel_loop3A_1908 = arith.constant 16 : i32
          %parallel_loop3A_1909 = arith.muli %parallel_loop3A_1901, %parallel_loop3A_1908 : i32
          %parallel_loop3A_1910 = arith.constant 1 : i32
          %parallel_loop3A_1911 = arith.index_cast %parallel_loop3A_1910 : i32 to index
          %parallel_loop3A_1912 = arith.index_cast %parallel_loop3A_1909 : i32 to index
          %parallel_loop3A_1913 = tpu.vector_load %arg7[%parallel_loop3A_1911, %parallel_loop3A_1912] {strides = array<i32>} : memref<3x1024xi32, #tpu.memory_space<vmem>>, vector<16xi32>,
          %parallel_loop3A_1914 = arith.constant 16 : i32
          %parallel_loop3A_1915 = arith.muli %parallel_loop3A_1901, %parallel_loop3A_1914 : i32
          %parallel_loop3A_1916 = arith.constant 2 : i32
          %parallel_loop3A_1917 = arith.index_cast %parallel_loop3A_1916 : i32 to index
          %parallel_loop3A_1918 = arith.index_cast %parallel_loop3A_1915 : i32 to index
          %parallel_loop3A_1919 = tpu.vector_load %arg7[%parallel_loop3A_1917, %parallel_loop3A_1918] {strides = array<i32>} : memref<3x1024xi32, #tpu.memory_space<vmem>>, vector<16xi32>,
          %parallel_loop3A_1920 = vector.bitcast %parallel_loop3A_1919 : vector<16xi32> to vector<16xf32>
          %parallel_loop3A_1921 = vector.broadcast %select_n3A_372 : i32 to vector<16xi32>
          %parallel_loop3A_1922 = arith.muli %parallel_loop3A_1907, %parallel_loop3A_1921 : vector<16xi32>
          %parallel_loop3A_1923 = arith.addi %parallel_loop3A_1922, %parallel_loop3A_1913 : vector<16xi32>
          %parallel_loop3A_1924 = vector.broadcast %select_n3A_497 : i32 to vector<16xi32>
          %parallel_loop3A_1925 = arith.addi %parallel_loop3A_1923, %parallel_loop3A_1924 : vector<16xi32>
          %parallel_loop3A_1926 = arith.constant 0 : i32
          %parallel_loop3A_1927 = vector.broadcast %parallel_loop3A_1926 : i32 to vector<16xi32>
          %parallel_loop3A_1928 = arith.cmpi sge, %parallel_loop3A_1925, %parallel_loop3A_1927 : vector<16xi32>
          %parallel_loop3A_1929 = vector.broadcast %select_n3A_622 : i32 to vector<16xi32>
          %parallel_loop3A_1930 = arith.cmpi slt, %parallel_loop3A_1925, %parallel_loop3A_1929 : vector<16xi32>
          %parallel_loop3A_1931 = arith.andi %parallel_loop3A_1928, %parallel_loop3A_1930 : vector<16xi1>
          %parallel_loop3A_1932 = arith.constant 0 : i32
          %parallel_loop3A_1933 = vector.broadcast %parallel_loop3A_1932 : i32 to vector<16xi32>
          %parallel_loop3A_1934 = arith.select %parallel_loop3A_1931, %parallel_loop3A_1925, %parallel_loop3A_1933 : vector<16xi1>, vector<16xi32>
          %parallel_loop3A_1935 = arith.constant 0.000000e+00 : f32
          %parallel_loop3A_1936 = vector.broadcast %parallel_loop3A_1935 : f32 to vector<16xf32>
          %parallel_loop3A_1937 = arith.select %parallel_loop3A_1931, %parallel_loop3A_1920, %parallel_loop3A_1936 : vector<16xi1>, vector<16xf32>
          tpu.vector_store_idx %arg6[%parallel_loop3A_1934], %parallel_loop3A_1937 {add = true} : memref<118784xf32, #tpu.memory_space<vmem>>[vector<16xi32>], vector<16xf32>,
        } {sc.loop_unroll_factor = 4 : i64, sc.parallel_access}
        %add3A_1883 = arith.constant 2 : i32
        %add3A_1884 = arith.addi %mul3A_1863, %add3A_1883 : i32
        %lt3A = arith.cmpi slt, %add3A_1884, %select_n3A_247 : i32
        %convert_element_type3A_1885 = arith.extui %lt3A : i1 to i32
        %cond3A_1886 = arith.constant 0 : i32
        %cond3A_1887 = arith.cmpi ne, %convert_element_type3A_1885, %cond3A_1886 : i32
        scf.if %cond3A_1887 {
          %add3A_1901 = arith.constant 2 : i32
          %add3A_1902 = arith.addi %mul3A_1863, %add3A_1901 : i32
          %mul3A_1903 = arith.constant 1024 : i32
          %mul3A_1904 = arith.muli %add3A_1902, %mul3A_1903 : i32
          %add3A_1905 = arith.addi %select_n3A_122, %mul3A_1904 : i32
          %multiple_of3A_1906 = tpu.assume_multiple %add3A_1905, 1024 : i32
          %dma_start3A_1907 = arith.constant 0 : i32
          %dma_start3A_1908 = tpu.memref_slice %arg2[%dma_start3A_1907, %multiple_of3A_1906] : memref<3x294912xi32, #tpu.memory_space<hbm>> -> memref<3x1024xi32, #tpu.memory_space<hbm>>
          %dma_start3A_1909 = arith.constant 0 : i32
          %dma_start3A_1910 = tpu.memref_slice %arg2[%dma_start3A_1909, %multiple_of3A_1906] : memref<3x294912xi32, #tpu.memory_space<hbm>> -> memref<3x1024xi32, #tpu.memory_space<hbm>>
          tpu.enqueue_dma source(%dma_start3A_1910 : memref<3x1024xi32, #tpu.memory_space<hbm>>) target(%arg7 : memref<3x1024xi32, #tpu.memory_space<vmem>>) target_semaphore(%arg9 : memref<!tpu.dma_semaphore, #tpu.memory_space<semaphore_mem>>)
        } else {
        }
        %add3A_1888 = arith.constant 1 : i32
        %add3A_1889 = arith.addi %mul3A_1863, %add3A_1888 : i32
        %mul3A_1890 = arith.constant 1024 : i32
        %mul3A_1891 = arith.muli %add3A_1889, %mul3A_1890 : i32
        %add3A_1892 = arith.addi %select_n3A_122, %mul3A_1891 : i32
        %multiple_of3A_1893 = tpu.assume_multiple %add3A_1892, 1024 : i32
        %dma_wait3A_1894 = arith.constant 0 : i32
        %dma_wait3A_1895 = tpu.memref_slice %arg2[%dma_wait3A_1894, %multiple_of3A_1893] : memref<3x294912xi32, #tpu.memory_space<hbm>> -> memref<3x1024xi32, #tpu.memory_space<hbm>>
        %dma_wait3A_1896 = arith.constant 0 : i32
        %dma_wait3A_1897 = tpu.memref_slice %arg2[%dma_wait3A_1896, %multiple_of3A_1893] : memref<3x294912xi32, #tpu.memory_space<hbm>> -> memref<3x1024xi32, #tpu.memory_space<hbm>>
        tpu.wait_dma2 semaphore(%arg10 : memref<!tpu.dma_semaphore, #tpu.memory_space<semaphore_mem>>) src(%dma_wait3A_1897 : memref<3x1024xi32, #tpu.memory_space<hbm>>) dst(%arg8 : memref<3x1024xi32, #tpu.memory_space<vmem>>)
        %parallel_loop3A_1898 = arith.constant 0 : i32
        %parallel_loop3A_1899 = arith.constant 64 : i32
        %parallel_loop3A_1900 = arith.constant 1 : i32
        scf.for %parallel_loop3A_1901 = %parallel_loop3A_1898 to %parallel_loop3A_1899 step %parallel_loop3A_1900  : i32 {
          %parallel_loop3A_1902 = arith.constant 16 : i32
          %parallel_loop3A_1903 = arith.muli %parallel_loop3A_1901, %parallel_loop3A_1902 : i32
          %parallel_loop3A_1904 = arith.constant 0 : i32
          %parallel_loop3A_1905 = arith.index_cast %parallel_loop3A_1904 : i32 to index
          %parallel_loop3A_1906 = arith.index_cast %parallel_loop3A_1903 : i32 to index
          %parallel_loop3A_1907 = tpu.vector_load %arg8[%parallel_loop3A_1905, %parallel_loop3A_1906] {strides = array<i32>} : memref<3x1024xi32, #tpu.memory_space<vmem>>, vector<16xi32>,
          %parallel_loop3A_1908 = arith.constant 16 : i32
          %parallel_loop3A_1909 = arith.muli %parallel_loop3A_1901, %parallel_loop3A_1908 : i32
          %parallel_loop3A_1910 = arith.constant 1 : i32
          %parallel_loop3A_1911 = arith.index_cast %parallel_loop3A_1910 : i32 to index
          %parallel_loop3A_1912 = arith.index_cast %parallel_loop3A_1909 : i32 to index
          %parallel_loop3A_1913 = tpu.vector_load %arg8[%parallel_loop3A_1911, %parallel_loop3A_1912] {strides = array<i32>} : memref<3x1024xi32, #tpu.memory_space<vmem>>, vector<16xi32>,
          %parallel_loop3A_1914 = arith.constant 16 : i32
          %parallel_loop3A_1915 = arith.muli %parallel_loop3A_1901, %parallel_loop3A_1914 : i32
          %parallel_loop3A_1916 = arith.constant 2 : i32
          %parallel_loop3A_1917 = arith.index_cast %parallel_loop3A_1916 : i32 to index
          %parallel_loop3A_1918 = arith.index_cast %parallel_loop3A_1915 : i32 to index
          %parallel_loop3A_1919 = tpu.vector_load %arg8[%parallel_loop3A_1917, %parallel_loop3A_1918] {strides = array<i32>} : memref<3x1024xi32, #tpu.memory_space<vmem>>, vector<16xi32>,
          %parallel_loop3A_1920 = vector.bitcast %parallel_loop3A_1919 : vector<16xi32> to vector<16xf32>
          %parallel_loop3A_1921 = vector.broadcast %select_n3A_372 : i32 to vector<16xi32>
          %parallel_loop3A_1922 = arith.muli %parallel_loop3A_1907, %parallel_loop3A_1921 : vector<16xi32>
          %parallel_loop3A_1923 = arith.addi %parallel_loop3A_1922, %parallel_loop3A_1913 : vector<16xi32>
          %parallel_loop3A_1924 = vector.broadcast %select_n3A_497 : i32 to vector<16xi32>
          %parallel_loop3A_1925 = arith.addi %parallel_loop3A_1923, %parallel_loop3A_1924 : vector<16xi32>
          %parallel_loop3A_1926 = arith.constant 0 : i32
          %parallel_loop3A_1927 = vector.broadcast %parallel_loop3A_1926 : i32 to vector<16xi32>
          %parallel_loop3A_1928 = arith.cmpi sge, %parallel_loop3A_1925, %parallel_loop3A_1927 : vector<16xi32>
          %parallel_loop3A_1929 = vector.broadcast %select_n3A_622 : i32 to vector<16xi32>
          %parallel_loop3A_1930 = arith.cmpi slt, %parallel_loop3A_1925, %parallel_loop3A_1929 : vector<16xi32>
          %parallel_loop3A_1931 = arith.andi %parallel_loop3A_1928, %parallel_loop3A_1930 : vector<16xi1>
          %parallel_loop3A_1932 = arith.constant 0 : i32
          %parallel_loop3A_1933 = vector.broadcast %parallel_loop3A_1932 : i32 to vector<16xi32>
          %parallel_loop3A_1934 = arith.select %parallel_loop3A_1931, %parallel_loop3A_1925, %parallel_loop3A_1933 : vector<16xi1>, vector<16xi32>
          %parallel_loop3A_1935 = arith.constant 0.000000e+00 : f32
          %parallel_loop3A_1936 = vector.broadcast %parallel_loop3A_1935 : f32 to vector<16xf32>
          %parallel_loop3A_1937 = arith.select %parallel_loop3A_1931, %parallel_loop3A_1920, %parallel_loop3A_1936 : vector<16xi1>, vector<16xf32>
          tpu.vector_store_idx %arg6[%parallel_loop3A_1934], %parallel_loop3A_1937 {add = true} : memref<118784xf32, #tpu.memory_space<vmem>>[vector<16xi32>], vector<16xf32>,
        } {sc.loop_unroll_factor = 4 : i64, sc.parallel_access}
      }
      %while3A_1858 = arith.constant 1 : i32
      scf.for %while3A_1859 = %while3A_1856 to %while3A_1852 step %while3A_1858  : i32 {
        %mul3A_1860 = arith.muli %while3A_1859, %while3A : i32
        %add3A_1861 = arith.addi %while3A_1849, %mul3A_1860 : i32
        %mul3A_1862 = arith.constant 2 : i32
        %mul3A_1863 = arith.muli %mul3A_1862, %add3A_1861 : i32
        %add3A_1864 = arith.constant 1 : i32
        %add3A_1865 = arith.addi %mul3A_1863, %add3A_1864 : i32
        %mul3A_1866 = arith.constant 1024 : i32
        %mul3A_1867 = arith.muli %add3A_1865, %mul3A_1866 : i32
        %add3A_1868 = arith.addi %select_n3A_122, %mul3A_1867 : i32
        %multiple_of3A_1869 = tpu.assume_multiple %add3A_1868, 1024 : i32
        %dma_start3A_1870 = arith.constant 0 : i32
        %dma_start3A_1871 = tpu.memref_slice %arg2[%dma_start3A_1870, %multiple_of3A_1869] : memref<3x294912xi32, #tpu.memory_space<hbm>> -> memref<3x1024xi32, #tpu.memory_space<hbm>>
        %dma_start3A_1872 = arith.constant 0 : i32
        %dma_start3A_1873 = tpu.memref_slice %arg2[%dma_start3A_1872, %multiple_of3A_1869] : memref<3x294912xi32, #tpu.memory_space<hbm>> -> memref<3x1024xi32, #tpu.memory_space<hbm>>
        tpu.enqueue_dma source(%dma_start3A_1873 : memref<3x1024xi32, #tpu.memory_space<hbm>>) target(%arg8 : memref<3x1024xi32, #tpu.memory_space<vmem>>) target_semaphore(%arg10 : memref<!tpu.dma_semaphore, #tpu.memory_space<semaphore_mem>>)
        %mul3A_1874 = arith.constant 1024 : i32
        %mul3A_1875 = arith.muli %mul3A_1863, %mul3A_1874 : i32
        %add3A_1876 = arith.addi %select_n3A_122, %mul3A_1875 : i32
        %multiple_of3A_1877 = tpu.assume_multiple %add3A_1876, 1024 : i32
        %dma_wait3A = arith.constant 0 : i32
        %dma_wait3A_1878 = tpu.memref_slice %arg2[%dma_wait3A, %multiple_of3A_1877] : memref<3x294912xi32, #tpu.memory_space<hbm>> -> memref<3x1024xi32, #tpu.memory_space<hbm>>
        %dma_wait3A_1879 = arith.constant 0 : i32
        %dma_wait3A_1880 = tpu.memref_slice %arg2[%dma_wait3A_1879, %multiple_of3A_1877] : memref<3x294912xi32, #tpu.memory_space<hbm>> -> memref<3x1024xi32, #tpu.memory_space<hbm>>
        tpu.wait_dma2 semaphore(%arg9 : memref<!tpu.dma_semaphore, #tpu.memory_space<semaphore_mem>>) src(%dma_wait3A_1880 : memref<3x1024xi32, #tpu.memory_space<hbm>>) dst(%arg7 : memref<3x1024xi32, #tpu.memory_space<vmem>>)
        %parallel_loop3A = arith.constant 0 : i32
        %parallel_loop3A_1881 = arith.constant 64 : i32
        %parallel_loop3A_1882 = arith.constant 1 : i32
        scf.for %parallel_loop3A_1901 = %parallel_loop3A to %parallel_loop3A_1881 step %parallel_loop3A_1882  : i32 {
          %parallel_loop3A_1902 = arith.constant 16 : i32
          %parallel_loop3A_1903 = arith.muli %parallel_loop3A_1901, %parallel_loop3A_1902 : i32
          %parallel_loop3A_1904 = arith.constant 0 : i32
          %parallel_loop3A_1905 = arith.index_cast %parallel_loop3A_1904 : i32 to index
          %parallel_loop3A_1906 = arith.index_cast %parallel_loop3A_1903 : i32 to index
          %parallel_loop3A_1907 = tpu.vector_load %arg7[%parallel_loop3A_1905, %parallel_loop3A_1906] {strides = array<i32>} : memref<3x1024xi32, #tpu.memory_space<vmem>>, vector<16xi32>,
          %parallel_loop3A_1908 = arith.constant 16 : i32
          %parallel_loop3A_1909 = arith.muli %parallel_loop3A_1901, %parallel_loop3A_1908 : i32
          %parallel_loop3A_1910 = arith.constant 1 : i32
          %parallel_loop3A_1911 = arith.index_cast %parallel_loop3A_1910 : i32 to index
          %parallel_loop3A_1912 = arith.index_cast %parallel_loop3A_1909 : i32 to index
          %parallel_loop3A_1913 = tpu.vector_load %arg7[%parallel_loop3A_1911, %parallel_loop3A_1912] {strides = array<i32>} : memref<3x1024xi32, #tpu.memory_space<vmem>>, vector<16xi32>,
          %parallel_loop3A_1914 = arith.constant 16 : i32
          %parallel_loop3A_1915 = arith.muli %parallel_loop3A_1901, %parallel_loop3A_1914 : i32
          %parallel_loop3A_1916 = arith.constant 2 : i32
          %parallel_loop3A_1917 = arith.index_cast %parallel_loop3A_1916 : i32 to index
          %parallel_loop3A_1918 = arith.index_cast %parallel_loop3A_1915 : i32 to index
          %parallel_loop3A_1919 = tpu.vector_load %arg7[%parallel_loop3A_1917, %parallel_loop3A_1918] {strides = array<i32>} : memref<3x1024xi32, #tpu.memory_space<vmem>>, vector<16xi32>,
          %parallel_loop3A_1920 = vector.bitcast %parallel_loop3A_1919 : vector<16xi32> to vector<16xf32>
          %parallel_loop3A_1921 = vector.broadcast %select_n3A_372 : i32 to vector<16xi32>
          %parallel_loop3A_1922 = arith.muli %parallel_loop3A_1907, %parallel_loop3A_1921 : vector<16xi32>
          %parallel_loop3A_1923 = arith.addi %parallel_loop3A_1922, %parallel_loop3A_1913 : vector<16xi32>
          %parallel_loop3A_1924 = vector.broadcast %select_n3A_497 : i32 to vector<16xi32>
          %parallel_loop3A_1925 = arith.addi %parallel_loop3A_1923, %parallel_loop3A_1924 : vector<16xi32>
          %parallel_loop3A_1926 = arith.constant 0 : i32
          %parallel_loop3A_1927 = vector.broadcast %parallel_loop3A_1926 : i32 to vector<16xi32>
          %parallel_loop3A_1928 = arith.cmpi sge, %parallel_loop3A_1925, %parallel_loop3A_1927 : vector<16xi32>
          %parallel_loop3A_1929 = vector.broadcast %select_n3A_622 : i32 to vector<16xi32>
          %parallel_loop3A_1930 = arith.cmpi slt, %parallel_loop3A_1925, %parallel_loop3A_1929 : vector<16xi32>
          %parallel_loop3A_1931 = arith.andi %parallel_loop3A_1928, %parallel_loop3A_1930 : vector<16xi1>
          %parallel_loop3A_1932 = arith.constant 0 : i32
          %parallel_loop3A_1933 = vector.broadcast %parallel_loop3A_1932 : i32 to vector<16xi32>
          %parallel_loop3A_1934 = arith.select %parallel_loop3A_1931, %parallel_loop3A_1925, %parallel_loop3A_1933 : vector<16xi1>, vector<16xi32>
          %parallel_loop3A_1935 = arith.constant 0.000000e+00 : f32
          %parallel_loop3A_1936 = vector.broadcast %parallel_loop3A_1935 : f32 to vector<16xf32>
          %parallel_loop3A_1937 = arith.select %parallel_loop3A_1931, %parallel_loop3A_1920, %parallel_loop3A_1936 : vector<16xi1>, vector<16xf32>
          tpu.vector_store_idx %arg6[%parallel_loop3A_1934], %parallel_loop3A_1937 {add = true} : memref<118784xf32, #tpu.memory_space<vmem>>[vector<16xi32>], vector<16xf32>,
        } {sc.loop_unroll_factor = 4 : i64, sc.parallel_access}
        %add3A_1883 = arith.constant 2 : i32
        %add3A_1884 = arith.addi %mul3A_1863, %add3A_1883 : i32
        %lt3A = arith.cmpi slt, %add3A_1884, %select_n3A_247 : i32
        %convert_element_type3A_1885 = arith.extui %lt3A : i1 to i32
        %cond3A_1886 = arith.constant 0 : i32
        %cond3A_1887 = arith.cmpi ne, %convert_element_type3A_1885, %cond3A_1886 : i32
        scf.if %cond3A_1887 {
          %add3A_1901 = arith.constant 2 : i32
          %add3A_1902 = arith.addi %mul3A_1863, %add3A_1901 : i32
          %mul3A_1903 = arith.constant 1024 : i32
          %mul3A_1904 = arith.muli %add3A_1902, %mul3A_1903 : i32
          %add3A_1905 = arith.addi %select_n3A_122, %mul3A_1904 : i32
          %multiple_of3A_1906 = tpu.assume_multiple %add3A_1905, 1024 : i32
          %dma_start3A_1907 = arith.constant 0 : i32
          %dma_start3A_1908 = tpu.memref_slice %arg2[%dma_start3A_1907, %multiple_of3A_1906] : memref<3x294912xi32, #tpu.memory_space<hbm>> -> memref<3x1024xi32, #tpu.memory_space<hbm>>
          %dma_start3A_1909 = arith.constant 0 : i32
          %dma_start3A_1910 = tpu.memref_slice %arg2[%dma_start3A_1909, %multiple_of3A_1906] : memref<3x294912xi32, #tpu.memory_space<hbm>> -> memref<3x1024xi32, #tpu.memory_space<hbm>>
          tpu.enqueue_dma source(%dma_start3A_1910 : memref<3x1024xi32, #tpu.memory_space<hbm>>) target(%arg7 : memref<3x1024xi32, #tpu.memory_space<vmem>>) target_semaphore(%arg9 : memref<!tpu.dma_semaphore, #tpu.memory_space<semaphore_mem>>)
        } else {
        }
        %add3A_1888 = arith.constant 1 : i32
        %add3A_1889 = arith.addi %mul3A_1863, %add3A_1888 : i32
        %mul3A_1890 = arith.constant 1024 : i32
        %mul3A_1891 = arith.muli %add3A_1889, %mul3A_1890 : i32
        %add3A_1892 = arith.addi %select_n3A_122, %mul3A_1891 : i32
        %multiple_of3A_1893 = tpu.assume_multiple %add3A_1892, 1024 : i32
        %dma_wait3A_1894 = arith.constant 0 : i32
        %dma_wait3A_1895 = tpu.memref_slice %arg2[%dma_wait3A_1894, %multiple_of3A_1893] : memref<3x294912xi32, #tpu.memory_space<hbm>> -> memref<3x1024xi32, #tpu.memory_space<hbm>>
        %dma_wait3A_1896 = arith.constant 0 : i32
        %dma_wait3A_1897 = tpu.memref_slice %arg2[%dma_wait3A_1896, %multiple_of3A_1893] : memref<3x294912xi32, #tpu.memory_space<hbm>> -> memref<3x1024xi32, #tpu.memory_space<hbm>>
        tpu.wait_dma2 semaphore(%arg10 : memref<!tpu.dma_semaphore, #tpu.memory_space<semaphore_mem>>) src(%dma_wait3A_1897 : memref<3x1024xi32, #tpu.memory_space<hbm>>) dst(%arg8 : memref<3x1024xi32, #tpu.memory_space<vmem>>)
        %parallel_loop3A_1898 = arith.constant 0 : i32
        %parallel_loop3A_1899 = arith.constant 64 : i32
        %parallel_loop3A_1900 = arith.constant 1 : i32
        scf.for %parallel_loop3A_1901 = %parallel_loop3A_1898 to %parallel_loop3A_1899 step %parallel_loop3A_1900  : i32 {
          %parallel_loop3A_1902 = arith.constant 16 : i32
          %parallel_loop3A_1903 = arith.muli %parallel_loop3A_1901, %parallel_loop3A_1902 : i32
          %parallel_loop3A_1904 = arith.constant 0 : i32
          %parallel_loop3A_1905 = arith.index_cast %parallel_loop3A_1904 : i32 to index
          %parallel_loop3A_1906 = arith.index_cast %parallel_loop3A_1903 : i32 to index
          %parallel_loop3A_1907 = tpu.vector_load %arg8[%parallel_loop3A_1905, %parallel_loop3A_1906] {strides = array<i32>} : memref<3x1024xi32, #tpu.memory_space<vmem>>, vector<16xi32>,
          %parallel_loop3A_1908 = arith.constant 16 : i32
          %parallel_loop3A_1909 = arith.muli %parallel_loop3A_1901, %parallel_loop3A_1908 : i32
          %parallel_loop3A_1910 = arith.constant 1 : i32
          %parallel_loop3A_1911 = arith.index_cast %parallel_loop3A_1910 : i32 to index
          %parallel_loop3A_1912 = arith.index_cast %parallel_loop3A_1909 : i32 to index
          %parallel_loop3A_1913 = tpu.vector_load %arg8[%parallel_loop3A_1911, %parallel_loop3A_1912] {strides = array<i32>} : memref<3x1024xi32, #tpu.memory_space<vmem>>, vector<16xi32>,
          %parallel_loop3A_1914 = arith.constant 16 : i32
          %parallel_loop3A_1915 = arith.muli %parallel_loop3A_1901, %parallel_loop3A_1914 : i32
          %parallel_loop3A_1916 = arith.constant 2 : i32
          %parallel_loop3A_1917 = arith.index_cast %parallel_loop3A_1916 : i32 to index
          %parallel_loop3A_1918 = arith.index_cast %parallel_loop3A_1915 : i32 to index
          %parallel_loop3A_1919 = tpu.vector_load %arg8[%parallel_loop3A_1917, %parallel_loop3A_1918] {strides = array<i32>} : memref<3x1024xi32, #tpu.memory_space<vmem>>, vector<16xi32>,
          %parallel_loop3A_1920 = vector.bitcast %parallel_loop3A_1919 : vector<16xi32> to vector<16xf32>
          %parallel_loop3A_1921 = vector.broadcast %select_n3A_372 : i32 to vector<16xi32>
          %parallel_loop3A_1922 = arith.muli %parallel_loop3A_1907, %parallel_loop3A_1921 : vector<16xi32>
          %parallel_loop3A_1923 = arith.addi %parallel_loop3A_1922, %parallel_loop3A_1913 : vector<16xi32>
          %parallel_loop3A_1924 = vector.broadcast %select_n3A_497 : i32 to vector<16xi32>
          %parallel_loop3A_1925 = arith.addi %parallel_loop3A_1923, %parallel_loop3A_1924 : vector<16xi32>
          %parallel_loop3A_1926 = arith.constant 0 : i32
          %parallel_loop3A_1927 = vector.broadcast %parallel_loop3A_1926 : i32 to vector<16xi32>
          %parallel_loop3A_1928 = arith.cmpi sge, %parallel_loop3A_1925, %parallel_loop3A_1927 : vector<16xi32>
          %parallel_loop3A_1929 = vector.broadcast %select_n3A_622 : i32 to vector<16xi32>
          %parallel_loop3A_1930 = arith.cmpi slt, %parallel_loop3A_1925, %parallel_loop3A_1929 : vector<16xi32>
          %parallel_loop3A_1931 = arith.andi %parallel_loop3A_1928, %parallel_loop3A_1930 : vector<16xi1>
          %parallel_loop3A_1932 = arith.constant 0 : i32
          %parallel_loop3A_1933 = vector.broadcast %parallel_loop3A_1932 : i32 to vector<16xi32>
          %parallel_loop3A_1934 = arith.select %parallel_loop3A_1931, %parallel_loop3A_1925, %parallel_loop3A_1933 : vector<16xi1>, vector<16xi32>
          %parallel_loop3A_1935 = arith.constant 0.000000e+00 : f32
          %parallel_loop3A_1936 = vector.broadcast %parallel_loop3A_1935 : f32 to vector<16xf32>
          %parallel_loop3A_1937 = arith.select %parallel_loop3A_1931, %parallel_loop3A_1920, %parallel_loop3A_1936 : vector<16xi1>, vector<16xf32>
          tpu.vector_store_idx %arg6[%parallel_loop3A_1934], %parallel_loop3A_1937 {add = true} : memref<118784xf32, #tpu.memory_space<vmem>>[vector<16xi32>], vector<16xf32>,
        } {sc.loop_unroll_factor = 4 : i64, sc.parallel_access}
      }
    } else {
    }
    %eq3A_879 = arith.constant 0 : i32
    %eq3A_880 = arith.cmpi eq, %select_n3A_747, %eq3A_879 : i32
    %eq3A_881 = arith.constant 118784 : i32
    %eq3A_882 = arith.cmpi eq, %select_n3A_622, %eq3A_881 : i32
    %and3A = arith.andi %eq3A_880, %eq3A_882 : i1
    %convert_element_type3A_883 = arith.extui %and3A : i1 to i32
    %cond3A_884 = arith.constant 0 : i32
    %cond3A_885 = arith.cmpi ne, %convert_element_type3A_883, %cond3A_884 : i32
    scf.if %cond3A_885 {
      %multiple_of3A = tpu.assume_multiple %select_n3A_872, 8 : i32
      "tpu.region"() ({
        %run_scoped3A = tpu.sem_alloc : memref<!tpu.dma_semaphore, #tpu.memory_space<semaphore_mem>>
        %dma_start3A = arith.constant 0 : i32
        %dma_start3A_1819 = tpu.memref_slice %arg6[%dma_start3A] : memref<118784xf32, #tpu.memory_space<vmem>> -> memref<118784xf32, #tpu.memory_space<vmem>>
        %dma_start3A_1820 = tpu.memref_slice %arg3[%multiple_of3A] : memref<2097152xf32, #tpu.memory_space<hbm>> -> memref<118784xf32, #tpu.memory_space<hbm>>
        %dma_start3A_1821 = tpu.memref_slice %arg3[%multiple_of3A] : memref<2097152xf32, #tpu.memory_space<hbm>> -> memref<118784xf32, #tpu.memory_space<hbm>>
        %dma_start3A_1822 = arith.constant 0 : i32
        %dma_start3A_1823 = tpu.memref_slice %arg6[%dma_start3A_1822] : memref<118784xf32, #tpu.memory_space<vmem>> -> memref<118784xf32, #tpu.memory_space<vmem>>
        tpu.enqueue_dma source(%dma_start3A_1823 : memref<118784xf32, #tpu.memory_space<vmem>>) target(%dma_start3A_1821 : memref<118784xf32, #tpu.memory_space<hbm>>) target_semaphore(%run_scoped3A : memref<!tpu.dma_semaphore, #tpu.memory_space<semaphore_mem>>)
        %dma_wait3A = arith.constant 0 : i32
        %dma_wait3A_1824 = tpu.memref_slice %arg6[%dma_wait3A] : memref<118784xf32, #tpu.memory_space<vmem>> -> memref<118784xf32, #tpu.memory_space<vmem>>
        %dma_wait3A_1825 = tpu.memref_slice %arg3[%multiple_of3A] : memref<2097152xf32, #tpu.memory_space<hbm>> -> memref<118784xf32, #tpu.memory_space<hbm>>
        %dma_wait3A_1826 = tpu.memref_slice %arg3[%multiple_of3A] : memref<2097152xf32, #tpu.memory_space<hbm>> -> memref<118784xf32, #tpu.memory_space<hbm>>
        %dma_wait3A_1827 = arith.constant 0 : i32
        %dma_wait3A_1828 = tpu.memref_slice %arg6[%dma_wait3A_1827] : memref<118784xf32, #tpu.memory_space<vmem>> -> memref<118784xf32, #tpu.memory_space<vmem>>
        tpu.wait_dma2 semaphore(%run_scoped3A : memref<!tpu.dma_semaphore, #tpu.memory_space<semaphore_mem>>) src(%dma_wait3A_1828 : memref<118784xf32, #tpu.memory_space<vmem>>) dst(%dma_wait3A_1826 : memref<118784xf32, #tpu.memory_space<hbm>>)
        tpu.yield
      }) : () -> ()
    } else {
    }
    %eq3A_886 = arith.constant 0 : i32
    %eq3A_887 = arith.cmpi eq, %select_n3A_747, %eq3A_886 : i32
    %eq3A_888 = arith.constant 77824 : i32
    %eq3A_889 = arith.cmpi eq, %select_n3A_622, %eq3A_888 : i32
    %and3A_890 = arith.andi %eq3A_887, %eq3A_889 : i1
    %convert_element_type3A_891 = arith.extui %and3A_890 : i1 to i32
    %cond3A_892 = arith.constant 0 : i32
    %cond3A_893 = arith.cmpi ne, %convert_element_type3A_891, %cond3A_892 : i32
    scf.if %cond3A_893 {
      %multiple_of3A = tpu.assume_multiple %select_n3A_872, 8 : i32
      "tpu.region"() ({
        %run_scoped3A = tpu.sem_alloc : memref<!tpu.dma_semaphore, #tpu.memory_space<semaphore_mem>>
        %dma_start3A = arith.constant 0 : i32
        %dma_start3A_1819 = tpu.memref_slice %arg6[%dma_start3A] : memref<118784xf32, #tpu.memory_space<vmem>> -> memref<77824xf32, #tpu.memory_space<vmem>>
        %dma_start3A_1820 = tpu.memref_slice %arg3[%multiple_of3A] : memref<2097152xf32, #tpu.memory_space<hbm>> -> memref<77824xf32, #tpu.memory_space<hbm>>
        %dma_start3A_1821 = tpu.memref_slice %arg3[%multiple_of3A] : memref<2097152xf32, #tpu.memory_space<hbm>> -> memref<77824xf32, #tpu.memory_space<hbm>>
        %dma_start3A_1822 = arith.constant 0 : i32
        %dma_start3A_1823 = tpu.memref_slice %arg6[%dma_start3A_1822] : memref<118784xf32, #tpu.memory_space<vmem>> -> memref<77824xf32, #tpu.memory_space<vmem>>
        tpu.enqueue_dma source(%dma_start3A_1823 : memref<77824xf32, #tpu.memory_space<vmem>>) target(%dma_start3A_1821 : memref<77824xf32, #tpu.memory_space<hbm>>) target_semaphore(%run_scoped3A : memref<!tpu.dma_semaphore, #tpu.memory_space<semaphore_mem>>)
        %dma_wait3A = arith.constant 0 : i32
        %dma_wait3A_1824 = tpu.memref_slice %arg6[%dma_wait3A] : memref<118784xf32, #tpu.memory_space<vmem>> -> memref<77824xf32, #tpu.memory_space<vmem>>
        %dma_wait3A_1825 = tpu.memref_slice %arg3[%multiple_of3A] : memref<2097152xf32, #tpu.memory_space<hbm>> -> memref<77824xf32, #tpu.memory_space<hbm>>
        %dma_wait3A_1826 = tpu.memref_slice %arg3[%multiple_of3A] : memref<2097152xf32, #tpu.memory_space<hbm>> -> memref<77824xf32, #tpu.memory_space<hbm>>
        %dma_wait3A_1827 = arith.constant 0 : i32
        %dma_wait3A_1828 = tpu.memref_slice %arg6[%dma_wait3A_1827] : memref<118784xf32, #tpu.memory_space<vmem>> -> memref<77824xf32, #tpu.memory_space<vmem>>
        tpu.wait_dma2 semaphore(%run_scoped3A : memref<!tpu.dma_semaphore, #tpu.memory_space<semaphore_mem>>) src(%dma_wait3A_1828 : memref<77824xf32, #tpu.memory_space<vmem>>) dst(%dma_wait3A_1826 : memref<77824xf32, #tpu.memory_space<hbm>>)
        tpu.yield
      }) : () -> ()
    } else {
    }
    %eq3A_894 = arith.constant 1 : i32
    %eq3A_895 = arith.cmpi eq, %select_n3A_747, %eq3A_894 : i32
    %eq3A_896 = arith.constant 118784 : i32
    %eq3A_897 = arith.cmpi eq, %select_n3A_622, %eq3A_896 : i32
    %and3A_898 = arith.andi %eq3A_895, %eq3A_897 : i1
    %convert_element_type3A_899 = arith.extui %and3A_898 : i1 to i32
    %cond3A_900 = arith.constant 0 : i32
    %cond3A_901 = arith.cmpi ne, %convert_element_type3A_899, %cond3A_900 : i32
    scf.if %cond3A_901 {
      %multiple_of3A = tpu.assume_multiple %select_n3A_872, 8 : i32
      "tpu.region"() ({
        %run_scoped3A = tpu.sem_alloc : memref<!tpu.dma_semaphore, #tpu.memory_space<semaphore_mem>>
        %dma_start3A = arith.constant 0 : i32
        %dma_start3A_1819 = tpu.memref_slice %arg6[%dma_start3A] : memref<118784xf32, #tpu.memory_space<vmem>> -> memref<118784xf32, #tpu.memory_space<vmem>>
        %dma_start3A_1820 = tpu.memref_slice %arg4[%multiple_of3A] : memref<4194304xf32, #tpu.memory_space<hbm>> -> memref<118784xf32, #tpu.memory_space<hbm>>
        %dma_start3A_1821 = tpu.memref_slice %arg4[%multiple_of3A] : memref<4194304xf32, #tpu.memory_space<hbm>> -> memref<118784xf32, #tpu.memory_space<hbm>>
        %dma_start3A_1822 = arith.constant 0 : i32
        %dma_start3A_1823 = tpu.memref_slice %arg6[%dma_start3A_1822] : memref<118784xf32, #tpu.memory_space<vmem>> -> memref<118784xf32, #tpu.memory_space<vmem>>
        tpu.enqueue_dma source(%dma_start3A_1823 : memref<118784xf32, #tpu.memory_space<vmem>>) target(%dma_start3A_1821 : memref<118784xf32, #tpu.memory_space<hbm>>) target_semaphore(%run_scoped3A : memref<!tpu.dma_semaphore, #tpu.memory_space<semaphore_mem>>)
        %dma_wait3A = arith.constant 0 : i32
        %dma_wait3A_1824 = tpu.memref_slice %arg6[%dma_wait3A] : memref<118784xf32, #tpu.memory_space<vmem>> -> memref<118784xf32, #tpu.memory_space<vmem>>
        %dma_wait3A_1825 = tpu.memref_slice %arg4[%multiple_of3A] : memref<4194304xf32, #tpu.memory_space<hbm>> -> memref<118784xf32, #tpu.memory_space<hbm>>
        %dma_wait3A_1826 = tpu.memref_slice %arg4[%multiple_of3A] : memref<4194304xf32, #tpu.memory_space<hbm>> -> memref<118784xf32, #tpu.memory_space<hbm>>
        %dma_wait3A_1827 = arith.constant 0 : i32
        %dma_wait3A_1828 = tpu.memref_slice %arg6[%dma_wait3A_1827] : memref<118784xf32, #tpu.memory_space<vmem>> -> memref<118784xf32, #tpu.memory_space<vmem>>
        tpu.wait_dma2 semaphore(%run_scoped3A : memref<!tpu.dma_semaphore, #tpu.memory_space<semaphore_mem>>) src(%dma_wait3A_1828 : memref<118784xf32, #tpu.memory_space<vmem>>) dst(%dma_wait3A_1826 : memref<118784xf32, #tpu.memory_space<hbm>>)
        tpu.yield
      }) : () -> ()
    } else {
    }
    %eq3A_902 = arith.constant 1 : i32
    %eq3A_903 = arith.cmpi eq, %add3A, %eq3A_902 : i32
    %jit3A_904 = arith.constant 131072 : i32
    %jit3A_905 = arith.constant 131072 : i32
    %select_n3A_906 = arith.select %eq3A_903, %jit3A_904, %jit3A_905 : i32
    %eq3A_907 = arith.constant 2 : i32
    %eq3A_908 = arith.cmpi eq, %add3A, %eq3A_907 : i32
    %jit3A_909 = arith.constant 131072 : i32
    %select_n3A_910 = arith.select %eq3A_908, %jit3A_909, %select_n3A_906 : i32
    %eq3A_911 = arith.constant 3 : i32
    %eq3A_912 = arith.cmpi eq, %add3A, %eq3A_911 : i32
    %jit3A_913 = arith.constant 131072 : i32
    %select_n3A_914 = arith.select %eq3A_912, %jit3A_913, %select_n3A_910 : i32
    %eq3A_915 = arith.constant 4 : i32
    %eq3A_916 = arith.cmpi eq, %add3A, %eq3A_915 : i32
    %jit3A_917 = arith.constant 131072 : i32
    %select_n3A_918 = arith.select %eq3A_916, %jit3A_917, %select_n3A_914 : i32
    %eq3A_919 = arith.constant 5 : i32
    %eq3A_920 = arith.cmpi eq, %add3A, %eq3A_919 : i32
    %jit3A_921 = arith.constant 131072 : i32
    %select_n3A_922 = arith.select %eq3A_920, %jit3A_921, %select_n3A_918 : i32
    %eq3A_923 = arith.constant 6 : i32
    %eq3A_924 = arith.cmpi eq, %add3A, %eq3A_923 : i32
    %jit3A_925 = arith.constant 131072 : i32
    %select_n3A_926 = arith.select %eq3A_924, %jit3A_925, %select_n3A_922 : i32
    %eq3A_927 = arith.constant 7 : i32
    %eq3A_928 = arith.cmpi eq, %add3A, %eq3A_927 : i32
    %jit3A_929 = arith.constant 131072 : i32
    %select_n3A_930 = arith.select %eq3A_928, %jit3A_929, %select_n3A_926 : i32
    %eq3A_931 = arith.constant 8 : i32
    %eq3A_932 = arith.cmpi eq, %add3A, %eq3A_931 : i32
    %jit3A_933 = arith.constant 131072 : i32
    %select_n3A_934 = arith.select %eq3A_932, %jit3A_933, %select_n3A_930 : i32
    %eq3A_935 = arith.constant 9 : i32
    %eq3A_936 = arith.cmpi eq, %add3A, %eq3A_935 : i32
    %jit3A_937 = arith.constant 131072 : i32
    %select_n3A_938 = arith.select %eq3A_936, %jit3A_937, %select_n3A_934 : i32
    %eq3A_939 = arith.constant 10 : i32
    %eq3A_940 = arith.cmpi eq, %add3A, %eq3A_939 : i32
    %jit3A_941 = arith.constant 131072 : i32
    %select_n3A_942 = arith.select %eq3A_940, %jit3A_941, %select_n3A_938 : i32
    %eq3A_943 = arith.constant 11 : i32
    %eq3A_944 = arith.cmpi eq, %add3A, %eq3A_943 : i32
    %jit3A_945 = arith.constant 131072 : i32
    %select_n3A_946 = arith.select %eq3A_944, %jit3A_945, %select_n3A_942 : i32
    %eq3A_947 = arith.constant 12 : i32
    %eq3A_948 = arith.cmpi eq, %add3A, %eq3A_947 : i32
    %jit3A_949 = arith.constant 131072 : i32
    %select_n3A_950 = arith.select %eq3A_948, %jit3A_949, %select_n3A_946 : i32
    %eq3A_951 = arith.constant 13 : i32
    %eq3A_952 = arith.cmpi eq, %add3A, %eq3A_951 : i32
    %jit3A_953 = arith.constant 131072 : i32
    %select_n3A_954 = arith.select %eq3A_952, %jit3A_953, %select_n3A_950 : i32
    %eq3A_955 = arith.constant 14 : i32
    %eq3A_956 = arith.cmpi eq, %add3A, %eq3A_955 : i32
    %jit3A_957 = arith.constant 131072 : i32
    %select_n3A_958 = arith.select %eq3A_956, %jit3A_957, %select_n3A_954 : i32
    %eq3A_959 = arith.constant 15 : i32
    %eq3A_960 = arith.cmpi eq, %add3A, %eq3A_959 : i32
    %jit3A_961 = arith.constant 131072 : i32
    %select_n3A_962 = arith.select %eq3A_960, %jit3A_961, %select_n3A_958 : i32
    %eq3A_963 = arith.constant 16 : i32
    %eq3A_964 = arith.cmpi eq, %add3A, %eq3A_963 : i32
    %jit3A_965 = arith.constant 131072 : i32
    %select_n3A_966 = arith.select %eq3A_964, %jit3A_965, %select_n3A_962 : i32
    %eq3A_967 = arith.constant 17 : i32
    %eq3A_968 = arith.cmpi eq, %add3A, %eq3A_967 : i32
    %jit3A_969 = arith.constant 131072 : i32
    %select_n3A_970 = arith.select %eq3A_968, %jit3A_969, %select_n3A_966 : i32
    %eq3A_971 = arith.constant 18 : i32
    %eq3A_972 = arith.cmpi eq, %add3A, %eq3A_971 : i32
    %jit3A_973 = arith.constant 131072 : i32
    %select_n3A_974 = arith.select %eq3A_972, %jit3A_973, %select_n3A_970 : i32
    %eq3A_975 = arith.constant 19 : i32
    %eq3A_976 = arith.cmpi eq, %add3A, %eq3A_975 : i32
    %jit3A_977 = arith.constant 131072 : i32
    %select_n3A_978 = arith.select %eq3A_976, %jit3A_977, %select_n3A_974 : i32
    %eq3A_979 = arith.constant 20 : i32
    %eq3A_980 = arith.cmpi eq, %add3A, %eq3A_979 : i32
    %jit3A_981 = arith.constant 131072 : i32
    %select_n3A_982 = arith.select %eq3A_980, %jit3A_981, %select_n3A_978 : i32
    %eq3A_983 = arith.constant 21 : i32
    %eq3A_984 = arith.cmpi eq, %add3A, %eq3A_983 : i32
    %jit3A_985 = arith.constant 131072 : i32
    %select_n3A_986 = arith.select %eq3A_984, %jit3A_985, %select_n3A_982 : i32
    %eq3A_987 = arith.constant 22 : i32
    %eq3A_988 = arith.cmpi eq, %add3A, %eq3A_987 : i32
    %jit3A_989 = arith.constant 262144 : i32
    %select_n3A_990 = arith.select %eq3A_988, %jit3A_989, %select_n3A_986 : i32
    %eq3A_991 = arith.constant 23 : i32
    %eq3A_992 = arith.cmpi eq, %add3A, %eq3A_991 : i32
    %jit3A_993 = arith.constant 262144 : i32
    %select_n3A_994 = arith.select %eq3A_992, %jit3A_993, %select_n3A_990 : i32
    %eq3A_995 = arith.constant 24 : i32
    %eq3A_996 = arith.cmpi eq, %add3A, %eq3A_995 : i32
    %jit3A_997 = arith.constant 262144 : i32
    %select_n3A_998 = arith.select %eq3A_996, %jit3A_997, %select_n3A_994 : i32
    %eq3A_999 = arith.constant 25 : i32
    %eq3A_1000 = arith.cmpi eq, %add3A, %eq3A_999 : i32
    %jit3A_1001 = arith.constant 262144 : i32
    %select_n3A_1002 = arith.select %eq3A_1000, %jit3A_1001, %select_n3A_998 : i32
    %eq3A_1003 = arith.constant 26 : i32
    %eq3A_1004 = arith.cmpi eq, %add3A, %eq3A_1003 : i32
    %jit3A_1005 = arith.constant 262144 : i32
    %select_n3A_1006 = arith.select %eq3A_1004, %jit3A_1005, %select_n3A_1002 : i32
    %eq3A_1007 = arith.constant 27 : i32
    %eq3A_1008 = arith.cmpi eq, %add3A, %eq3A_1007 : i32
    %jit3A_1009 = arith.constant 262144 : i32
    %select_n3A_1010 = arith.select %eq3A_1008, %jit3A_1009, %select_n3A_1006 : i32
    %eq3A_1011 = arith.constant 28 : i32
    %eq3A_1012 = arith.cmpi eq, %add3A, %eq3A_1011 : i32
    %jit3A_1013 = arith.constant 262144 : i32
    %select_n3A_1014 = arith.select %eq3A_1012, %jit3A_1013, %select_n3A_1010 : i32
    %eq3A_1015 = arith.constant 29 : i32
    %eq3A_1016 = arith.cmpi eq, %add3A, %eq3A_1015 : i32
    %jit3A_1017 = arith.constant 262144 : i32
    %select_n3A_1018 = arith.select %eq3A_1016, %jit3A_1017, %select_n3A_1014 : i32
    %eq3A_1019 = arith.constant 30 : i32
    %eq3A_1020 = arith.cmpi eq, %add3A, %eq3A_1019 : i32
    %jit3A_1021 = arith.constant 262144 : i32
    %select_n3A_1022 = arith.select %eq3A_1020, %jit3A_1021, %select_n3A_1018 : i32
    %eq3A_1023 = arith.constant 31 : i32
    %eq3A_1024 = arith.cmpi eq, %add3A, %eq3A_1023 : i32
    %jit3A_1025 = arith.constant 0 : i32
    %select_n3A_1026 = arith.select %eq3A_1024, %jit3A_1025, %select_n3A_1022 : i32
    %eq3A_1027 = arith.constant 1 : i32
    %eq3A_1028 = arith.cmpi eq, %add3A, %eq3A_1027 : i32
    %jit3A_1029 = arith.constant 128 : i32
    %jit3A_1030 = arith.constant 128 : i32
    %select_n3A_1031 = arith.select %eq3A_1028, %jit3A_1029, %jit3A_1030 : i32
    %eq3A_1032 = arith.constant 2 : i32
    %eq3A_1033 = arith.cmpi eq, %add3A, %eq3A_1032 : i32
    %jit3A_1034 = arith.constant 128 : i32
    %select_n3A_1035 = arith.select %eq3A_1033, %jit3A_1034, %select_n3A_1031 : i32
    %eq3A_1036 = arith.constant 3 : i32
    %eq3A_1037 = arith.cmpi eq, %add3A, %eq3A_1036 : i32
    %jit3A_1038 = arith.constant 128 : i32
    %select_n3A_1039 = arith.select %eq3A_1037, %jit3A_1038, %select_n3A_1035 : i32
    %eq3A_1040 = arith.constant 4 : i32
    %eq3A_1041 = arith.cmpi eq, %add3A, %eq3A_1040 : i32
    %jit3A_1042 = arith.constant 128 : i32
    %select_n3A_1043 = arith.select %eq3A_1041, %jit3A_1042, %select_n3A_1039 : i32
    %eq3A_1044 = arith.constant 5 : i32
    %eq3A_1045 = arith.cmpi eq, %add3A, %eq3A_1044 : i32
    %jit3A_1046 = arith.constant 128 : i32
    %select_n3A_1047 = arith.select %eq3A_1045, %jit3A_1046, %select_n3A_1043 : i32
    %eq3A_1048 = arith.constant 6 : i32
    %eq3A_1049 = arith.cmpi eq, %add3A, %eq3A_1048 : i32
    %jit3A_1050 = arith.constant 128 : i32
    %select_n3A_1051 = arith.select %eq3A_1049, %jit3A_1050, %select_n3A_1047 : i32
    %eq3A_1052 = arith.constant 7 : i32
    %eq3A_1053 = arith.cmpi eq, %add3A, %eq3A_1052 : i32
    %jit3A_1054 = arith.constant 128 : i32
    %select_n3A_1055 = arith.select %eq3A_1053, %jit3A_1054, %select_n3A_1051 : i32
    %eq3A_1056 = arith.constant 8 : i32
    %eq3A_1057 = arith.cmpi eq, %add3A, %eq3A_1056 : i32
    %jit3A_1058 = arith.constant 128 : i32
    %select_n3A_1059 = arith.select %eq3A_1057, %jit3A_1058, %select_n3A_1055 : i32
    %eq3A_1060 = arith.constant 9 : i32
    %eq3A_1061 = arith.cmpi eq, %add3A, %eq3A_1060 : i32
    %jit3A_1062 = arith.constant 128 : i32
    %select_n3A_1063 = arith.select %eq3A_1061, %jit3A_1062, %select_n3A_1059 : i32
    %eq3A_1064 = arith.constant 10 : i32
    %eq3A_1065 = arith.cmpi eq, %add3A, %eq3A_1064 : i32
    %jit3A_1066 = arith.constant 128 : i32
    %select_n3A_1067 = arith.select %eq3A_1065, %jit3A_1066, %select_n3A_1063 : i32
    %eq3A_1068 = arith.constant 11 : i32
    %eq3A_1069 = arith.cmpi eq, %add3A, %eq3A_1068 : i32
    %jit3A_1070 = arith.constant 128 : i32
    %select_n3A_1071 = arith.select %eq3A_1069, %jit3A_1070, %select_n3A_1067 : i32
    %eq3A_1072 = arith.constant 12 : i32
    %eq3A_1073 = arith.cmpi eq, %add3A, %eq3A_1072 : i32
    %jit3A_1074 = arith.constant 128 : i32
    %select_n3A_1075 = arith.select %eq3A_1073, %jit3A_1074, %select_n3A_1071 : i32
    %eq3A_1076 = arith.constant 13 : i32
    %eq3A_1077 = arith.cmpi eq, %add3A, %eq3A_1076 : i32
    %jit3A_1078 = arith.constant 128 : i32
    %select_n3A_1079 = arith.select %eq3A_1077, %jit3A_1078, %select_n3A_1075 : i32
    %eq3A_1080 = arith.constant 14 : i32
    %eq3A_1081 = arith.cmpi eq, %add3A, %eq3A_1080 : i32
    %jit3A_1082 = arith.constant 128 : i32
    %select_n3A_1083 = arith.select %eq3A_1081, %jit3A_1082, %select_n3A_1079 : i32
    %eq3A_1084 = arith.constant 15 : i32
    %eq3A_1085 = arith.cmpi eq, %add3A, %eq3A_1084 : i32
    %jit3A_1086 = arith.constant 128 : i32
    %select_n3A_1087 = arith.select %eq3A_1085, %jit3A_1086, %select_n3A_1083 : i32
    %eq3A_1088 = arith.constant 16 : i32
    %eq3A_1089 = arith.cmpi eq, %add3A, %eq3A_1088 : i32
    %jit3A_1090 = arith.constant 128 : i32
    %select_n3A_1091 = arith.select %eq3A_1089, %jit3A_1090, %select_n3A_1087 : i32
    %eq3A_1092 = arith.constant 17 : i32
    %eq3A_1093 = arith.cmpi eq, %add3A, %eq3A_1092 : i32
    %jit3A_1094 = arith.constant 128 : i32
    %select_n3A_1095 = arith.select %eq3A_1093, %jit3A_1094, %select_n3A_1091 : i32
    %eq3A_1096 = arith.constant 18 : i32
    %eq3A_1097 = arith.cmpi eq, %add3A, %eq3A_1096 : i32
    %jit3A_1098 = arith.constant 128 : i32
    %select_n3A_1099 = arith.select %eq3A_1097, %jit3A_1098, %select_n3A_1095 : i32
    %eq3A_1100 = arith.constant 19 : i32
    %eq3A_1101 = arith.cmpi eq, %add3A, %eq3A_1100 : i32
    %jit3A_1102 = arith.constant 128 : i32
    %select_n3A_1103 = arith.select %eq3A_1101, %jit3A_1102, %select_n3A_1099 : i32
    %eq3A_1104 = arith.constant 20 : i32
    %eq3A_1105 = arith.cmpi eq, %add3A, %eq3A_1104 : i32
    %jit3A_1106 = arith.constant 128 : i32
    %select_n3A_1107 = arith.select %eq3A_1105, %jit3A_1106, %select_n3A_1103 : i32
    %eq3A_1108 = arith.constant 21 : i32
    %eq3A_1109 = arith.cmpi eq, %add3A, %eq3A_1108 : i32
    %jit3A_1110 = arith.constant 128 : i32
    %select_n3A_1111 = arith.select %eq3A_1109, %jit3A_1110, %select_n3A_1107 : i32
    %eq3A_1112 = arith.constant 22 : i32
    %eq3A_1113 = arith.cmpi eq, %add3A, %eq3A_1112 : i32
    %jit3A_1114 = arith.constant 32 : i32
    %select_n3A_1115 = arith.select %eq3A_1113, %jit3A_1114, %select_n3A_1111 : i32
    %eq3A_1116 = arith.constant 23 : i32
    %eq3A_1117 = arith.cmpi eq, %add3A, %eq3A_1116 : i32
    %jit3A_1118 = arith.constant 32 : i32
    %select_n3A_1119 = arith.select %eq3A_1117, %jit3A_1118, %select_n3A_1115 : i32
    %eq3A_1120 = arith.constant 24 : i32
    %eq3A_1121 = arith.cmpi eq, %add3A, %eq3A_1120 : i32
    %jit3A_1122 = arith.constant 32 : i32
    %select_n3A_1123 = arith.select %eq3A_1121, %jit3A_1122, %select_n3A_1119 : i32
    %eq3A_1124 = arith.constant 25 : i32
    %eq3A_1125 = arith.cmpi eq, %add3A, %eq3A_1124 : i32
    %jit3A_1126 = arith.constant 32 : i32
    %select_n3A_1127 = arith.select %eq3A_1125, %jit3A_1126, %select_n3A_1123 : i32
    %eq3A_1128 = arith.constant 26 : i32
    %eq3A_1129 = arith.cmpi eq, %add3A, %eq3A_1128 : i32
    %jit3A_1130 = arith.constant 32 : i32
    %select_n3A_1131 = arith.select %eq3A_1129, %jit3A_1130, %select_n3A_1127 : i32
    %eq3A_1132 = arith.constant 27 : i32
    %eq3A_1133 = arith.cmpi eq, %add3A, %eq3A_1132 : i32
    %jit3A_1134 = arith.constant 32 : i32
    %select_n3A_1135 = arith.select %eq3A_1133, %jit3A_1134, %select_n3A_1131 : i32
    %eq3A_1136 = arith.constant 28 : i32
    %eq3A_1137 = arith.cmpi eq, %add3A, %eq3A_1136 : i32
    %jit3A_1138 = arith.constant 32 : i32
    %select_n3A_1139 = arith.select %eq3A_1137, %jit3A_1138, %select_n3A_1135 : i32
    %eq3A_1140 = arith.constant 29 : i32
    %eq3A_1141 = arith.cmpi eq, %add3A, %eq3A_1140 : i32
    %jit3A_1142 = arith.constant 32 : i32
    %select_n3A_1143 = arith.select %eq3A_1141, %jit3A_1142, %select_n3A_1139 : i32
    %eq3A_1144 = arith.constant 30 : i32
    %eq3A_1145 = arith.cmpi eq, %add3A, %eq3A_1144 : i32
    %jit3A_1146 = arith.constant 32 : i32
    %select_n3A_1147 = arith.select %eq3A_1145, %jit3A_1146, %select_n3A_1143 : i32
    %eq3A_1148 = arith.constant 31 : i32
    %eq3A_1149 = arith.cmpi eq, %add3A, %eq3A_1148 : i32
    %jit3A_1150 = arith.constant 0 : i32
    %select_n3A_1151 = arith.select %eq3A_1149, %jit3A_1150, %select_n3A_1147 : i32
    %eq3A_1152 = arith.constant 1 : i32
    %eq3A_1153 = arith.cmpi eq, %add3A, %eq3A_1152 : i32
    %jit3A_1154 = arith.constant 2048 : i32
    %jit3A_1155 = arith.constant 2048 : i32
    %select_n3A_1156 = arith.select %eq3A_1153, %jit3A_1154, %jit3A_1155 : i32
    %eq3A_1157 = arith.constant 2 : i32
    %eq3A_1158 = arith.cmpi eq, %add3A, %eq3A_1157 : i32
    %jit3A_1159 = arith.constant 2048 : i32
    %select_n3A_1160 = arith.select %eq3A_1158, %jit3A_1159, %select_n3A_1156 : i32
    %eq3A_1161 = arith.constant 3 : i32
    %eq3A_1162 = arith.cmpi eq, %add3A, %eq3A_1161 : i32
    %jit3A_1163 = arith.constant 2048 : i32
    %select_n3A_1164 = arith.select %eq3A_1162, %jit3A_1163, %select_n3A_1160 : i32
    %eq3A_1165 = arith.constant 4 : i32
    %eq3A_1166 = arith.cmpi eq, %add3A, %eq3A_1165 : i32
    %jit3A_1167 = arith.constant 2048 : i32
    %select_n3A_1168 = arith.select %eq3A_1166, %jit3A_1167, %select_n3A_1164 : i32
    %eq3A_1169 = arith.constant 5 : i32
    %eq3A_1170 = arith.cmpi eq, %add3A, %eq3A_1169 : i32
    %jit3A_1171 = arith.constant 2048 : i32
    %select_n3A_1172 = arith.select %eq3A_1170, %jit3A_1171, %select_n3A_1168 : i32
    %eq3A_1173 = arith.constant 6 : i32
    %eq3A_1174 = arith.cmpi eq, %add3A, %eq3A_1173 : i32
    %jit3A_1175 = arith.constant 2048 : i32
    %select_n3A_1176 = arith.select %eq3A_1174, %jit3A_1175, %select_n3A_1172 : i32
    %eq3A_1177 = arith.constant 7 : i32
    %eq3A_1178 = arith.cmpi eq, %add3A, %eq3A_1177 : i32
    %jit3A_1179 = arith.constant 2048 : i32
    %select_n3A_1180 = arith.select %eq3A_1178, %jit3A_1179, %select_n3A_1176 : i32
    %eq3A_1181 = arith.constant 8 : i32
    %eq3A_1182 = arith.cmpi eq, %add3A, %eq3A_1181 : i32
    %jit3A_1183 = arith.constant 2048 : i32
    %select_n3A_1184 = arith.select %eq3A_1182, %jit3A_1183, %select_n3A_1180 : i32
    %eq3A_1185 = arith.constant 9 : i32
    %eq3A_1186 = arith.cmpi eq, %add3A, %eq3A_1185 : i32
    %jit3A_1187 = arith.constant 2048 : i32
    %select_n3A_1188 = arith.select %eq3A_1186, %jit3A_1187, %select_n3A_1184 : i32
    %eq3A_1189 = arith.constant 10 : i32
    %eq3A_1190 = arith.cmpi eq, %add3A, %eq3A_1189 : i32
    %jit3A_1191 = arith.constant 2048 : i32
    %select_n3A_1192 = arith.select %eq3A_1190, %jit3A_1191, %select_n3A_1188 : i32
    %eq3A_1193 = arith.constant 11 : i32
    %eq3A_1194 = arith.cmpi eq, %add3A, %eq3A_1193 : i32
    %jit3A_1195 = arith.constant 2048 : i32
    %select_n3A_1196 = arith.select %eq3A_1194, %jit3A_1195, %select_n3A_1192 : i32
    %eq3A_1197 = arith.constant 12 : i32
    %eq3A_1198 = arith.cmpi eq, %add3A, %eq3A_1197 : i32
    %jit3A_1199 = arith.constant 2048 : i32
    %select_n3A_1200 = arith.select %eq3A_1198, %jit3A_1199, %select_n3A_1196 : i32
    %eq3A_1201 = arith.constant 13 : i32
    %eq3A_1202 = arith.cmpi eq, %add3A, %eq3A_1201 : i32
    %jit3A_1203 = arith.constant 2048 : i32
    %select_n3A_1204 = arith.select %eq3A_1202, %jit3A_1203, %select_n3A_1200 : i32
    %eq3A_1205 = arith.constant 14 : i32
    %eq3A_1206 = arith.cmpi eq, %add3A, %eq3A_1205 : i32
    %jit3A_1207 = arith.constant 2048 : i32
    %select_n3A_1208 = arith.select %eq3A_1206, %jit3A_1207, %select_n3A_1204 : i32
    %eq3A_1209 = arith.constant 15 : i32
    %eq3A_1210 = arith.cmpi eq, %add3A, %eq3A_1209 : i32
    %jit3A_1211 = arith.constant 2048 : i32
    %select_n3A_1212 = arith.select %eq3A_1210, %jit3A_1211, %select_n3A_1208 : i32
    %eq3A_1213 = arith.constant 16 : i32
    %eq3A_1214 = arith.cmpi eq, %add3A, %eq3A_1213 : i32
    %jit3A_1215 = arith.constant 2048 : i32
    %select_n3A_1216 = arith.select %eq3A_1214, %jit3A_1215, %select_n3A_1212 : i32
    %eq3A_1217 = arith.constant 17 : i32
    %eq3A_1218 = arith.cmpi eq, %add3A, %eq3A_1217 : i32
    %jit3A_1219 = arith.constant 2048 : i32
    %select_n3A_1220 = arith.select %eq3A_1218, %jit3A_1219, %select_n3A_1216 : i32
    %eq3A_1221 = arith.constant 18 : i32
    %eq3A_1222 = arith.cmpi eq, %add3A, %eq3A_1221 : i32
    %jit3A_1223 = arith.constant 2048 : i32
    %select_n3A_1224 = arith.select %eq3A_1222, %jit3A_1223, %select_n3A_1220 : i32
    %eq3A_1225 = arith.constant 19 : i32
    %eq3A_1226 = arith.cmpi eq, %add3A, %eq3A_1225 : i32
    %jit3A_1227 = arith.constant 2048 : i32
    %select_n3A_1228 = arith.select %eq3A_1226, %jit3A_1227, %select_n3A_1224 : i32
    %eq3A_1229 = arith.constant 20 : i32
    %eq3A_1230 = arith.cmpi eq, %add3A, %eq3A_1229 : i32
    %jit3A_1231 = arith.constant 2048 : i32
    %select_n3A_1232 = arith.select %eq3A_1230, %jit3A_1231, %select_n3A_1228 : i32
    %eq3A_1233 = arith.constant 21 : i32
    %eq3A_1234 = arith.cmpi eq, %add3A, %eq3A_1233 : i32
    %jit3A_1235 = arith.constant 2048 : i32
    %select_n3A_1236 = arith.select %eq3A_1234, %jit3A_1235, %select_n3A_1232 : i32
    %eq3A_1237 = arith.constant 22 : i32
    %eq3A_1238 = arith.cmpi eq, %add3A, %eq3A_1237 : i32
    %jit3A_1239 = arith.constant 512 : i32
    %select_n3A_1240 = arith.select %eq3A_1238, %jit3A_1239, %select_n3A_1236 : i32
    %eq3A_1241 = arith.constant 23 : i32
    %eq3A_1242 = arith.cmpi eq, %add3A, %eq3A_1241 : i32
    %jit3A_1243 = arith.constant 512 : i32
    %select_n3A_1244 = arith.select %eq3A_1242, %jit3A_1243, %select_n3A_1240 : i32
    %eq3A_1245 = arith.constant 24 : i32
    %eq3A_1246 = arith.cmpi eq, %add3A, %eq3A_1245 : i32
    %jit3A_1247 = arith.constant 512 : i32
    %select_n3A_1248 = arith.select %eq3A_1246, %jit3A_1247, %select_n3A_1244 : i32
    %eq3A_1249 = arith.constant 25 : i32
    %eq3A_1250 = arith.cmpi eq, %add3A, %eq3A_1249 : i32
    %jit3A_1251 = arith.constant 512 : i32
    %select_n3A_1252 = arith.select %eq3A_1250, %jit3A_1251, %select_n3A_1248 : i32
    %eq3A_1253 = arith.constant 26 : i32
    %eq3A_1254 = arith.cmpi eq, %add3A, %eq3A_1253 : i32
    %jit3A_1255 = arith.constant 512 : i32
    %select_n3A_1256 = arith.select %eq3A_1254, %jit3A_1255, %select_n3A_1252 : i32
    %eq3A_1257 = arith.constant 27 : i32
    %eq3A_1258 = arith.cmpi eq, %add3A, %eq3A_1257 : i32
    %jit3A_1259 = arith.constant 512 : i32
    %select_n3A_1260 = arith.select %eq3A_1258, %jit3A_1259, %select_n3A_1256 : i32
    %eq3A_1261 = arith.constant 28 : i32
    %eq3A_1262 = arith.cmpi eq, %add3A, %eq3A_1261 : i32
    %jit3A_1263 = arith.constant 512 : i32
    %select_n3A_1264 = arith.select %eq3A_1262, %jit3A_1263, %select_n3A_1260 : i32
    %eq3A_1265 = arith.constant 29 : i32
    %eq3A_1266 = arith.cmpi eq, %add3A, %eq3A_1265 : i32
    %jit3A_1267 = arith.constant 512 : i32
    %select_n3A_1268 = arith.select %eq3A_1266, %jit3A_1267, %select_n3A_1264 : i32
    %eq3A_1269 = arith.constant 30 : i32
    %eq3A_1270 = arith.cmpi eq, %add3A, %eq3A_1269 : i32
    %jit3A_1271 = arith.constant 512 : i32
    %select_n3A_1272 = arith.select %eq3A_1270, %jit3A_1271, %select_n3A_1268 : i32
    %eq3A_1273 = arith.constant 31 : i32
    %eq3A_1274 = arith.cmpi eq, %add3A, %eq3A_1273 : i32
    %jit3A_1275 = arith.constant 0 : i32
    %select_n3A_1276 = arith.select %eq3A_1274, %jit3A_1275, %select_n3A_1272 : i32
    %eq3A_1277 = arith.constant 1 : i32
    %eq3A_1278 = arith.cmpi eq, %add3A, %eq3A_1277 : i32
    %jit3A_1279 = arith.constant -3881984 : i32
    %jit3A_1280 = arith.constant -3763200 : i32
    %select_n3A_1281 = arith.select %eq3A_1278, %jit3A_1279, %jit3A_1280 : i32
    %eq3A_1282 = arith.constant 2 : i32
    %eq3A_1283 = arith.cmpi eq, %add3A, %eq3A_1282 : i32
    %jit3A_1284 = arith.constant -4000768 : i32
    %select_n3A_1285 = arith.select %eq3A_1283, %jit3A_1284, %select_n3A_1281 : i32
    %eq3A_1286 = arith.constant 3 : i32
    %eq3A_1287 = arith.cmpi eq, %add3A, %eq3A_1286 : i32
    %jit3A_1288 = arith.constant -4119552 : i32
    %select_n3A_1289 = arith.select %eq3A_1287, %jit3A_1288, %select_n3A_1285 : i32
    %eq3A_1290 = arith.constant 4 : i32
    %eq3A_1291 = arith.cmpi eq, %add3A, %eq3A_1290 : i32
    %jit3A_1292 = arith.constant -4238336 : i32
    %select_n3A_1293 = arith.select %eq3A_1291, %jit3A_1292, %select_n3A_1289 : i32
    %eq3A_1294 = arith.constant 5 : i32
    %eq3A_1295 = arith.cmpi eq, %add3A, %eq3A_1294 : i32
    %jit3A_1296 = arith.constant -4357120 : i32
    %select_n3A_1297 = arith.select %eq3A_1295, %jit3A_1296, %select_n3A_1293 : i32
    %eq3A_1298 = arith.constant 6 : i32
    %eq3A_1299 = arith.cmpi eq, %add3A, %eq3A_1298 : i32
    %jit3A_1300 = arith.constant -4475904 : i32
    %select_n3A_1301 = arith.select %eq3A_1299, %jit3A_1300, %select_n3A_1297 : i32
    %eq3A_1302 = arith.constant 7 : i32
    %eq3A_1303 = arith.cmpi eq, %add3A, %eq3A_1302 : i32
    %jit3A_1304 = arith.constant -4594688 : i32
    %select_n3A_1305 = arith.select %eq3A_1303, %jit3A_1304, %select_n3A_1301 : i32
    %eq3A_1306 = arith.constant 8 : i32
    %eq3A_1307 = arith.cmpi eq, %add3A, %eq3A_1306 : i32
    %jit3A_1308 = arith.constant -4713472 : i32
    %select_n3A_1309 = arith.select %eq3A_1307, %jit3A_1308, %select_n3A_1305 : i32
    %eq3A_1310 = arith.constant 9 : i32
    %eq3A_1311 = arith.cmpi eq, %add3A, %eq3A_1310 : i32
    %jit3A_1312 = arith.constant -4832256 : i32
    %select_n3A_1313 = arith.select %eq3A_1311, %jit3A_1312, %select_n3A_1309 : i32
    %eq3A_1314 = arith.constant 10 : i32
    %eq3A_1315 = arith.cmpi eq, %add3A, %eq3A_1314 : i32
    %jit3A_1316 = arith.constant -4951040 : i32
    %select_n3A_1317 = arith.select %eq3A_1315, %jit3A_1316, %select_n3A_1313 : i32
    %eq3A_1318 = arith.constant 11 : i32
    %eq3A_1319 = arith.cmpi eq, %add3A, %eq3A_1318 : i32
    %jit3A_1320 = arith.constant -5069824 : i32
    %select_n3A_1321 = arith.select %eq3A_1319, %jit3A_1320, %select_n3A_1317 : i32
    %eq3A_1322 = arith.constant 12 : i32
    %eq3A_1323 = arith.cmpi eq, %add3A, %eq3A_1322 : i32
    %jit3A_1324 = arith.constant -5188608 : i32
    %select_n3A_1325 = arith.select %eq3A_1323, %jit3A_1324, %select_n3A_1321 : i32
    %eq3A_1326 = arith.constant 13 : i32
    %eq3A_1327 = arith.cmpi eq, %add3A, %eq3A_1326 : i32
    %jit3A_1328 = arith.constant -5307392 : i32
    %select_n3A_1329 = arith.select %eq3A_1327, %jit3A_1328, %select_n3A_1325 : i32
    %eq3A_1330 = arith.constant 14 : i32
    %eq3A_1331 = arith.cmpi eq, %add3A, %eq3A_1330 : i32
    %jit3A_1332 = arith.constant -5426176 : i32
    %select_n3A_1333 = arith.select %eq3A_1331, %jit3A_1332, %select_n3A_1329 : i32
    %eq3A_1334 = arith.constant 15 : i32
    %eq3A_1335 = arith.cmpi eq, %add3A, %eq3A_1334 : i32
    %jit3A_1336 = arith.constant -5544960 : i32
    %select_n3A_1337 = arith.select %eq3A_1335, %jit3A_1336, %select_n3A_1333 : i32
    %eq3A_1338 = arith.constant 16 : i32
    %eq3A_1339 = arith.cmpi eq, %add3A, %eq3A_1338 : i32
    %jit3A_1340 = arith.constant -5663744 : i32
    %select_n3A_1341 = arith.select %eq3A_1339, %jit3A_1340, %select_n3A_1337 : i32
    %eq3A_1342 = arith.constant 17 : i32
    %eq3A_1343 = arith.cmpi eq, %add3A, %eq3A_1342 : i32
    %jit3A_1344 = arith.constant -5782528 : i32
    %select_n3A_1345 = arith.select %eq3A_1343, %jit3A_1344, %select_n3A_1341 : i32
    %eq3A_1346 = arith.constant 18 : i32
    %eq3A_1347 = arith.cmpi eq, %add3A, %eq3A_1346 : i32
    %jit3A_1348 = arith.constant -5901312 : i32
    %select_n3A_1349 = arith.select %eq3A_1347, %jit3A_1348, %select_n3A_1345 : i32
    %eq3A_1350 = arith.constant 19 : i32
    %eq3A_1351 = arith.cmpi eq, %add3A, %eq3A_1350 : i32
    %jit3A_1352 = arith.constant -6020096 : i32
    %select_n3A_1353 = arith.select %eq3A_1351, %jit3A_1352, %select_n3A_1349 : i32
    %eq3A_1354 = arith.constant 20 : i32
    %eq3A_1355 = arith.cmpi eq, %add3A, %eq3A_1354 : i32
    %jit3A_1356 = arith.constant -6138880 : i32
    %select_n3A_1357 = arith.select %eq3A_1355, %jit3A_1356, %select_n3A_1353 : i32
    %eq3A_1358 = arith.constant 21 : i32
    %eq3A_1359 = arith.cmpi eq, %add3A, %eq3A_1358 : i32
    %jit3A_1360 = arith.constant -6257664 : i32
    %select_n3A_1361 = arith.select %eq3A_1359, %jit3A_1360, %select_n3A_1357 : i32
    %eq3A_1362 = arith.constant 22 : i32
    %eq3A_1363 = arith.cmpi eq, %add3A, %eq3A_1362 : i32
    %jit3A_1364 = arith.constant -1577984 : i32
    %select_n3A_1365 = arith.select %eq3A_1363, %jit3A_1364, %select_n3A_1361 : i32
    %eq3A_1366 = arith.constant 23 : i32
    %eq3A_1367 = arith.cmpi eq, %add3A, %eq3A_1366 : i32
    %jit3A_1368 = arith.constant -1696768 : i32
    %select_n3A_1369 = arith.select %eq3A_1367, %jit3A_1368, %select_n3A_1365 : i32
    %eq3A_1370 = arith.constant 24 : i32
    %eq3A_1371 = arith.cmpi eq, %add3A, %eq3A_1370 : i32
    %jit3A_1372 = arith.constant -1815552 : i32
    %select_n3A_1373 = arith.select %eq3A_1371, %jit3A_1372, %select_n3A_1369 : i32
    %eq3A_1374 = arith.constant 25 : i32
    %eq3A_1375 = arith.cmpi eq, %add3A, %eq3A_1374 : i32
    %jit3A_1376 = arith.constant -1934336 : i32
    %select_n3A_1377 = arith.select %eq3A_1375, %jit3A_1376, %select_n3A_1373 : i32
    %eq3A_1378 = arith.constant 26 : i32
    %eq3A_1379 = arith.cmpi eq, %add3A, %eq3A_1378 : i32
    %jit3A_1380 = arith.constant -2053120 : i32
    %select_n3A_1381 = arith.select %eq3A_1379, %jit3A_1380, %select_n3A_1377 : i32
    %eq3A_1382 = arith.constant 27 : i32
    %eq3A_1383 = arith.cmpi eq, %add3A, %eq3A_1382 : i32
    %jit3A_1384 = arith.constant -2171904 : i32
    %select_n3A_1385 = arith.select %eq3A_1383, %jit3A_1384, %select_n3A_1381 : i32
    %eq3A_1386 = arith.constant 28 : i32
    %eq3A_1387 = arith.cmpi eq, %add3A, %eq3A_1386 : i32
    %jit3A_1388 = arith.constant -2290688 : i32
    %select_n3A_1389 = arith.select %eq3A_1387, %jit3A_1388, %select_n3A_1385 : i32
    %eq3A_1390 = arith.constant 29 : i32
    %eq3A_1391 = arith.cmpi eq, %add3A, %eq3A_1390 : i32
    %jit3A_1392 = arith.constant -2409472 : i32
    %select_n3A_1393 = arith.select %eq3A_1391, %jit3A_1392, %select_n3A_1389 : i32
    %eq3A_1394 = arith.constant 30 : i32
    %eq3A_1395 = arith.cmpi eq, %add3A, %eq3A_1394 : i32
    %jit3A_1396 = arith.constant -2528256 : i32
    %select_n3A_1397 = arith.select %eq3A_1395, %jit3A_1396, %select_n3A_1393 : i32
    %eq3A_1398 = arith.constant 31 : i32
    %eq3A_1399 = arith.cmpi eq, %add3A, %eq3A_1398 : i32
    %jit3A_1400 = arith.constant 0 : i32
    %select_n3A_1401 = arith.select %eq3A_1399, %jit3A_1400, %select_n3A_1397 : i32
    %eq3A_1402 = arith.constant 1 : i32
    %eq3A_1403 = arith.cmpi eq, %add3A, %eq3A_1402 : i32
    %jit3A_1404 = arith.constant 118784 : i32
    %jit3A_1405 = arith.constant 118784 : i32
    %select_n3A_1406 = arith.select %eq3A_1403, %jit3A_1404, %jit3A_1405 : i32
    %eq3A_1407 = arith.constant 2 : i32
    %eq3A_1408 = arith.cmpi eq, %add3A, %eq3A_1407 : i32
    %jit3A_1409 = arith.constant 118784 : i32
    %select_n3A_1410 = arith.select %eq3A_1408, %jit3A_1409, %select_n3A_1406 : i32
    %eq3A_1411 = arith.constant 3 : i32
    %eq3A_1412 = arith.cmpi eq, %add3A, %eq3A_1411 : i32
    %jit3A_1413 = arith.constant 118784 : i32
    %select_n3A_1414 = arith.select %eq3A_1412, %jit3A_1413, %select_n3A_1410 : i32
    %eq3A_1415 = arith.constant 4 : i32
    %eq3A_1416 = arith.cmpi eq, %add3A, %eq3A_1415 : i32
    %jit3A_1417 = arith.constant 118784 : i32
    %select_n3A_1418 = arith.select %eq3A_1416, %jit3A_1417, %select_n3A_1414 : i32
    %eq3A_1419 = arith.constant 5 : i32
    %eq3A_1420 = arith.cmpi eq, %add3A, %eq3A_1419 : i32
    %jit3A_1421 = arith.constant 118784 : i32
    %select_n3A_1422 = arith.select %eq3A_1420, %jit3A_1421, %select_n3A_1418 : i32
    %eq3A_1423 = arith.constant 6 : i32
    %eq3A_1424 = arith.cmpi eq, %add3A, %eq3A_1423 : i32
    %jit3A_1425 = arith.constant 118784 : i32
    %select_n3A_1426 = arith.select %eq3A_1424, %jit3A_1425, %select_n3A_1422 : i32
    %eq3A_1427 = arith.constant 7 : i32
    %eq3A_1428 = arith.cmpi eq, %add3A, %eq3A_1427 : i32
    %jit3A_1429 = arith.constant 118784 : i32
    %select_n3A_1430 = arith.select %eq3A_1428, %jit3A_1429, %select_n3A_1426 : i32
    %eq3A_1431 = arith.constant 8 : i32
    %eq3A_1432 = arith.cmpi eq, %add3A, %eq3A_1431 : i32
    %jit3A_1433 = arith.constant 118784 : i32
    %select_n3A_1434 = arith.select %eq3A_1432, %jit3A_1433, %select_n3A_1430 : i32
    %eq3A_1435 = arith.constant 9 : i32
    %eq3A_1436 = arith.cmpi eq, %add3A, %eq3A_1435 : i32
    %jit3A_1437 = arith.constant 118784 : i32
    %select_n3A_1438 = arith.select %eq3A_1436, %jit3A_1437, %select_n3A_1434 : i32
    %eq3A_1439 = arith.constant 10 : i32
    %eq3A_1440 = arith.cmpi eq, %add3A, %eq3A_1439 : i32
    %jit3A_1441 = arith.constant 118784 : i32
    %select_n3A_1442 = arith.select %eq3A_1440, %jit3A_1441, %select_n3A_1438 : i32
    %eq3A_1443 = arith.constant 11 : i32
    %eq3A_1444 = arith.cmpi eq, %add3A, %eq3A_1443 : i32
    %jit3A_1445 = arith.constant 118784 : i32
    %select_n3A_1446 = arith.select %eq3A_1444, %jit3A_1445, %select_n3A_1442 : i32
    %eq3A_1447 = arith.constant 12 : i32
    %eq3A_1448 = arith.cmpi eq, %add3A, %eq3A_1447 : i32
    %jit3A_1449 = arith.constant 118784 : i32
    %select_n3A_1450 = arith.select %eq3A_1448, %jit3A_1449, %select_n3A_1446 : i32
    %eq3A_1451 = arith.constant 13 : i32
    %eq3A_1452 = arith.cmpi eq, %add3A, %eq3A_1451 : i32
    %jit3A_1453 = arith.constant 118784 : i32
    %select_n3A_1454 = arith.select %eq3A_1452, %jit3A_1453, %select_n3A_1450 : i32
    %eq3A_1455 = arith.constant 14 : i32
    %eq3A_1456 = arith.cmpi eq, %add3A, %eq3A_1455 : i32
    %jit3A_1457 = arith.constant 118784 : i32
    %select_n3A_1458 = arith.select %eq3A_1456, %jit3A_1457, %select_n3A_1454 : i32
    %eq3A_1459 = arith.constant 15 : i32
    %eq3A_1460 = arith.cmpi eq, %add3A, %eq3A_1459 : i32
    %jit3A_1461 = arith.constant 118784 : i32
    %select_n3A_1462 = arith.select %eq3A_1460, %jit3A_1461, %select_n3A_1458 : i32
    %eq3A_1463 = arith.constant 16 : i32
    %eq3A_1464 = arith.cmpi eq, %add3A, %eq3A_1463 : i32
    %jit3A_1465 = arith.constant 118784 : i32
    %select_n3A_1466 = arith.select %eq3A_1464, %jit3A_1465, %select_n3A_1462 : i32
    %eq3A_1467 = arith.constant 17 : i32
    %eq3A_1468 = arith.cmpi eq, %add3A, %eq3A_1467 : i32
    %jit3A_1469 = arith.constant 118784 : i32
    %select_n3A_1470 = arith.select %eq3A_1468, %jit3A_1469, %select_n3A_1466 : i32
    %eq3A_1471 = arith.constant 18 : i32
    %eq3A_1472 = arith.cmpi eq, %add3A, %eq3A_1471 : i32
    %jit3A_1473 = arith.constant 118784 : i32
    %select_n3A_1474 = arith.select %eq3A_1472, %jit3A_1473, %select_n3A_1470 : i32
    %eq3A_1475 = arith.constant 19 : i32
    %eq3A_1476 = arith.cmpi eq, %add3A, %eq3A_1475 : i32
    %jit3A_1477 = arith.constant 118784 : i32
    %select_n3A_1478 = arith.select %eq3A_1476, %jit3A_1477, %select_n3A_1474 : i32
    %eq3A_1479 = arith.constant 20 : i32
    %eq3A_1480 = arith.cmpi eq, %add3A, %eq3A_1479 : i32
    %jit3A_1481 = arith.constant 118784 : i32
    %select_n3A_1482 = arith.select %eq3A_1480, %jit3A_1481, %select_n3A_1478 : i32
    %eq3A_1483 = arith.constant 21 : i32
    %eq3A_1484 = arith.cmpi eq, %add3A, %eq3A_1483 : i32
    %jit3A_1485 = arith.constant 36864 : i32
    %select_n3A_1486 = arith.select %eq3A_1484, %jit3A_1485, %select_n3A_1482 : i32
    %eq3A_1487 = arith.constant 22 : i32
    %eq3A_1488 = arith.cmpi eq, %add3A, %eq3A_1487 : i32
    %jit3A_1489 = arith.constant 118784 : i32
    %select_n3A_1490 = arith.select %eq3A_1488, %jit3A_1489, %select_n3A_1486 : i32
    %eq3A_1491 = arith.constant 23 : i32
    %eq3A_1492 = arith.cmpi eq, %add3A, %eq3A_1491 : i32
    %jit3A_1493 = arith.constant 118784 : i32
    %select_n3A_1494 = arith.select %eq3A_1492, %jit3A_1493, %select_n3A_1490 : i32
    %eq3A_1495 = arith.constant 24 : i32
    %eq3A_1496 = arith.cmpi eq, %add3A, %eq3A_1495 : i32
    %jit3A_1497 = arith.constant 118784 : i32
    %select_n3A_1498 = arith.select %eq3A_1496, %jit3A_1497, %select_n3A_1494 : i32
    %eq3A_1499 = arith.constant 25 : i32
    %eq3A_1500 = arith.cmpi eq, %add3A, %eq3A_1499 : i32
    %jit3A_1501 = arith.constant 118784 : i32
    %select_n3A_1502 = arith.select %eq3A_1500, %jit3A_1501, %select_n3A_1498 : i32
    %eq3A_1503 = arith.constant 26 : i32
    %eq3A_1504 = arith.cmpi eq, %add3A, %eq3A_1503 : i32
    %jit3A_1505 = arith.constant 118784 : i32
    %select_n3A_1506 = arith.select %eq3A_1504, %jit3A_1505, %select_n3A_1502 : i32
    %eq3A_1507 = arith.constant 27 : i32
    %eq3A_1508 = arith.cmpi eq, %add3A, %eq3A_1507 : i32
    %jit3A_1509 = arith.constant 118784 : i32
    %select_n3A_1510 = arith.select %eq3A_1508, %jit3A_1509, %select_n3A_1506 : i32
    %eq3A_1511 = arith.constant 28 : i32
    %eq3A_1512 = arith.cmpi eq, %add3A, %eq3A_1511 : i32
    %jit3A_1513 = arith.constant 118784 : i32
    %select_n3A_1514 = arith.select %eq3A_1512, %jit3A_1513, %select_n3A_1510 : i32
    %eq3A_1515 = arith.constant 29 : i32
    %eq3A_1516 = arith.cmpi eq, %add3A, %eq3A_1515 : i32
    %jit3A_1517 = arith.constant 118784 : i32
    %select_n3A_1518 = arith.select %eq3A_1516, %jit3A_1517, %select_n3A_1514 : i32
    %eq3A_1519 = arith.constant 30 : i32
    %eq3A_1520 = arith.cmpi eq, %add3A, %eq3A_1519 : i32
    %jit3A_1521 = arith.constant 98304 : i32
    %select_n3A_1522 = arith.select %eq3A_1520, %jit3A_1521, %select_n3A_1518 : i32
    %eq3A_1523 = arith.constant 31 : i32
    %eq3A_1524 = arith.cmpi eq, %add3A, %eq3A_1523 : i32
    %jit3A_1525 = arith.constant 0 : i32
    %select_n3A_1526 = arith.select %eq3A_1524, %jit3A_1525, %select_n3A_1522 : i32
    %eq3A_1527 = arith.constant 1 : i32
    %eq3A_1528 = arith.cmpi eq, %add3A, %eq3A_1527 : i32
    %jit3A_1529 = arith.constant 1 : i32
    %jit3A_1530 = arith.constant 1 : i32
    %select_n3A_1531 = arith.select %eq3A_1528, %jit3A_1529, %jit3A_1530 : i32
    %eq3A_1532 = arith.constant 2 : i32
    %eq3A_1533 = arith.cmpi eq, %add3A, %eq3A_1532 : i32
    %jit3A_1534 = arith.constant 1 : i32
    %select_n3A_1535 = arith.select %eq3A_1533, %jit3A_1534, %select_n3A_1531 : i32
    %eq3A_1536 = arith.constant 3 : i32
    %eq3A_1537 = arith.cmpi eq, %add3A, %eq3A_1536 : i32
    %jit3A_1538 = arith.constant 1 : i32
    %select_n3A_1539 = arith.select %eq3A_1537, %jit3A_1538, %select_n3A_1535 : i32
    %eq3A_1540 = arith.constant 4 : i32
    %eq3A_1541 = arith.cmpi eq, %add3A, %eq3A_1540 : i32
    %jit3A_1542 = arith.constant 1 : i32
    %select_n3A_1543 = arith.select %eq3A_1541, %jit3A_1542, %select_n3A_1539 : i32
    %eq3A_1544 = arith.constant 5 : i32
    %eq3A_1545 = arith.cmpi eq, %add3A, %eq3A_1544 : i32
    %jit3A_1546 = arith.constant 1 : i32
    %select_n3A_1547 = arith.select %eq3A_1545, %jit3A_1546, %select_n3A_1543 : i32
    %eq3A_1548 = arith.constant 6 : i32
    %eq3A_1549 = arith.cmpi eq, %add3A, %eq3A_1548 : i32
    %jit3A_1550 = arith.constant 1 : i32
    %select_n3A_1551 = arith.select %eq3A_1549, %jit3A_1550, %select_n3A_1547 : i32
    %eq3A_1552 = arith.constant 7 : i32
    %eq3A_1553 = arith.cmpi eq, %add3A, %eq3A_1552 : i32
    %jit3A_1554 = arith.constant 1 : i32
    %select_n3A_1555 = arith.select %eq3A_1553, %jit3A_1554, %select_n3A_1551 : i32
    %eq3A_1556 = arith.constant 8 : i32
    %eq3A_1557 = arith.cmpi eq, %add3A, %eq3A_1556 : i32
    %jit3A_1558 = arith.constant 1 : i32
    %select_n3A_1559 = arith.select %eq3A_1557, %jit3A_1558, %select_n3A_1555 : i32
    %eq3A_1560 = arith.constant 9 : i32
    %eq3A_1561 = arith.cmpi eq, %add3A, %eq3A_1560 : i32
    %jit3A_1562 = arith.constant 1 : i32
    %select_n3A_1563 = arith.select %eq3A_1561, %jit3A_1562, %select_n3A_1559 : i32
    %eq3A_1564 = arith.constant 10 : i32
    %eq3A_1565 = arith.cmpi eq, %add3A, %eq3A_1564 : i32
    %jit3A_1566 = arith.constant 1 : i32
    %select_n3A_1567 = arith.select %eq3A_1565, %jit3A_1566, %select_n3A_1563 : i32
    %eq3A_1568 = arith.constant 11 : i32
    %eq3A_1569 = arith.cmpi eq, %add3A, %eq3A_1568 : i32
    %jit3A_1570 = arith.constant 1 : i32
    %select_n3A_1571 = arith.select %eq3A_1569, %jit3A_1570, %select_n3A_1567 : i32
    %eq3A_1572 = arith.constant 12 : i32
    %eq3A_1573 = arith.cmpi eq, %add3A, %eq3A_1572 : i32
    %jit3A_1574 = arith.constant 1 : i32
    %select_n3A_1575 = arith.select %eq3A_1573, %jit3A_1574, %select_n3A_1571 : i32
    %eq3A_1576 = arith.constant 13 : i32
    %eq3A_1577 = arith.cmpi eq, %add3A, %eq3A_1576 : i32
    %jit3A_1578 = arith.constant 1 : i32
    %select_n3A_1579 = arith.select %eq3A_1577, %jit3A_1578, %select_n3A_1575 : i32
    %eq3A_1580 = arith.constant 14 : i32
    %eq3A_1581 = arith.cmpi eq, %add3A, %eq3A_1580 : i32
    %jit3A_1582 = arith.constant 1 : i32
    %select_n3A_1583 = arith.select %eq3A_1581, %jit3A_1582, %select_n3A_1579 : i32
    %eq3A_1584 = arith.constant 15 : i32
    %eq3A_1585 = arith.cmpi eq, %add3A, %eq3A_1584 : i32
    %jit3A_1586 = arith.constant 1 : i32
    %select_n3A_1587 = arith.select %eq3A_1585, %jit3A_1586, %select_n3A_1583 : i32
    %eq3A_1588 = arith.constant 16 : i32
    %eq3A_1589 = arith.cmpi eq, %add3A, %eq3A_1588 : i32
    %jit3A_1590 = arith.constant 1 : i32
    %select_n3A_1591 = arith.select %eq3A_1589, %jit3A_1590, %select_n3A_1587 : i32
    %eq3A_1592 = arith.constant 17 : i32
    %eq3A_1593 = arith.cmpi eq, %add3A, %eq3A_1592 : i32
    %jit3A_1594 = arith.constant 1 : i32
    %select_n3A_1595 = arith.select %eq3A_1593, %jit3A_1594, %select_n3A_1591 : i32
    %eq3A_1596 = arith.constant 18 : i32
    %eq3A_1597 = arith.cmpi eq, %add3A, %eq3A_1596 : i32
    %jit3A_1598 = arith.constant 1 : i32
    %select_n3A_1599 = arith.select %eq3A_1597, %jit3A_1598, %select_n3A_1595 : i32
    %eq3A_1600 = arith.constant 19 : i32
    %eq3A_1601 = arith.cmpi eq, %add3A, %eq3A_1600 : i32
    %jit3A_1602 = arith.constant 1 : i32
    %select_n3A_1603 = arith.select %eq3A_1601, %jit3A_1602, %select_n3A_1599 : i32
    %eq3A_1604 = arith.constant 20 : i32
    %eq3A_1605 = arith.cmpi eq, %add3A, %eq3A_1604 : i32
    %jit3A_1606 = arith.constant 1 : i32
    %select_n3A_1607 = arith.select %eq3A_1605, %jit3A_1606, %select_n3A_1603 : i32
    %eq3A_1608 = arith.constant 21 : i32
    %eq3A_1609 = arith.cmpi eq, %add3A, %eq3A_1608 : i32
    %jit3A_1610 = arith.constant 1 : i32
    %select_n3A_1611 = arith.select %eq3A_1609, %jit3A_1610, %select_n3A_1607 : i32
    %eq3A_1612 = arith.constant 22 : i32
    %eq3A_1613 = arith.cmpi eq, %add3A, %eq3A_1612 : i32
    %jit3A_1614 = arith.constant 2 : i32
    %select_n3A_1615 = arith.select %eq3A_1613, %jit3A_1614, %select_n3A_1611 : i32
    %eq3A_1616 = arith.constant 23 : i32
    %eq3A_1617 = arith.cmpi eq, %add3A, %eq3A_1616 : i32
    %jit3A_1618 = arith.constant 2 : i32
    %select_n3A_1619 = arith.select %eq3A_1617, %jit3A_1618, %select_n3A_1615 : i32
    %eq3A_1620 = arith.constant 24 : i32
    %eq3A_1621 = arith.cmpi eq, %add3A, %eq3A_1620 : i32
    %jit3A_1622 = arith.constant 2 : i32
    %select_n3A_1623 = arith.select %eq3A_1621, %jit3A_1622, %select_n3A_1619 : i32
    %eq3A_1624 = arith.constant 25 : i32
    %eq3A_1625 = arith.cmpi eq, %add3A, %eq3A_1624 : i32
    %jit3A_1626 = arith.constant 2 : i32
    %select_n3A_1627 = arith.select %eq3A_1625, %jit3A_1626, %select_n3A_1623 : i32
    %eq3A_1628 = arith.constant 26 : i32
    %eq3A_1629 = arith.cmpi eq, %add3A, %eq3A_1628 : i32
    %jit3A_1630 = arith.constant 2 : i32
    %select_n3A_1631 = arith.select %eq3A_1629, %jit3A_1630, %select_n3A_1627 : i32
    %eq3A_1632 = arith.constant 27 : i32
    %eq3A_1633 = arith.cmpi eq, %add3A, %eq3A_1632 : i32
    %jit3A_1634 = arith.constant 2 : i32
    %select_n3A_1635 = arith.select %eq3A_1633, %jit3A_1634, %select_n3A_1631 : i32
    %eq3A_1636 = arith.constant 28 : i32
    %eq3A_1637 = arith.cmpi eq, %add3A, %eq3A_1636 : i32
    %jit3A_1638 = arith.constant 2 : i32
    %select_n3A_1639 = arith.select %eq3A_1637, %jit3A_1638, %select_n3A_1635 : i32
    %eq3A_1640 = arith.constant 29 : i32
    %eq3A_1641 = arith.cmpi eq, %add3A, %eq3A_1640 : i32
    %jit3A_1642 = arith.constant 2 : i32
    %select_n3A_1643 = arith.select %eq3A_1641, %jit3A_1642, %select_n3A_1639 : i32
    %eq3A_1644 = arith.constant 30 : i32
    %eq3A_1645 = arith.cmpi eq, %add3A, %eq3A_1644 : i32
    %jit3A_1646 = arith.constant 2 : i32
    %select_n3A_1647 = arith.select %eq3A_1645, %jit3A_1646, %select_n3A_1643 : i32
    %eq3A_1648 = arith.constant 31 : i32
    %eq3A_1649 = arith.cmpi eq, %add3A, %eq3A_1648 : i32
    %jit3A_1650 = arith.constant 3 : i32
    %select_n3A_1651 = arith.select %eq3A_1649, %jit3A_1650, %select_n3A_1647 : i32
    %eq3A_1652 = arith.constant 1 : i32
    %eq3A_1653 = arith.cmpi eq, %add3A, %eq3A_1652 : i32
    %jit3A_1654 = arith.constant 1781760 : i32
    %jit3A_1655 = arith.constant 1662976 : i32
    %select_n3A_1656 = arith.select %eq3A_1653, %jit3A_1654, %jit3A_1655 : i32
    %eq3A_1657 = arith.constant 2 : i32
    %eq3A_1658 = arith.cmpi eq, %add3A, %eq3A_1657 : i32
    %jit3A_1659 = arith.constant 1900544 : i32
    %select_n3A_1660 = arith.select %eq3A_1658, %jit3A_1659, %select_n3A_1656 : i32
    %eq3A_1661 = arith.constant 3 : i32
    %eq3A_1662 = arith.cmpi eq, %add3A, %eq3A_1661 : i32
    %jit3A_1663 = arith.constant 2019328 : i32
    %select_n3A_1664 = arith.select %eq3A_1662, %jit3A_1663, %select_n3A_1660 : i32
    %eq3A_1665 = arith.constant 4 : i32
    %eq3A_1666 = arith.cmpi eq, %add3A, %eq3A_1665 : i32
    %jit3A_1667 = arith.constant 2138112 : i32
    %select_n3A_1668 = arith.select %eq3A_1666, %jit3A_1667, %select_n3A_1664 : i32
    %eq3A_1669 = arith.constant 5 : i32
    %eq3A_1670 = arith.cmpi eq, %add3A, %eq3A_1669 : i32
    %jit3A_1671 = arith.constant 2256896 : i32
    %select_n3A_1672 = arith.select %eq3A_1670, %jit3A_1671, %select_n3A_1668 : i32
    %eq3A_1673 = arith.constant 6 : i32
    %eq3A_1674 = arith.cmpi eq, %add3A, %eq3A_1673 : i32
    %jit3A_1675 = arith.constant 2375680 : i32
    %select_n3A_1676 = arith.select %eq3A_1674, %jit3A_1675, %select_n3A_1672 : i32
    %eq3A_1677 = arith.constant 7 : i32
    %eq3A_1678 = arith.cmpi eq, %add3A, %eq3A_1677 : i32
    %jit3A_1679 = arith.constant 2494464 : i32
    %select_n3A_1680 = arith.select %eq3A_1678, %jit3A_1679, %select_n3A_1676 : i32
    %eq3A_1681 = arith.constant 8 : i32
    %eq3A_1682 = arith.cmpi eq, %add3A, %eq3A_1681 : i32
    %jit3A_1683 = arith.constant 2613248 : i32
    %select_n3A_1684 = arith.select %eq3A_1682, %jit3A_1683, %select_n3A_1680 : i32
    %eq3A_1685 = arith.constant 9 : i32
    %eq3A_1686 = arith.cmpi eq, %add3A, %eq3A_1685 : i32
    %jit3A_1687 = arith.constant 2732032 : i32
    %select_n3A_1688 = arith.select %eq3A_1686, %jit3A_1687, %select_n3A_1684 : i32
    %eq3A_1689 = arith.constant 10 : i32
    %eq3A_1690 = arith.cmpi eq, %add3A, %eq3A_1689 : i32
    %jit3A_1691 = arith.constant 2850816 : i32
    %select_n3A_1692 = arith.select %eq3A_1690, %jit3A_1691, %select_n3A_1688 : i32
    %eq3A_1693 = arith.constant 11 : i32
    %eq3A_1694 = arith.cmpi eq, %add3A, %eq3A_1693 : i32
    %jit3A_1695 = arith.constant 2969600 : i32
    %select_n3A_1696 = arith.select %eq3A_1694, %jit3A_1695, %select_n3A_1692 : i32
    %eq3A_1697 = arith.constant 12 : i32
    %eq3A_1698 = arith.cmpi eq, %add3A, %eq3A_1697 : i32
    %jit3A_1699 = arith.constant 3088384 : i32
    %select_n3A_1700 = arith.select %eq3A_1698, %jit3A_1699, %select_n3A_1696 : i32
    %eq3A_1701 = arith.constant 13 : i32
    %eq3A_1702 = arith.cmpi eq, %add3A, %eq3A_1701 : i32
    %jit3A_1703 = arith.constant 3207168 : i32
    %select_n3A_1704 = arith.select %eq3A_1702, %jit3A_1703, %select_n3A_1700 : i32
    %eq3A_1705 = arith.constant 14 : i32
    %eq3A_1706 = arith.cmpi eq, %add3A, %eq3A_1705 : i32
    %jit3A_1707 = arith.constant 3325952 : i32
    %select_n3A_1708 = arith.select %eq3A_1706, %jit3A_1707, %select_n3A_1704 : i32
    %eq3A_1709 = arith.constant 15 : i32
    %eq3A_1710 = arith.cmpi eq, %add3A, %eq3A_1709 : i32
    %jit3A_1711 = arith.constant 3444736 : i32
    %select_n3A_1712 = arith.select %eq3A_1710, %jit3A_1711, %select_n3A_1708 : i32
    %eq3A_1713 = arith.constant 16 : i32
    %eq3A_1714 = arith.cmpi eq, %add3A, %eq3A_1713 : i32
    %jit3A_1715 = arith.constant 3563520 : i32
    %select_n3A_1716 = arith.select %eq3A_1714, %jit3A_1715, %select_n3A_1712 : i32
    %eq3A_1717 = arith.constant 17 : i32
    %eq3A_1718 = arith.cmpi eq, %add3A, %eq3A_1717 : i32
    %jit3A_1719 = arith.constant 3682304 : i32
    %select_n3A_1720 = arith.select %eq3A_1718, %jit3A_1719, %select_n3A_1716 : i32
    %eq3A_1721 = arith.constant 18 : i32
    %eq3A_1722 = arith.cmpi eq, %add3A, %eq3A_1721 : i32
    %jit3A_1723 = arith.constant 3801088 : i32
    %select_n3A_1724 = arith.select %eq3A_1722, %jit3A_1723, %select_n3A_1720 : i32
    %eq3A_1725 = arith.constant 19 : i32
    %eq3A_1726 = arith.cmpi eq, %add3A, %eq3A_1725 : i32
    %jit3A_1727 = arith.constant 3919872 : i32
    %select_n3A_1728 = arith.select %eq3A_1726, %jit3A_1727, %select_n3A_1724 : i32
    %eq3A_1729 = arith.constant 20 : i32
    %eq3A_1730 = arith.cmpi eq, %add3A, %eq3A_1729 : i32
    %jit3A_1731 = arith.constant 4038656 : i32
    %select_n3A_1732 = arith.select %eq3A_1730, %jit3A_1731, %select_n3A_1728 : i32
    %eq3A_1733 = arith.constant 21 : i32
    %eq3A_1734 = arith.cmpi eq, %add3A, %eq3A_1733 : i32
    %jit3A_1735 = arith.constant 4157440 : i32
    %select_n3A_1736 = arith.select %eq3A_1734, %jit3A_1735, %select_n3A_1732 : i32
    %eq3A_1737 = arith.constant 22 : i32
    %eq3A_1738 = arith.cmpi eq, %add3A, %eq3A_1737 : i32
    %jit3A_1739 = arith.constant 0 : i32
    %select_n3A_1740 = arith.select %eq3A_1738, %jit3A_1739, %select_n3A_1736 : i32
    %eq3A_1741 = arith.constant 23 : i32
    %eq3A_1742 = arith.cmpi eq, %add3A, %eq3A_1741 : i32
    %jit3A_1743 = arith.constant 118784 : i32
    %select_n3A_1744 = arith.select %eq3A_1742, %jit3A_1743, %select_n3A_1740 : i32
    %eq3A_1745 = arith.constant 24 : i32
    %eq3A_1746 = arith.cmpi eq, %add3A, %eq3A_1745 : i32
    %jit3A_1747 = arith.constant 237568 : i32
    %select_n3A_1748 = arith.select %eq3A_1746, %jit3A_1747, %select_n3A_1744 : i32
    %eq3A_1749 = arith.constant 25 : i32
    %eq3A_1750 = arith.cmpi eq, %add3A, %eq3A_1749 : i32
    %jit3A_1751 = arith.constant 356352 : i32
    %select_n3A_1752 = arith.select %eq3A_1750, %jit3A_1751, %select_n3A_1748 : i32
    %eq3A_1753 = arith.constant 26 : i32
    %eq3A_1754 = arith.cmpi eq, %add3A, %eq3A_1753 : i32
    %jit3A_1755 = arith.constant 475136 : i32
    %select_n3A_1756 = arith.select %eq3A_1754, %jit3A_1755, %select_n3A_1752 : i32
    %eq3A_1757 = arith.constant 27 : i32
    %eq3A_1758 = arith.cmpi eq, %add3A, %eq3A_1757 : i32
    %jit3A_1759 = arith.constant 593920 : i32
    %select_n3A_1760 = arith.select %eq3A_1758, %jit3A_1759, %select_n3A_1756 : i32
    %eq3A_1761 = arith.constant 28 : i32
    %eq3A_1762 = arith.cmpi eq, %add3A, %eq3A_1761 : i32
    %jit3A_1763 = arith.constant 712704 : i32
    %select_n3A_1764 = arith.select %eq3A_1762, %jit3A_1763, %select_n3A_1760 : i32
    %eq3A_1765 = arith.constant 29 : i32
    %eq3A_1766 = arith.cmpi eq, %add3A, %eq3A_1765 : i32
    %jit3A_1767 = arith.constant 831488 : i32
    %select_n3A_1768 = arith.select %eq3A_1766, %jit3A_1767, %select_n3A_1764 : i32
    %eq3A_1769 = arith.constant 30 : i32
    %eq3A_1770 = arith.cmpi eq, %add3A, %eq3A_1769 : i32
    %jit3A_1771 = arith.constant 950272 : i32
    %select_n3A_1772 = arith.select %eq3A_1770, %jit3A_1771, %select_n3A_1768 : i32
    %eq3A_1773 = arith.constant 31 : i32
    %eq3A_1774 = arith.cmpi eq, %add3A, %eq3A_1773 : i32
    %jit3A_1775 = arith.constant 0 : i32
    %select_n3A_1776 = arith.select %eq3A_1774, %jit3A_1775, %select_n3A_1772 : i32
    %scan3A_1777 = arith.constant 0 : i32
    %scan3A_1778 = arith.constant 7424 : i32
    %scan3A_1779 = arith.addi %scan3A_1777, %scan3A_1778 : i32
    %scan3A_1780 = arith.constant 8 : i32
    scf.for %scan3A_1819 = %scan3A_1777 to %scan3A_1779 step %scan3A_1780  : i32 {
      %mul3A_1820 = arith.constant 1 : i32
      %mul3A_1821 = arith.muli %scan3A_1819, %mul3A_1820 : i32
      %add3A_1822 = arith.constant 0 : i32
      %add3A_1823 = arith.addi %add3A_1822, %mul3A_1821 : i32
      %broadcast_in_dim3A = arith.constant 0.000000e+00 : f32
      %broadcast_in_dim3A_1824 = vector.broadcast %broadcast_in_dim3A : f32 to vector<16xf32>
      %mul3A_1825 = arith.constant 16 : i32
      %mul3A_1826 = arith.muli %add3A_1823, %mul3A_1825 : i32
      %swap3A = arith.index_cast %mul3A_1826 : i32 to index
      %swap3A_1827 = tpu.vector_load %arg6[%swap3A] {strides = array<i32>} : memref<118784xf32, #tpu.memory_space<vmem>>, vector<16xf32>,
      tpu.vector_store %arg6[%swap3A], %broadcast_in_dim3A_1824 {strides = array<i32>} : memref<118784xf32, #tpu.memory_space<vmem>>, vector<16xf32>,
      %scan3A_1828 = arith.constant 1 : i32
      %scan3A_1829 = arith.addi %scan3A_1819, %scan3A_1828 : i32
      %mul3A_1830 = arith.constant 1 : i32
      %mul3A_1831 = arith.muli %scan3A_1829, %mul3A_1830 : i32
      %add3A_1832 = arith.constant 0 : i32
      %add3A_1833 = arith.addi %add3A_1832, %mul3A_1831 : i32
      %broadcast_in_dim3A_1834 = arith.constant 0.000000e+00 : f32
      %broadcast_in_dim3A_1835 = vector.broadcast %broadcast_in_dim3A_1834 : f32 to vector<16xf32>
      %mul3A_1836 = arith.constant 16 : i32
      %mul3A_1837 = arith.muli %add3A_1833, %mul3A_1836 : i32
      %swap3A_1838 = arith.index_cast %mul3A_1837 : i32 to index
      %swap3A_1839 = tpu.vector_load %arg6[%swap3A_1838] {strides = array<i32>} : memref<118784xf32, #tpu.memory_space<vmem>>, vector<16xf32>,
      tpu.vector_store %arg6[%swap3A_1838], %broadcast_in_dim3A_1835 {strides = array<i32>} : memref<118784xf32, #tpu.memory_space<vmem>>, vector<16xf32>,
      %scan3A_1840 = arith.constant 2 : i32
      %scan3A_1841 = arith.addi %scan3A_1819, %scan3A_1840 : i32
      %mul3A_1842 = arith.constant 1 : i32
      %mul3A_1843 = arith.muli %scan3A_1841, %mul3A_1842 : i32
      %add3A_1844 = arith.constant 0 : i32
      %add3A_1845 = arith.addi %add3A_1844, %mul3A_1843 : i32
      %broadcast_in_dim3A_1846 = arith.constant 0.000000e+00 : f32
      %broadcast_in_dim3A_1847 = vector.broadcast %broadcast_in_dim3A_1846 : f32 to vector<16xf32>
      %mul3A_1848 = arith.constant 16 : i32
      %mul3A_1849 = arith.muli %add3A_1845, %mul3A_1848 : i32
      %swap3A_1850 = arith.index_cast %mul3A_1849 : i32 to index
      %swap3A_1851 = tpu.vector_load %arg6[%swap3A_1850] {strides = array<i32>} : memref<118784xf32, #tpu.memory_space<vmem>>, vector<16xf32>,
      tpu.vector_store %arg6[%swap3A_1850], %broadcast_in_dim3A_1847 {strides = array<i32>} : memref<118784xf32, #tpu.memory_space<vmem>>, vector<16xf32>,
      %scan3A_1852 = arith.constant 3 : i32
      %scan3A_1853 = arith.addi %scan3A_1819, %scan3A_1852 : i32
      %mul3A_1854 = arith.constant 1 : i32
      %mul3A_1855 = arith.muli %scan3A_1853, %mul3A_1854 : i32
      %add3A_1856 = arith.constant 0 : i32
      %add3A_1857 = arith.addi %add3A_1856, %mul3A_1855 : i32
      %broadcast_in_dim3A_1858 = arith.constant 0.000000e+00 : f32
      %broadcast_in_dim3A_1859 = vector.broadcast %broadcast_in_dim3A_1858 : f32 to vector<16xf32>
      %mul3A_1860 = arith.constant 16 : i32
      %mul3A_1861 = arith.muli %add3A_1857, %mul3A_1860 : i32
      %swap3A_1862 = arith.index_cast %mul3A_1861 : i32 to index
      %swap3A_1863 = tpu.vector_load %arg6[%swap3A_1862] {strides = array<i32>} : memref<118784xf32, #tpu.memory_space<vmem>>, vector<16xf32>,
      tpu.vector_store %arg6[%swap3A_1862], %broadcast_in_dim3A_1859 {strides = array<i32>} : memref<118784xf32, #tpu.memory_space<vmem>>, vector<16xf32>,
      %scan3A_1864 = arith.constant 4 : i32
      %scan3A_1865 = arith.addi %scan3A_1819, %scan3A_1864 : i32
      %mul3A_1866 = arith.constant 1 : i32
      %mul3A_1867 = arith.muli %scan3A_1865, %mul3A_1866 : i32
      %add3A_1868 = arith.constant 0 : i32
      %add3A_1869 = arith.addi %add3A_1868, %mul3A_1867 : i32
      %broadcast_in_dim3A_1870 = arith.constant 0.000000e+00 : f32
      %broadcast_in_dim3A_1871 = vector.broadcast %broadcast_in_dim3A_1870 : f32 to vector<16xf32>
      %mul3A_1872 = arith.constant 16 : i32
      %mul3A_1873 = arith.muli %add3A_1869, %mul3A_1872 : i32
      %swap3A_1874 = arith.index_cast %mul3A_1873 : i32 to index
      %swap3A_1875 = tpu.vector_load %arg6[%swap3A_1874] {strides = array<i32>} : memref<118784xf32, #tpu.memory_space<vmem>>, vector<16xf32>,
      tpu.vector_store %arg6[%swap3A_1874], %broadcast_in_dim3A_1871 {strides = array<i32>} : memref<118784xf32, #tpu.memory_space<vmem>>, vector<16xf32>,
      %scan3A_1876 = arith.constant 5 : i32
      %scan3A_1877 = arith.addi %scan3A_1819, %scan3A_1876 : i32
      %mul3A_1878 = arith.constant 1 : i32
      %mul3A_1879 = arith.muli %scan3A_1877, %mul3A_1878 : i32
      %add3A_1880 = arith.constant 0 : i32
      %add3A_1881 = arith.addi %add3A_1880, %mul3A_1879 : i32
      %broadcast_in_dim3A_1882 = arith.constant 0.000000e+00 : f32
      %broadcast_in_dim3A_1883 = vector.broadcast %broadcast_in_dim3A_1882 : f32 to vector<16xf32>
      %mul3A_1884 = arith.constant 16 : i32
      %mul3A_1885 = arith.muli %add3A_1881, %mul3A_1884 : i32
      %swap3A_1886 = arith.index_cast %mul3A_1885 : i32 to index
      %swap3A_1887 = tpu.vector_load %arg6[%swap3A_1886] {strides = array<i32>} : memref<118784xf32, #tpu.memory_space<vmem>>, vector<16xf32>,
      tpu.vector_store %arg6[%swap3A_1886], %broadcast_in_dim3A_1883 {strides = array<i32>} : memref<118784xf32, #tpu.memory_space<vmem>>, vector<16xf32>,
      %scan3A_1888 = arith.constant 6 : i32
      %scan3A_1889 = arith.addi %scan3A_1819, %scan3A_1888 : i32
      %mul3A_1890 = arith.constant 1 : i32
      %mul3A_1891 = arith.muli %scan3A_1889, %mul3A_1890 : i32
      %add3A_1892 = arith.constant 0 : i32
      %add3A_1893 = arith.addi %add3A_1892, %mul3A_1891 : i32
      %broadcast_in_dim3A_1894 = arith.constant 0.000000e+00 : f32
      %broadcast_in_dim3A_1895 = vector.broadcast %broadcast_in_dim3A_1894 : f32 to vector<16xf32>
      %mul3A_1896 = arith.constant 16 : i32
      %mul3A_1897 = arith.muli %add3A_1893, %mul3A_1896 : i32
      %swap3A_1898 = arith.index_cast %mul3A_1897 : i32 to index
      %swap3A_1899 = tpu.vector_load %arg6[%swap3A_1898] {strides = array<i32>} : memref<118784xf32, #tpu.memory_space<vmem>>, vector<16xf32>,
      tpu.vector_store %arg6[%swap3A_1898], %broadcast_in_dim3A_1895 {strides = array<i32>} : memref<118784xf32, #tpu.memory_space<vmem>>, vector<16xf32>,
      %scan3A_1900 = arith.constant 7 : i32
      %scan3A_1901 = arith.addi %scan3A_1819, %scan3A_1900 : i32
      %mul3A_1902 = arith.constant 1 : i32
      %mul3A_1903 = arith.muli %scan3A_1901, %mul3A_1902 : i32
      %add3A_1904 = arith.constant 0 : i32
      %add3A_1905 = arith.addi %add3A_1904, %mul3A_1903 : i32
      %broadcast_in_dim3A_1906 = arith.constant 0.000000e+00 : f32
      %broadcast_in_dim3A_1907 = vector.broadcast %broadcast_in_dim3A_1906 : f32 to vector<16xf32>
      %mul3A_1908 = arith.constant 16 : i32
      %mul3A_1909 = arith.muli %add3A_1905, %mul3A_1908 : i32
      %swap3A_1910 = arith.index_cast %mul3A_1909 : i32 to index
      %swap3A_1911 = tpu.vector_load %arg6[%swap3A_1910] {strides = array<i32>} : memref<118784xf32, #tpu.memory_space<vmem>>, vector<16xf32>,
      tpu.vector_store %arg6[%swap3A_1910], %broadcast_in_dim3A_1907 {strides = array<i32>} : memref<118784xf32, #tpu.memory_space<vmem>>, vector<16xf32>,
    }
    %scan3A_1781 = arith.constant 7424 : i32
    %gt3A_1782 = arith.constant 0 : i32
    %gt3A_1783 = arith.cmpi sgt, %select_n3A_1151, %gt3A_1782 : i32
    %convert_element_type3A_1784 = arith.extui %gt3A_1783 : i1 to i32
    %cond3A_1785 = arith.constant 0 : i32
    %cond3A_1786 = arith.cmpi ne, %convert_element_type3A_1784, %cond3A_1785 : i32
    scf.if %cond3A_1786 {
      %multiple_of3A = tpu.assume_multiple %select_n3A_1026, 1024 : i32
      %dma_start3A = arith.constant 0 : i32
      %dma_start3A_1819 = tpu.memref_slice %arg2[%dma_start3A, %multiple_of3A] : memref<3x294912xi32, #tpu.memory_space<hbm>> -> memref<3x1024xi32, #tpu.memory_space<hbm>>
      %dma_start3A_1820 = arith.constant 0 : i32
      %dma_start3A_1821 = tpu.memref_slice %arg2[%dma_start3A_1820, %multiple_of3A] : memref<3x294912xi32, #tpu.memory_space<hbm>> -> memref<3x1024xi32, #tpu.memory_space<hbm>>
      tpu.enqueue_dma source(%dma_start3A_1821 : memref<3x1024xi32, #tpu.memory_space<hbm>>) target(%arg7 : memref<3x1024xi32, #tpu.memory_space<vmem>>) target_semaphore(%arg9 : memref<!tpu.dma_semaphore, #tpu.memory_space<semaphore_mem>>)
      %jit3A_1822 = arith.constant 2 : i32
      %div3A = arith.divsi %select_n3A_1151, %jit3A_1822 : i32
      %sign3A = arith.constant 0 : i32
      %sign3A_1823 = arith.cmpi sgt, %select_n3A_1151, %sign3A : i32
      %sign3A_1824 = arith.extui %sign3A_1823 : i1 to i32
      %sign3A_1825 = arith.constant 0 : i32
      %sign3A_1826 = arith.cmpi slt, %select_n3A_1151, %sign3A_1825 : i32
      %sign3A_1827 = arith.extui %sign3A_1826 : i1 to i32
      %sign3A_1828 = arith.subi %sign3A_1824, %sign3A_1827 : i32
      %sign3A_1829 = arith.constant 0 : i32
      %sign3A_1830 = arith.cmpi sgt, %jit3A_1822, %sign3A_1829 : i32
      %sign3A_1831 = arith.extui %sign3A_1830 : i1 to i32
      %sign3A_1832 = arith.constant 0 : i32
      %sign3A_1833 = arith.cmpi slt, %jit3A_1822, %sign3A_1832 : i32
      %sign3A_1834 = arith.extui %sign3A_1833 : i1 to i32
      %sign3A_1835 = arith.subi %sign3A_1831, %sign3A_1834 : i32
      %ne3A = arith.cmpi ne, %sign3A_1828, %sign3A_1835 : i32
      %rem3A = arith.remsi %select_n3A_1151, %jit3A_1822 : i32
      %ne3A_1836 = arith.constant 0 : i32
      %ne3A_1837 = arith.cmpi ne, %rem3A, %ne3A_1836 : i32
      %and3A_1838 = arith.andi %ne3A, %ne3A_1837 : i1
      %sub3A = arith.constant 1 : i32
      %sub3A_1839 = arith.subi %div3A, %sub3A : i32
      %select_n3A_1840 = arith.select %and3A_1838, %sub3A_1839, %div3A : i32
      %sub3A_1841 = arith.constant 0 : i32
      %sub3A_1842 = arith.subi %select_n3A_1840, %sub3A_1841 : i32
      %sub3A_1843 = arith.constant 1 : i32
      %sub3A_1844 = arith.constant 1 : i32
      %sub3A_1845 = arith.subi %sub3A_1843, %sub3A_1844 : i32
      %add3A_1846 = arith.addi %sub3A_1842, %sub3A_1845 : i32
      %div3A_1847 = arith.constant 1 : i32
      %div3A_1848 = arith.divsi %add3A_1846, %div3A_1847 : i32
      %while3A = arith.constant 1 : i32
      %while3A_1849 = arith.constant 0 : i32
      %while3A_1850 = arith.constant 0 : i32
      %while3A_1851 = arith.subi %div3A_1848, %while3A_1850 : i32
      %while3A_1852 = arith.addi %while3A_1850, %while3A_1851 : i32
      %while3A_1853 = arith.constant 1 : i32
      %while3A_1854 = arith.divsi %while3A_1851, %while3A_1853 : i32
      %while3A_1855 = arith.muli %while3A_1854, %while3A_1853 : i32
      %while3A_1856 = arith.addi %while3A_1850, %while3A_1855 : i32
      %while3A_1857 = arith.constant 1 : i32
      scf.for %while3A_1859 = %while3A_1850 to %while3A_1856 step %while3A_1857  : i32 {
        %mul3A_1860 = arith.muli %while3A_1859, %while3A : i32
        %add3A_1861 = arith.addi %while3A_1849, %mul3A_1860 : i32
        %mul3A_1862 = arith.constant 2 : i32
        %mul3A_1863 = arith.muli %mul3A_1862, %add3A_1861 : i32
        %add3A_1864 = arith.constant 1 : i32
        %add3A_1865 = arith.addi %mul3A_1863, %add3A_1864 : i32
        %mul3A_1866 = arith.constant 1024 : i32
        %mul3A_1867 = arith.muli %add3A_1865, %mul3A_1866 : i32
        %add3A_1868 = arith.addi %select_n3A_1026, %mul3A_1867 : i32
        %multiple_of3A_1869 = tpu.assume_multiple %add3A_1868, 1024 : i32
        %dma_start3A_1870 = arith.constant 0 : i32
        %dma_start3A_1871 = tpu.memref_slice %arg2[%dma_start3A_1870, %multiple_of3A_1869] : memref<3x294912xi32, #tpu.memory_space<hbm>> -> memref<3x1024xi32, #tpu.memory_space<hbm>>
        %dma_start3A_1872 = arith.constant 0 : i32
        %dma_start3A_1873 = tpu.memref_slice %arg2[%dma_start3A_1872, %multiple_of3A_1869] : memref<3x294912xi32, #tpu.memory_space<hbm>> -> memref<3x1024xi32, #tpu.memory_space<hbm>>
        tpu.enqueue_dma source(%dma_start3A_1873 : memref<3x1024xi32, #tpu.memory_space<hbm>>) target(%arg8 : memref<3x1024xi32, #tpu.memory_space<vmem>>) target_semaphore(%arg10 : memref<!tpu.dma_semaphore, #tpu.memory_space<semaphore_mem>>)
        %mul3A_1874 = arith.constant 1024 : i32
        %mul3A_1875 = arith.muli %mul3A_1863, %mul3A_1874 : i32
        %add3A_1876 = arith.addi %select_n3A_1026, %mul3A_1875 : i32
        %multiple_of3A_1877 = tpu.assume_multiple %add3A_1876, 1024 : i32
        %dma_wait3A = arith.constant 0 : i32
        %dma_wait3A_1878 = tpu.memref_slice %arg2[%dma_wait3A, %multiple_of3A_1877] : memref<3x294912xi32, #tpu.memory_space<hbm>> -> memref<3x1024xi32, #tpu.memory_space<hbm>>
        %dma_wait3A_1879 = arith.constant 0 : i32
        %dma_wait3A_1880 = tpu.memref_slice %arg2[%dma_wait3A_1879, %multiple_of3A_1877] : memref<3x294912xi32, #tpu.memory_space<hbm>> -> memref<3x1024xi32, #tpu.memory_space<hbm>>
        tpu.wait_dma2 semaphore(%arg9 : memref<!tpu.dma_semaphore, #tpu.memory_space<semaphore_mem>>) src(%dma_wait3A_1880 : memref<3x1024xi32, #tpu.memory_space<hbm>>) dst(%arg7 : memref<3x1024xi32, #tpu.memory_space<vmem>>)
        %parallel_loop3A = arith.constant 0 : i32
        %parallel_loop3A_1881 = arith.constant 64 : i32
        %parallel_loop3A_1882 = arith.constant 1 : i32
        scf.for %parallel_loop3A_1901 = %parallel_loop3A to %parallel_loop3A_1881 step %parallel_loop3A_1882  : i32 {
          %parallel_loop3A_1902 = arith.constant 16 : i32
          %parallel_loop3A_1903 = arith.muli %parallel_loop3A_1901, %parallel_loop3A_1902 : i32
          %parallel_loop3A_1904 = arith.constant 0 : i32
          %parallel_loop3A_1905 = arith.index_cast %parallel_loop3A_1904 : i32 to index
          %parallel_loop3A_1906 = arith.index_cast %parallel_loop3A_1903 : i32 to index
          %parallel_loop3A_1907 = tpu.vector_load %arg7[%parallel_loop3A_1905, %parallel_loop3A_1906] {strides = array<i32>} : memref<3x1024xi32, #tpu.memory_space<vmem>>, vector<16xi32>,
          %parallel_loop3A_1908 = arith.constant 16 : i32
          %parallel_loop3A_1909 = arith.muli %parallel_loop3A_1901, %parallel_loop3A_1908 : i32
          %parallel_loop3A_1910 = arith.constant 1 : i32
          %parallel_loop3A_1911 = arith.index_cast %parallel_loop3A_1910 : i32 to index
          %parallel_loop3A_1912 = arith.index_cast %parallel_loop3A_1909 : i32 to index
          %parallel_loop3A_1913 = tpu.vector_load %arg7[%parallel_loop3A_1911, %parallel_loop3A_1912] {strides = array<i32>} : memref<3x1024xi32, #tpu.memory_space<vmem>>, vector<16xi32>,
          %parallel_loop3A_1914 = arith.constant 16 : i32
          %parallel_loop3A_1915 = arith.muli %parallel_loop3A_1901, %parallel_loop3A_1914 : i32
          %parallel_loop3A_1916 = arith.constant 2 : i32
          %parallel_loop3A_1917 = arith.index_cast %parallel_loop3A_1916 : i32 to index
          %parallel_loop3A_1918 = arith.index_cast %parallel_loop3A_1915 : i32 to index
          %parallel_loop3A_1919 = tpu.vector_load %arg7[%parallel_loop3A_1917, %parallel_loop3A_1918] {strides = array<i32>} : memref<3x1024xi32, #tpu.memory_space<vmem>>, vector<16xi32>,
          %parallel_loop3A_1920 = vector.bitcast %parallel_loop3A_1919 : vector<16xi32> to vector<16xf32>
          %parallel_loop3A_1921 = vector.broadcast %select_n3A_1276 : i32 to vector<16xi32>
          %parallel_loop3A_1922 = arith.muli %parallel_loop3A_1907, %parallel_loop3A_1921 : vector<16xi32>
          %parallel_loop3A_1923 = arith.addi %parallel_loop3A_1922, %parallel_loop3A_1913 : vector<16xi32>
          %parallel_loop3A_1924 = vector.broadcast %select_n3A_1401 : i32 to vector<16xi32>
          %parallel_loop3A_1925 = arith.addi %parallel_loop3A_1923, %parallel_loop3A_1924 : vector<16xi32>
          %parallel_loop3A_1926 = arith.constant 0 : i32
          %parallel_loop3A_1927 = vector.broadcast %parallel_loop3A_1926 : i32 to vector<16xi32>
          %parallel_loop3A_1928 = arith.cmpi sge, %parallel_loop3A_1925, %parallel_loop3A_1927 : vector<16xi32>
          %parallel_loop3A_1929 = vector.broadcast %select_n3A_1526 : i32 to vector<16xi32>
          %parallel_loop3A_1930 = arith.cmpi slt, %parallel_loop3A_1925, %parallel_loop3A_1929 : vector<16xi32>
          %parallel_loop3A_1931 = arith.andi %parallel_loop3A_1928, %parallel_loop3A_1930 : vector<16xi1>
          %parallel_loop3A_1932 = arith.constant 0 : i32
          %parallel_loop3A_1933 = vector.broadcast %parallel_loop3A_1932 : i32 to vector<16xi32>
          %parallel_loop3A_1934 = arith.select %parallel_loop3A_1931, %parallel_loop3A_1925, %parallel_loop3A_1933 : vector<16xi1>, vector<16xi32>
          %parallel_loop3A_1935 = arith.constant 0.000000e+00 : f32
          %parallel_loop3A_1936 = vector.broadcast %parallel_loop3A_1935 : f32 to vector<16xf32>
          %parallel_loop3A_1937 = arith.select %parallel_loop3A_1931, %parallel_loop3A_1920, %parallel_loop3A_1936 : vector<16xi1>, vector<16xf32>
          tpu.vector_store_idx %arg6[%parallel_loop3A_1934], %parallel_loop3A_1937 {add = true} : memref<118784xf32, #tpu.memory_space<vmem>>[vector<16xi32>], vector<16xf32>,
        } {sc.loop_unroll_factor = 4 : i64, sc.parallel_access}
        %add3A_1883 = arith.constant 2 : i32
        %add3A_1884 = arith.addi %mul3A_1863, %add3A_1883 : i32
        %lt3A = arith.cmpi slt, %add3A_1884, %select_n3A_1151 : i32
        %convert_element_type3A_1885 = arith.extui %lt3A : i1 to i32
        %cond3A_1886 = arith.constant 0 : i32
        %cond3A_1887 = arith.cmpi ne, %convert_element_type3A_1885, %cond3A_1886 : i32
        scf.if %cond3A_1887 {
          %add3A_1901 = arith.constant 2 : i32
          %add3A_1902 = arith.addi %mul3A_1863, %add3A_1901 : i32
          %mul3A_1903 = arith.constant 1024 : i32
          %mul3A_1904 = arith.muli %add3A_1902, %mul3A_1903 : i32
          %add3A_1905 = arith.addi %select_n3A_1026, %mul3A_1904 : i32
          %multiple_of3A_1906 = tpu.assume_multiple %add3A_1905, 1024 : i32
          %dma_start3A_1907 = arith.constant 0 : i32
          %dma_start3A_1908 = tpu.memref_slice %arg2[%dma_start3A_1907, %multiple_of3A_1906] : memref<3x294912xi32, #tpu.memory_space<hbm>> -> memref<3x1024xi32, #tpu.memory_space<hbm>>
          %dma_start3A_1909 = arith.constant 0 : i32
          %dma_start3A_1910 = tpu.memref_slice %arg2[%dma_start3A_1909, %multiple_of3A_1906] : memref<3x294912xi32, #tpu.memory_space<hbm>> -> memref<3x1024xi32, #tpu.memory_space<hbm>>
          tpu.enqueue_dma source(%dma_start3A_1910 : memref<3x1024xi32, #tpu.memory_space<hbm>>) target(%arg7 : memref<3x1024xi32, #tpu.memory_space<vmem>>) target_semaphore(%arg9 : memref<!tpu.dma_semaphore, #tpu.memory_space<semaphore_mem>>)
        } else {
        }
        %add3A_1888 = arith.constant 1 : i32
        %add3A_1889 = arith.addi %mul3A_1863, %add3A_1888 : i32
        %mul3A_1890 = arith.constant 1024 : i32
        %mul3A_1891 = arith.muli %add3A_1889, %mul3A_1890 : i32
        %add3A_1892 = arith.addi %select_n3A_1026, %mul3A_1891 : i32
        %multiple_of3A_1893 = tpu.assume_multiple %add3A_1892, 1024 : i32
        %dma_wait3A_1894 = arith.constant 0 : i32
        %dma_wait3A_1895 = tpu.memref_slice %arg2[%dma_wait3A_1894, %multiple_of3A_1893] : memref<3x294912xi32, #tpu.memory_space<hbm>> -> memref<3x1024xi32, #tpu.memory_space<hbm>>
        %dma_wait3A_1896 = arith.constant 0 : i32
        %dma_wait3A_1897 = tpu.memref_slice %arg2[%dma_wait3A_1896, %multiple_of3A_1893] : memref<3x294912xi32, #tpu.memory_space<hbm>> -> memref<3x1024xi32, #tpu.memory_space<hbm>>
        tpu.wait_dma2 semaphore(%arg10 : memref<!tpu.dma_semaphore, #tpu.memory_space<semaphore_mem>>) src(%dma_wait3A_1897 : memref<3x1024xi32, #tpu.memory_space<hbm>>) dst(%arg8 : memref<3x1024xi32, #tpu.memory_space<vmem>>)
        %parallel_loop3A_1898 = arith.constant 0 : i32
        %parallel_loop3A_1899 = arith.constant 64 : i32
        %parallel_loop3A_1900 = arith.constant 1 : i32
        scf.for %parallel_loop3A_1901 = %parallel_loop3A_1898 to %parallel_loop3A_1899 step %parallel_loop3A_1900  : i32 {
          %parallel_loop3A_1902 = arith.constant 16 : i32
          %parallel_loop3A_1903 = arith.muli %parallel_loop3A_1901, %parallel_loop3A_1902 : i32
          %parallel_loop3A_1904 = arith.constant 0 : i32
          %parallel_loop3A_1905 = arith.index_cast %parallel_loop3A_1904 : i32 to index
          %parallel_loop3A_1906 = arith.index_cast %parallel_loop3A_1903 : i32 to index
          %parallel_loop3A_1907 = tpu.vector_load %arg8[%parallel_loop3A_1905, %parallel_loop3A_1906] {strides = array<i32>} : memref<3x1024xi32, #tpu.memory_space<vmem>>, vector<16xi32>,
          %parallel_loop3A_1908 = arith.constant 16 : i32
          %parallel_loop3A_1909 = arith.muli %parallel_loop3A_1901, %parallel_loop3A_1908 : i32
          %parallel_loop3A_1910 = arith.constant 1 : i32
          %parallel_loop3A_1911 = arith.index_cast %parallel_loop3A_1910 : i32 to index
          %parallel_loop3A_1912 = arith.index_cast %parallel_loop3A_1909 : i32 to index
          %parallel_loop3A_1913 = tpu.vector_load %arg8[%parallel_loop3A_1911, %parallel_loop3A_1912] {strides = array<i32>} : memref<3x1024xi32, #tpu.memory_space<vmem>>, vector<16xi32>,
          %parallel_loop3A_1914 = arith.constant 16 : i32
          %parallel_loop3A_1915 = arith.muli %parallel_loop3A_1901, %parallel_loop3A_1914 : i32
          %parallel_loop3A_1916 = arith.constant 2 : i32
          %parallel_loop3A_1917 = arith.index_cast %parallel_loop3A_1916 : i32 to index
          %parallel_loop3A_1918 = arith.index_cast %parallel_loop3A_1915 : i32 to index
          %parallel_loop3A_1919 = tpu.vector_load %arg8[%parallel_loop3A_1917, %parallel_loop3A_1918] {strides = array<i32>} : memref<3x1024xi32, #tpu.memory_space<vmem>>, vector<16xi32>,
          %parallel_loop3A_1920 = vector.bitcast %parallel_loop3A_1919 : vector<16xi32> to vector<16xf32>
          %parallel_loop3A_1921 = vector.broadcast %select_n3A_1276 : i32 to vector<16xi32>
          %parallel_loop3A_1922 = arith.muli %parallel_loop3A_1907, %parallel_loop3A_1921 : vector<16xi32>
          %parallel_loop3A_1923 = arith.addi %parallel_loop3A_1922, %parallel_loop3A_1913 : vector<16xi32>
          %parallel_loop3A_1924 = vector.broadcast %select_n3A_1401 : i32 to vector<16xi32>
          %parallel_loop3A_1925 = arith.addi %parallel_loop3A_1923, %parallel_loop3A_1924 : vector<16xi32>
          %parallel_loop3A_1926 = arith.constant 0 : i32
          %parallel_loop3A_1927 = vector.broadcast %parallel_loop3A_1926 : i32 to vector<16xi32>
          %parallel_loop3A_1928 = arith.cmpi sge, %parallel_loop3A_1925, %parallel_loop3A_1927 : vector<16xi32>
          %parallel_loop3A_1929 = vector.broadcast %select_n3A_1526 : i32 to vector<16xi32>
          %parallel_loop3A_1930 = arith.cmpi slt, %parallel_loop3A_1925, %parallel_loop3A_1929 : vector<16xi32>
          %parallel_loop3A_1931 = arith.andi %parallel_loop3A_1928, %parallel_loop3A_1930 : vector<16xi1>
          %parallel_loop3A_1932 = arith.constant 0 : i32
          %parallel_loop3A_1933 = vector.broadcast %parallel_loop3A_1932 : i32 to vector<16xi32>
          %parallel_loop3A_1934 = arith.select %parallel_loop3A_1931, %parallel_loop3A_1925, %parallel_loop3A_1933 : vector<16xi1>, vector<16xi32>
          %parallel_loop3A_1935 = arith.constant 0.000000e+00 : f32
          %parallel_loop3A_1936 = vector.broadcast %parallel_loop3A_1935 : f32 to vector<16xf32>
          %parallel_loop3A_1937 = arith.select %parallel_loop3A_1931, %parallel_loop3A_1920, %parallel_loop3A_1936 : vector<16xi1>, vector<16xf32>
          tpu.vector_store_idx %arg6[%parallel_loop3A_1934], %parallel_loop3A_1937 {add = true} : memref<118784xf32, #tpu.memory_space<vmem>>[vector<16xi32>], vector<16xf32>,
        } {sc.loop_unroll_factor = 4 : i64, sc.parallel_access}
      }
      %while3A_1858 = arith.constant 1 : i32
      scf.for %while3A_1859 = %while3A_1856 to %while3A_1852 step %while3A_1858  : i32 {
        %mul3A_1860 = arith.muli %while3A_1859, %while3A : i32
        %add3A_1861 = arith.addi %while3A_1849, %mul3A_1860 : i32
        %mul3A_1862 = arith.constant 2 : i32
        %mul3A_1863 = arith.muli %mul3A_1862, %add3A_1861 : i32
        %add3A_1864 = arith.constant 1 : i32
        %add3A_1865 = arith.addi %mul3A_1863, %add3A_1864 : i32
        %mul3A_1866 = arith.constant 1024 : i32
        %mul3A_1867 = arith.muli %add3A_1865, %mul3A_1866 : i32
        %add3A_1868 = arith.addi %select_n3A_1026, %mul3A_1867 : i32
        %multiple_of3A_1869 = tpu.assume_multiple %add3A_1868, 1024 : i32
        %dma_start3A_1870 = arith.constant 0 : i32
        %dma_start3A_1871 = tpu.memref_slice %arg2[%dma_start3A_1870, %multiple_of3A_1869] : memref<3x294912xi32, #tpu.memory_space<hbm>> -> memref<3x1024xi32, #tpu.memory_space<hbm>>
        %dma_start3A_1872 = arith.constant 0 : i32
        %dma_start3A_1873 = tpu.memref_slice %arg2[%dma_start3A_1872, %multiple_of3A_1869] : memref<3x294912xi32, #tpu.memory_space<hbm>> -> memref<3x1024xi32, #tpu.memory_space<hbm>>
        tpu.enqueue_dma source(%dma_start3A_1873 : memref<3x1024xi32, #tpu.memory_space<hbm>>) target(%arg8 : memref<3x1024xi32, #tpu.memory_space<vmem>>) target_semaphore(%arg10 : memref<!tpu.dma_semaphore, #tpu.memory_space<semaphore_mem>>)
        %mul3A_1874 = arith.constant 1024 : i32
        %mul3A_1875 = arith.muli %mul3A_1863, %mul3A_1874 : i32
        %add3A_1876 = arith.addi %select_n3A_1026, %mul3A_1875 : i32
        %multiple_of3A_1877 = tpu.assume_multiple %add3A_1876, 1024 : i32
        %dma_wait3A = arith.constant 0 : i32
        %dma_wait3A_1878 = tpu.memref_slice %arg2[%dma_wait3A, %multiple_of3A_1877] : memref<3x294912xi32, #tpu.memory_space<hbm>> -> memref<3x1024xi32, #tpu.memory_space<hbm>>
        %dma_wait3A_1879 = arith.constant 0 : i32
        %dma_wait3A_1880 = tpu.memref_slice %arg2[%dma_wait3A_1879, %multiple_of3A_1877] : memref<3x294912xi32, #tpu.memory_space<hbm>> -> memref<3x1024xi32, #tpu.memory_space<hbm>>
        tpu.wait_dma2 semaphore(%arg9 : memref<!tpu.dma_semaphore, #tpu.memory_space<semaphore_mem>>) src(%dma_wait3A_1880 : memref<3x1024xi32, #tpu.memory_space<hbm>>) dst(%arg7 : memref<3x1024xi32, #tpu.memory_space<vmem>>)
        %parallel_loop3A = arith.constant 0 : i32
        %parallel_loop3A_1881 = arith.constant 64 : i32
        %parallel_loop3A_1882 = arith.constant 1 : i32
        scf.for %parallel_loop3A_1901 = %parallel_loop3A to %parallel_loop3A_1881 step %parallel_loop3A_1882  : i32 {
          %parallel_loop3A_1902 = arith.constant 16 : i32
          %parallel_loop3A_1903 = arith.muli %parallel_loop3A_1901, %parallel_loop3A_1902 : i32
          %parallel_loop3A_1904 = arith.constant 0 : i32
          %parallel_loop3A_1905 = arith.index_cast %parallel_loop3A_1904 : i32 to index
          %parallel_loop3A_1906 = arith.index_cast %parallel_loop3A_1903 : i32 to index
          %parallel_loop3A_1907 = tpu.vector_load %arg7[%parallel_loop3A_1905, %parallel_loop3A_1906] {strides = array<i32>} : memref<3x1024xi32, #tpu.memory_space<vmem>>, vector<16xi32>,
          %parallel_loop3A_1908 = arith.constant 16 : i32
          %parallel_loop3A_1909 = arith.muli %parallel_loop3A_1901, %parallel_loop3A_1908 : i32
          %parallel_loop3A_1910 = arith.constant 1 : i32
          %parallel_loop3A_1911 = arith.index_cast %parallel_loop3A_1910 : i32 to index
          %parallel_loop3A_1912 = arith.index_cast %parallel_loop3A_1909 : i32 to index
          %parallel_loop3A_1913 = tpu.vector_load %arg7[%parallel_loop3A_1911, %parallel_loop3A_1912] {strides = array<i32>} : memref<3x1024xi32, #tpu.memory_space<vmem>>, vector<16xi32>,
          %parallel_loop3A_1914 = arith.constant 16 : i32
          %parallel_loop3A_1915 = arith.muli %parallel_loop3A_1901, %parallel_loop3A_1914 : i32
          %parallel_loop3A_1916 = arith.constant 2 : i32
          %parallel_loop3A_1917 = arith.index_cast %parallel_loop3A_1916 : i32 to index
          %parallel_loop3A_1918 = arith.index_cast %parallel_loop3A_1915 : i32 to index
          %parallel_loop3A_1919 = tpu.vector_load %arg7[%parallel_loop3A_1917, %parallel_loop3A_1918] {strides = array<i32>} : memref<3x1024xi32, #tpu.memory_space<vmem>>, vector<16xi32>,
          %parallel_loop3A_1920 = vector.bitcast %parallel_loop3A_1919 : vector<16xi32> to vector<16xf32>
          %parallel_loop3A_1921 = vector.broadcast %select_n3A_1276 : i32 to vector<16xi32>
          %parallel_loop3A_1922 = arith.muli %parallel_loop3A_1907, %parallel_loop3A_1921 : vector<16xi32>
          %parallel_loop3A_1923 = arith.addi %parallel_loop3A_1922, %parallel_loop3A_1913 : vector<16xi32>
          %parallel_loop3A_1924 = vector.broadcast %select_n3A_1401 : i32 to vector<16xi32>
          %parallel_loop3A_1925 = arith.addi %parallel_loop3A_1923, %parallel_loop3A_1924 : vector<16xi32>
          %parallel_loop3A_1926 = arith.constant 0 : i32
          %parallel_loop3A_1927 = vector.broadcast %parallel_loop3A_1926 : i32 to vector<16xi32>
          %parallel_loop3A_1928 = arith.cmpi sge, %parallel_loop3A_1925, %parallel_loop3A_1927 : vector<16xi32>
          %parallel_loop3A_1929 = vector.broadcast %select_n3A_1526 : i32 to vector<16xi32>
          %parallel_loop3A_1930 = arith.cmpi slt, %parallel_loop3A_1925, %parallel_loop3A_1929 : vector<16xi32>
          %parallel_loop3A_1931 = arith.andi %parallel_loop3A_1928, %parallel_loop3A_1930 : vector<16xi1>
          %parallel_loop3A_1932 = arith.constant 0 : i32
          %parallel_loop3A_1933 = vector.broadcast %parallel_loop3A_1932 : i32 to vector<16xi32>
          %parallel_loop3A_1934 = arith.select %parallel_loop3A_1931, %parallel_loop3A_1925, %parallel_loop3A_1933 : vector<16xi1>, vector<16xi32>
          %parallel_loop3A_1935 = arith.constant 0.000000e+00 : f32
          %parallel_loop3A_1936 = vector.broadcast %parallel_loop3A_1935 : f32 to vector<16xf32>
          %parallel_loop3A_1937 = arith.select %parallel_loop3A_1931, %parallel_loop3A_1920, %parallel_loop3A_1936 : vector<16xi1>, vector<16xf32>
          tpu.vector_store_idx %arg6[%parallel_loop3A_1934], %parallel_loop3A_1937 {add = true} : memref<118784xf32, #tpu.memory_space<vmem>>[vector<16xi32>], vector<16xf32>,
        } {sc.loop_unroll_factor = 4 : i64, sc.parallel_access}
        %add3A_1883 = arith.constant 2 : i32
        %add3A_1884 = arith.addi %mul3A_1863, %add3A_1883 : i32
        %lt3A = arith.cmpi slt, %add3A_1884, %select_n3A_1151 : i32
        %convert_element_type3A_1885 = arith.extui %lt3A : i1 to i32
        %cond3A_1886 = arith.constant 0 : i32
        %cond3A_1887 = arith.cmpi ne, %convert_element_type3A_1885, %cond3A_1886 : i32
        scf.if %cond3A_1887 {
          %add3A_1901 = arith.constant 2 : i32
          %add3A_1902 = arith.addi %mul3A_1863, %add3A_1901 : i32
          %mul3A_1903 = arith.constant 1024 : i32
          %mul3A_1904 = arith.muli %add3A_1902, %mul3A_1903 : i32
          %add3A_1905 = arith.addi %select_n3A_1026, %mul3A_1904 : i32
          %multiple_of3A_1906 = tpu.assume_multiple %add3A_1905, 1024 : i32
          %dma_start3A_1907 = arith.constant 0 : i32
          %dma_start3A_1908 = tpu.memref_slice %arg2[%dma_start3A_1907, %multiple_of3A_1906] : memref<3x294912xi32, #tpu.memory_space<hbm>> -> memref<3x1024xi32, #tpu.memory_space<hbm>>
          %dma_start3A_1909 = arith.constant 0 : i32
          %dma_start3A_1910 = tpu.memref_slice %arg2[%dma_start3A_1909, %multiple_of3A_1906] : memref<3x294912xi32, #tpu.memory_space<hbm>> -> memref<3x1024xi32, #tpu.memory_space<hbm>>
          tpu.enqueue_dma source(%dma_start3A_1910 : memref<3x1024xi32, #tpu.memory_space<hbm>>) target(%arg7 : memref<3x1024xi32, #tpu.memory_space<vmem>>) target_semaphore(%arg9 : memref<!tpu.dma_semaphore, #tpu.memory_space<semaphore_mem>>)
        } else {
        }
        %add3A_1888 = arith.constant 1 : i32
        %add3A_1889 = arith.addi %mul3A_1863, %add3A_1888 : i32
        %mul3A_1890 = arith.constant 1024 : i32
        %mul3A_1891 = arith.muli %add3A_1889, %mul3A_1890 : i32
        %add3A_1892 = arith.addi %select_n3A_1026, %mul3A_1891 : i32
        %multiple_of3A_1893 = tpu.assume_multiple %add3A_1892, 1024 : i32
        %dma_wait3A_1894 = arith.constant 0 : i32
        %dma_wait3A_1895 = tpu.memref_slice %arg2[%dma_wait3A_1894, %multiple_of3A_1893] : memref<3x294912xi32, #tpu.memory_space<hbm>> -> memref<3x1024xi32, #tpu.memory_space<hbm>>
        %dma_wait3A_1896 = arith.constant 0 : i32
        %dma_wait3A_1897 = tpu.memref_slice %arg2[%dma_wait3A_1896, %multiple_of3A_1893] : memref<3x294912xi32, #tpu.memory_space<hbm>> -> memref<3x1024xi32, #tpu.memory_space<hbm>>
        tpu.wait_dma2 semaphore(%arg10 : memref<!tpu.dma_semaphore, #tpu.memory_space<semaphore_mem>>) src(%dma_wait3A_1897 : memref<3x1024xi32, #tpu.memory_space<hbm>>) dst(%arg8 : memref<3x1024xi32, #tpu.memory_space<vmem>>)
        %parallel_loop3A_1898 = arith.constant 0 : i32
        %parallel_loop3A_1899 = arith.constant 64 : i32
        %parallel_loop3A_1900 = arith.constant 1 : i32
        scf.for %parallel_loop3A_1901 = %parallel_loop3A_1898 to %parallel_loop3A_1899 step %parallel_loop3A_1900  : i32 {
          %parallel_loop3A_1902 = arith.constant 16 : i32
          %parallel_loop3A_1903 = arith.muli %parallel_loop3A_1901, %parallel_loop3A_1902 : i32
          %parallel_loop3A_1904 = arith.constant 0 : i32
          %parallel_loop3A_1905 = arith.index_cast %parallel_loop3A_1904 : i32 to index
          %parallel_loop3A_1906 = arith.index_cast %parallel_loop3A_1903 : i32 to index
          %parallel_loop3A_1907 = tpu.vector_load %arg8[%parallel_loop3A_1905, %parallel_loop3A_1906] {strides = array<i32>} : memref<3x1024xi32, #tpu.memory_space<vmem>>, vector<16xi32>,
          %parallel_loop3A_1908 = arith.constant 16 : i32
          %parallel_loop3A_1909 = arith.muli %parallel_loop3A_1901, %parallel_loop3A_1908 : i32
          %parallel_loop3A_1910 = arith.constant 1 : i32
          %parallel_loop3A_1911 = arith.index_cast %parallel_loop3A_1910 : i32 to index
          %parallel_loop3A_1912 = arith.index_cast %parallel_loop3A_1909 : i32 to index
          %parallel_loop3A_1913 = tpu.vector_load %arg8[%parallel_loop3A_1911, %parallel_loop3A_1912] {strides = array<i32>} : memref<3x1024xi32, #tpu.memory_space<vmem>>, vector<16xi32>,
          %parallel_loop3A_1914 = arith.constant 16 : i32
          %parallel_loop3A_1915 = arith.muli %parallel_loop3A_1901, %parallel_loop3A_1914 : i32
          %parallel_loop3A_1916 = arith.constant 2 : i32
          %parallel_loop3A_1917 = arith.index_cast %parallel_loop3A_1916 : i32 to index
          %parallel_loop3A_1918 = arith.index_cast %parallel_loop3A_1915 : i32 to index
          %parallel_loop3A_1919 = tpu.vector_load %arg8[%parallel_loop3A_1917, %parallel_loop3A_1918] {strides = array<i32>} : memref<3x1024xi32, #tpu.memory_space<vmem>>, vector<16xi32>,
          %parallel_loop3A_1920 = vector.bitcast %parallel_loop3A_1919 : vector<16xi32> to vector<16xf32>
          %parallel_loop3A_1921 = vector.broadcast %select_n3A_1276 : i32 to vector<16xi32>
          %parallel_loop3A_1922 = arith.muli %parallel_loop3A_1907, %parallel_loop3A_1921 : vector<16xi32>
          %parallel_loop3A_1923 = arith.addi %parallel_loop3A_1922, %parallel_loop3A_1913 : vector<16xi32>
          %parallel_loop3A_1924 = vector.broadcast %select_n3A_1401 : i32 to vector<16xi32>
          %parallel_loop3A_1925 = arith.addi %parallel_loop3A_1923, %parallel_loop3A_1924 : vector<16xi32>
          %parallel_loop3A_1926 = arith.constant 0 : i32
          %parallel_loop3A_1927 = vector.broadcast %parallel_loop3A_1926 : i32 to vector<16xi32>
          %parallel_loop3A_1928 = arith.cmpi sge, %parallel_loop3A_1925, %parallel_loop3A_1927 : vector<16xi32>
          %parallel_loop3A_1929 = vector.broadcast %select_n3A_1526 : i32 to vector<16xi32>
          %parallel_loop3A_1930 = arith.cmpi slt, %parallel_loop3A_1925, %parallel_loop3A_1929 : vector<16xi32>
          %parallel_loop3A_1931 = arith.andi %parallel_loop3A_1928, %parallel_loop3A_1930 : vector<16xi1>
          %parallel_loop3A_1932 = arith.constant 0 : i32
          %parallel_loop3A_1933 = vector.broadcast %parallel_loop3A_1932 : i32 to vector<16xi32>
          %parallel_loop3A_1934 = arith.select %parallel_loop3A_1931, %parallel_loop3A_1925, %parallel_loop3A_1933 : vector<16xi1>, vector<16xi32>
          %parallel_loop3A_1935 = arith.constant 0.000000e+00 : f32
          %parallel_loop3A_1936 = vector.broadcast %parallel_loop3A_1935 : f32 to vector<16xf32>
          %parallel_loop3A_1937 = arith.select %parallel_loop3A_1931, %parallel_loop3A_1920, %parallel_loop3A_1936 : vector<16xi1>, vector<16xf32>
          tpu.vector_store_idx %arg6[%parallel_loop3A_1934], %parallel_loop3A_1937 {add = true} : memref<118784xf32, #tpu.memory_space<vmem>>[vector<16xi32>], vector<16xf32>,
        } {sc.loop_unroll_factor = 4 : i64, sc.parallel_access}
      }
    } else {
    }
    %eq3A_1787 = arith.constant 1 : i32
    %eq3A_1788 = arith.cmpi eq, %select_n3A_1651, %eq3A_1787 : i32
    %eq3A_1789 = arith.constant 118784 : i32
    %eq3A_1790 = arith.cmpi eq, %select_n3A_1526, %eq3A_1789 : i32
    %and3A_1791 = arith.andi %eq3A_1788, %eq3A_1790 : i1
    %convert_element_type3A_1792 = arith.extui %and3A_1791 : i1 to i32
    %cond3A_1793 = arith.constant 0 : i32
    %cond3A_1794 = arith.cmpi ne, %convert_element_type3A_1792, %cond3A_1793 : i32
    scf.if %cond3A_1794 {
      %multiple_of3A = tpu.assume_multiple %select_n3A_1776, 8 : i32
      "tpu.region"() ({
        %run_scoped3A = tpu.sem_alloc : memref<!tpu.dma_semaphore, #tpu.memory_space<semaphore_mem>>
        %dma_start3A = arith.constant 0 : i32
        %dma_start3A_1819 = tpu.memref_slice %arg6[%dma_start3A] : memref<118784xf32, #tpu.memory_space<vmem>> -> memref<118784xf32, #tpu.memory_space<vmem>>
        %dma_start3A_1820 = tpu.memref_slice %arg4[%multiple_of3A] : memref<4194304xf32, #tpu.memory_space<hbm>> -> memref<118784xf32, #tpu.memory_space<hbm>>
        %dma_start3A_1821 = tpu.memref_slice %arg4[%multiple_of3A] : memref<4194304xf32, #tpu.memory_space<hbm>> -> memref<118784xf32, #tpu.memory_space<hbm>>
        %dma_start3A_1822 = arith.constant 0 : i32
        %dma_start3A_1823 = tpu.memref_slice %arg6[%dma_start3A_1822] : memref<118784xf32, #tpu.memory_space<vmem>> -> memref<118784xf32, #tpu.memory_space<vmem>>
        tpu.enqueue_dma source(%dma_start3A_1823 : memref<118784xf32, #tpu.memory_space<vmem>>) target(%dma_start3A_1821 : memref<118784xf32, #tpu.memory_space<hbm>>) target_semaphore(%run_scoped3A : memref<!tpu.dma_semaphore, #tpu.memory_space<semaphore_mem>>)
        %dma_wait3A = arith.constant 0 : i32
        %dma_wait3A_1824 = tpu.memref_slice %arg6[%dma_wait3A] : memref<118784xf32, #tpu.memory_space<vmem>> -> memref<118784xf32, #tpu.memory_space<vmem>>
        %dma_wait3A_1825 = tpu.memref_slice %arg4[%multiple_of3A] : memref<4194304xf32, #tpu.memory_space<hbm>> -> memref<118784xf32, #tpu.memory_space<hbm>>
        %dma_wait3A_1826 = tpu.memref_slice %arg4[%multiple_of3A] : memref<4194304xf32, #tpu.memory_space<hbm>> -> memref<118784xf32, #tpu.memory_space<hbm>>
        %dma_wait3A_1827 = arith.constant 0 : i32
        %dma_wait3A_1828 = tpu.memref_slice %arg6[%dma_wait3A_1827] : memref<118784xf32, #tpu.memory_space<vmem>> -> memref<118784xf32, #tpu.memory_space<vmem>>
        tpu.wait_dma2 semaphore(%run_scoped3A : memref<!tpu.dma_semaphore, #tpu.memory_space<semaphore_mem>>) src(%dma_wait3A_1828 : memref<118784xf32, #tpu.memory_space<vmem>>) dst(%dma_wait3A_1826 : memref<118784xf32, #tpu.memory_space<hbm>>)
        tpu.yield
      }) : () -> ()
    } else {
    }
    %eq3A_1795 = arith.constant 1 : i32
    %eq3A_1796 = arith.cmpi eq, %select_n3A_1651, %eq3A_1795 : i32
    %eq3A_1797 = arith.constant 36864 : i32
    %eq3A_1798 = arith.cmpi eq, %select_n3A_1526, %eq3A_1797 : i32
    %and3A_1799 = arith.andi %eq3A_1796, %eq3A_1798 : i1
    %convert_element_type3A_1800 = arith.extui %and3A_1799 : i1 to i32
    %cond3A_1801 = arith.constant 0 : i32
    %cond3A_1802 = arith.cmpi ne, %convert_element_type3A_1800, %cond3A_1801 : i32
    scf.if %cond3A_1802 {
      %multiple_of3A = tpu.assume_multiple %select_n3A_1776, 8 : i32
      "tpu.region"() ({
        %run_scoped3A = tpu.sem_alloc : memref<!tpu.dma_semaphore, #tpu.memory_space<semaphore_mem>>
        %dma_start3A = arith.constant 0 : i32
        %dma_start3A_1819 = tpu.memref_slice %arg6[%dma_start3A] : memref<118784xf32, #tpu.memory_space<vmem>> -> memref<36864xf32, #tpu.memory_space<vmem>>
        %dma_start3A_1820 = tpu.memref_slice %arg4[%multiple_of3A] : memref<4194304xf32, #tpu.memory_space<hbm>> -> memref<36864xf32, #tpu.memory_space<hbm>>
        %dma_start3A_1821 = tpu.memref_slice %arg4[%multiple_of3A] : memref<4194304xf32, #tpu.memory_space<hbm>> -> memref<36864xf32, #tpu.memory_space<hbm>>
        %dma_start3A_1822 = arith.constant 0 : i32
        %dma_start3A_1823 = tpu.memref_slice %arg6[%dma_start3A_1822] : memref<118784xf32, #tpu.memory_space<vmem>> -> memref<36864xf32, #tpu.memory_space<vmem>>
        tpu.enqueue_dma source(%dma_start3A_1823 : memref<36864xf32, #tpu.memory_space<vmem>>) target(%dma_start3A_1821 : memref<36864xf32, #tpu.memory_space<hbm>>) target_semaphore(%run_scoped3A : memref<!tpu.dma_semaphore, #tpu.memory_space<semaphore_mem>>)
        %dma_wait3A = arith.constant 0 : i32
        %dma_wait3A_1824 = tpu.memref_slice %arg6[%dma_wait3A] : memref<118784xf32, #tpu.memory_space<vmem>> -> memref<36864xf32, #tpu.memory_space<vmem>>
        %dma_wait3A_1825 = tpu.memref_slice %arg4[%multiple_of3A] : memref<4194304xf32, #tpu.memory_space<hbm>> -> memref<36864xf32, #tpu.memory_space<hbm>>
        %dma_wait3A_1826 = tpu.memref_slice %arg4[%multiple_of3A] : memref<4194304xf32, #tpu.memory_space<hbm>> -> memref<36864xf32, #tpu.memory_space<hbm>>
        %dma_wait3A_1827 = arith.constant 0 : i32
        %dma_wait3A_1828 = tpu.memref_slice %arg6[%dma_wait3A_1827] : memref<118784xf32, #tpu.memory_space<vmem>> -> memref<36864xf32, #tpu.memory_space<vmem>>
        tpu.wait_dma2 semaphore(%run_scoped3A : memref<!tpu.dma_semaphore, #tpu.memory_space<semaphore_mem>>) src(%dma_wait3A_1828 : memref<36864xf32, #tpu.memory_space<vmem>>) dst(%dma_wait3A_1826 : memref<36864xf32, #tpu.memory_space<hbm>>)
        tpu.yield
      }) : () -> ()
    } else {
    }
    %eq3A_1803 = arith.constant 2 : i32
    %eq3A_1804 = arith.cmpi eq, %select_n3A_1651, %eq3A_1803 : i32
    %eq3A_1805 = arith.constant 118784 : i32
    %eq3A_1806 = arith.cmpi eq, %select_n3A_1526, %eq3A_1805 : i32
    %and3A_1807 = arith.andi %eq3A_1804, %eq3A_1806 : i1
    %convert_element_type3A_1808 = arith.extui %and3A_1807 : i1 to i32
    %cond3A_1809 = arith.constant 0 : i32
    %cond3A_1810 = arith.cmpi ne, %convert_element_type3A_1808, %cond3A_1809 : i32
    scf.if %cond3A_1810 {
      %multiple_of3A = tpu.assume_multiple %select_n3A_1776, 8 : i32
      "tpu.region"() ({
        %run_scoped3A = tpu.sem_alloc : memref<!tpu.dma_semaphore, #tpu.memory_space<semaphore_mem>>
        %dma_start3A = arith.constant 0 : i32
        %dma_start3A_1819 = tpu.memref_slice %arg6[%dma_start3A] : memref<118784xf32, #tpu.memory_space<vmem>> -> memref<118784xf32, #tpu.memory_space<vmem>>
        %dma_start3A_1820 = tpu.memref_slice %arg5[%multiple_of3A] : memref<1048576xf32, #tpu.memory_space<hbm>> -> memref<118784xf32, #tpu.memory_space<hbm>>
        %dma_start3A_1821 = tpu.memref_slice %arg5[%multiple_of3A] : memref<1048576xf32, #tpu.memory_space<hbm>> -> memref<118784xf32, #tpu.memory_space<hbm>>
        %dma_start3A_1822 = arith.constant 0 : i32
        %dma_start3A_1823 = tpu.memref_slice %arg6[%dma_start3A_1822] : memref<118784xf32, #tpu.memory_space<vmem>> -> memref<118784xf32, #tpu.memory_space<vmem>>
        tpu.enqueue_dma source(%dma_start3A_1823 : memref<118784xf32, #tpu.memory_space<vmem>>) target(%dma_start3A_1821 : memref<118784xf32, #tpu.memory_space<hbm>>) target_semaphore(%run_scoped3A : memref<!tpu.dma_semaphore, #tpu.memory_space<semaphore_mem>>)
        %dma_wait3A = arith.constant 0 : i32
        %dma_wait3A_1824 = tpu.memref_slice %arg6[%dma_wait3A] : memref<118784xf32, #tpu.memory_space<vmem>> -> memref<118784xf32, #tpu.memory_space<vmem>>
        %dma_wait3A_1825 = tpu.memref_slice %arg5[%multiple_of3A] : memref<1048576xf32, #tpu.memory_space<hbm>> -> memref<118784xf32, #tpu.memory_space<hbm>>
        %dma_wait3A_1826 = tpu.memref_slice %arg5[%multiple_of3A] : memref<1048576xf32, #tpu.memory_space<hbm>> -> memref<118784xf32, #tpu.memory_space<hbm>>
        %dma_wait3A_1827 = arith.constant 0 : i32
        %dma_wait3A_1828 = tpu.memref_slice %arg6[%dma_wait3A_1827] : memref<118784xf32, #tpu.memory_space<vmem>> -> memref<118784xf32, #tpu.memory_space<vmem>>
        tpu.wait_dma2 semaphore(%run_scoped3A : memref<!tpu.dma_semaphore, #tpu.memory_space<semaphore_mem>>) src(%dma_wait3A_1828 : memref<118784xf32, #tpu.memory_space<vmem>>) dst(%dma_wait3A_1826 : memref<118784xf32, #tpu.memory_space<hbm>>)
        tpu.yield
      }) : () -> ()
    } else {
    }
    %eq3A_1811 = arith.constant 2 : i32
    %eq3A_1812 = arith.cmpi eq, %select_n3A_1651, %eq3A_1811 : i32
    %eq3A_1813 = arith.constant 98304 : i32
    %eq3A_1814 = arith.cmpi eq, %select_n3A_1526, %eq3A_1813 : i32
    %and3A_1815 = arith.andi %eq3A_1812, %eq3A_1814 : i1
    %convert_element_type3A_1816 = arith.extui %and3A_1815 : i1 to i32
    %cond3A_1817 = arith.constant 0 : i32
    %cond3A_1818 = arith.cmpi ne, %convert_element_type3A_1816, %cond3A_1817 : i32
    scf.if %cond3A_1818 {
      %multiple_of3A = tpu.assume_multiple %select_n3A_1776, 8 : i32
      "tpu.region"() ({
        %run_scoped3A = tpu.sem_alloc : memref<!tpu.dma_semaphore, #tpu.memory_space<semaphore_mem>>
        %dma_start3A = arith.constant 0 : i32
        %dma_start3A_1819 = tpu.memref_slice %arg6[%dma_start3A] : memref<118784xf32, #tpu.memory_space<vmem>> -> memref<98304xf32, #tpu.memory_space<vmem>>
        %dma_start3A_1820 = tpu.memref_slice %arg5[%multiple_of3A] : memref<1048576xf32, #tpu.memory_space<hbm>> -> memref<98304xf32, #tpu.memory_space<hbm>>
        %dma_start3A_1821 = tpu.memref_slice %arg5[%multiple_of3A] : memref<1048576xf32, #tpu.memory_space<hbm>> -> memref<98304xf32, #tpu.memory_space<hbm>>
        %dma_start3A_1822 = arith.constant 0 : i32
        %dma_start3A_1823 = tpu.memref_slice %arg6[%dma_start3A_1822] : memref<118784xf32, #tpu.memory_space<vmem>> -> memref<98304xf32, #tpu.memory_space<vmem>>
        tpu.enqueue_dma source(%dma_start3A_1823 : memref<98304xf32, #tpu.memory_space<vmem>>) target(%dma_start3A_1821 : memref<98304xf32, #tpu.memory_space<hbm>>) target_semaphore(%run_scoped3A : memref<!tpu.dma_semaphore, #tpu.memory_space<semaphore_mem>>)
        %dma_wait3A = arith.constant 0 : i32
        %dma_wait3A_1824 = tpu.memref_slice %arg6[%dma_wait3A] : memref<118784xf32, #tpu.memory_space<vmem>> -> memref<98304xf32, #tpu.memory_space<vmem>>
        %dma_wait3A_1825 = tpu.memref_slice %arg5[%multiple_of3A] : memref<1048576xf32, #tpu.memory_space<hbm>> -> memref<98304xf32, #tpu.memory_space<hbm>>
        %dma_wait3A_1826 = tpu.memref_slice %arg5[%multiple_of3A] : memref<1048576xf32, #tpu.memory_space<hbm>> -> memref<98304xf32, #tpu.memory_space<hbm>>
        %dma_wait3A_1827 = arith.constant 0 : i32
        %dma_wait3A_1828 = tpu.memref_slice %arg6[%dma_wait3A_1827] : memref<118784xf32, #tpu.memory_space<vmem>> -> memref<98304xf32, #tpu.memory_space<vmem>>
        tpu.wait_dma2 semaphore(%run_scoped3A : memref<!tpu.dma_semaphore, #tpu.memory_space<semaphore_mem>>) src(%dma_wait3A_1828 : memref<98304xf32, #tpu.memory_space<vmem>>) dst(%dma_wait3A_1826 : memref<98304xf32, #tpu.memory_space<hbm>>)
        tpu.yield
      }) : () -> ()
    } else {
    }
    return
  }
}

module attributes {stable_mosaic.version = 14 : i64} {
  func.func @_mlp_body(%arg0: memref<128x1024xf32, #tpu.memory_space<vmem>>, %arg1: memref<1024x2048xf32, #tpu.memory_space<vmem>>, %arg2: memref<2048x2048xf32, #tpu.memory_space<vmem>>, %arg3: memref<2048x512xf32, #tpu.memory_space<vmem>>, %arg4: memref<1x2048xf32, #tpu.memory_space<vmem>>, %arg5: memref<1x2048xf32, #tpu.memory_space<vmem>>, %arg6: memref<1x512xf32, #tpu.memory_space<vmem>>, %arg7: memref<1x2048xf32, #tpu.memory_space<vmem>>, %arg8: memref<1x2048xf32, #tpu.memory_space<vmem>>, %arg9: memref<1x2048xf32, #tpu.memory_space<vmem>>, %arg10: memref<1x2048xf32, #tpu.memory_space<vmem>>, %arg11: memref<128x512xf32, #tpu.memory_space<vmem>>) attributes {dimension_semantics = [], scalar_prefetch = 0 : i64, scratch_operands = 0 : i64, tpu.core_type = #tpu.core_type<tc>} {
    %get3A = arith.constant 0 : index
    %get3A_0 = arith.constant 0 : index
    %get3A_1 = vector.load %arg0[%get3A, %get3A_0] : memref<128x1024xf32, #tpu.memory_space<vmem>>, vector<128x1024xf32>
    %get3A_2 = arith.constant 0 : index
    %get3A_3 = arith.constant 0 : index
    %get3A_4 = vector.load %arg1[%get3A_2, %get3A_3] : memref<1024x2048xf32, #tpu.memory_space<vmem>>, vector<1024x2048xf32>
    %dot_general3A = arith.constant dense<0.000000e+00> : vector<128x2048xf32>
    %dot_general3A_5 = tpu.matmul %get3A_1, %get3A_4, %dot_general3A {dimension_numbers = #tpu.dot_dimension_numbers<[1], [0], [0], [1], [0, 0, 1, 1], [], []>, precision = #tpu.contract_precision<fp32>, transpose_lhs_hint = false} : vector<128x1024xf32>, vector<1024x2048xf32>, vector<128x2048xf32> -> vector<128x2048xf32>
    %get3A_6 = arith.constant 0 : index
    %get3A_7 = arith.constant 0 : index
    %get3A_8 = vector.load %arg4[%get3A_6, %get3A_7] : memref<1x2048xf32, #tpu.memory_space<vmem>>, vector<1x2048xf32>
    %add3A = vector.broadcast %get3A_8 : vector<1x2048xf32> to vector<128x2048xf32>
    %add3A_9 = arith.addf %dot_general3A_5, %add3A : vector<128x2048xf32>
    %get3A_10 = arith.constant 0 : index
    %get3A_11 = arith.constant 0 : index
    %get3A_12 = vector.load %arg7[%get3A_10, %get3A_11] : memref<1x2048xf32, #tpu.memory_space<vmem>>, vector<1x2048xf32>
    %get3A_13 = arith.constant 0 : index
    %get3A_14 = arith.constant 0 : index
    %get3A_15 = vector.load %arg8[%get3A_13, %get3A_14] : memref<1x2048xf32, #tpu.memory_space<vmem>>, vector<1x2048xf32>
    %reduce_sum3A = arith.constant dense<0.000000e+00> : vector<128xf32>
    %reduce_sum3A_16 = vector.multi_reduction <add>, %add3A_9, %reduce_sum3A [1] : vector<128x2048xf32> to vector<128xf32>
    %broadcast_in_dim3A = vector.shape_cast %reduce_sum3A_16 : vector<128xf32> to vector<128x1xf32>
    %div3A = arith.constant 2.048000e+03 : f32
    %div3A_17 = vector.broadcast %div3A : f32 to vector<128x1xf32>
    %div3A_18 = arith.divf %broadcast_in_dim3A, %div3A_17 : vector<128x1xf32>
    %sub3A = vector.broadcast %div3A_18 : vector<128x1xf32> to vector<128x2048xf32>
    %sub3A_19 = arith.subf %add3A_9, %sub3A : vector<128x2048xf32>
    %sub3A_20 = vector.broadcast %div3A_18 : vector<128x1xf32> to vector<128x2048xf32>
    %sub3A_21 = arith.subf %add3A_9, %sub3A_20 : vector<128x2048xf32>
    %mul3A = arith.mulf %sub3A_19, %sub3A_21 : vector<128x2048xf32>
    %reduce_sum3A_22 = arith.constant dense<0.000000e+00> : vector<128xf32>
    %reduce_sum3A_23 = vector.multi_reduction <add>, %mul3A, %reduce_sum3A_22 [1] : vector<128x2048xf32> to vector<128xf32>
    %broadcast_in_dim3A_24 = vector.shape_cast %reduce_sum3A_23 : vector<128xf32> to vector<128x1xf32>
    %div3A_25 = arith.constant 2.048000e+03 : f32
    %div3A_26 = vector.broadcast %div3A_25 : f32 to vector<128x1xf32>
    %div3A_27 = arith.divf %broadcast_in_dim3A_24, %div3A_26 : vector<128x1xf32>
    %sub3A_28 = vector.broadcast %div3A_18 : vector<128x1xf32> to vector<128x2048xf32>
    %sub3A_29 = arith.subf %add3A_9, %sub3A_28 : vector<128x2048xf32>
    %add3A_30 = arith.constant 9.99999974E-6 : f32
    %add3A_31 = vector.broadcast %add3A_30 : f32 to vector<128x1xf32>
    %add3A_32 = arith.addf %div3A_27, %add3A_31 : vector<128x1xf32>
    %rsqrt3A = math.rsqrt %add3A_32 : vector<128x1xf32>
    %mul3A_33 = vector.broadcast %rsqrt3A : vector<128x1xf32> to vector<128x2048xf32>
    %mul3A_34 = arith.mulf %sub3A_29, %mul3A_33 : vector<128x2048xf32>
    %mul3A_35 = vector.broadcast %get3A_12 : vector<1x2048xf32> to vector<128x2048xf32>
    %mul3A_36 = arith.mulf %mul3A_34, %mul3A_35 : vector<128x2048xf32>
    %add3A_37 = vector.broadcast %get3A_15 : vector<1x2048xf32> to vector<128x2048xf32>
    %add3A_38 = arith.addf %mul3A_36, %add3A_37 : vector<128x2048xf32>
    %max3A = arith.constant 0.000000e+00 : f32
    %max3A_39 = vector.broadcast %max3A : f32 to vector<128x2048xf32>
    %max3A_40 = arith.maximumf %add3A_38, %max3A_39 : vector<128x2048xf32>
    %get3A_41 = arith.constant 0 : index
    %get3A_42 = arith.constant 0 : index
    %get3A_43 = vector.load %arg2[%get3A_41, %get3A_42] : memref<2048x2048xf32, #tpu.memory_space<vmem>>, vector<2048x2048xf32>
    %dot_general3A_44 = arith.constant dense<0.000000e+00> : vector<128x2048xf32>
    %dot_general3A_45 = tpu.matmul %max3A_40, %get3A_43, %dot_general3A_44 {dimension_numbers = #tpu.dot_dimension_numbers<[1], [0], [0], [1], [0, 0, 1, 1], [], []>, precision = #tpu.contract_precision<fp32>, transpose_lhs_hint = false} : vector<128x2048xf32>, vector<2048x2048xf32>, vector<128x2048xf32> -> vector<128x2048xf32>
    %get3A_46 = arith.constant 0 : index
    %get3A_47 = arith.constant 0 : index
    %get3A_48 = vector.load %arg5[%get3A_46, %get3A_47] : memref<1x2048xf32, #tpu.memory_space<vmem>>, vector<1x2048xf32>
    %add3A_49 = vector.broadcast %get3A_48 : vector<1x2048xf32> to vector<128x2048xf32>
    %add3A_50 = arith.addf %dot_general3A_45, %add3A_49 : vector<128x2048xf32>
    %get3A_51 = arith.constant 0 : index
    %get3A_52 = arith.constant 0 : index
    %get3A_53 = vector.load %arg9[%get3A_51, %get3A_52] : memref<1x2048xf32, #tpu.memory_space<vmem>>, vector<1x2048xf32>
    %get3A_54 = arith.constant 0 : index
    %get3A_55 = arith.constant 0 : index
    %get3A_56 = vector.load %arg10[%get3A_54, %get3A_55] : memref<1x2048xf32, #tpu.memory_space<vmem>>, vector<1x2048xf32>
    %reduce_sum3A_57 = arith.constant dense<0.000000e+00> : vector<128xf32>
    %reduce_sum3A_58 = vector.multi_reduction <add>, %add3A_50, %reduce_sum3A_57 [1] : vector<128x2048xf32> to vector<128xf32>
    %broadcast_in_dim3A_59 = vector.shape_cast %reduce_sum3A_58 : vector<128xf32> to vector<128x1xf32>
    %div3A_60 = arith.constant 2.048000e+03 : f32
    %div3A_61 = vector.broadcast %div3A_60 : f32 to vector<128x1xf32>
    %div3A_62 = arith.divf %broadcast_in_dim3A_59, %div3A_61 : vector<128x1xf32>
    %sub3A_63 = vector.broadcast %div3A_62 : vector<128x1xf32> to vector<128x2048xf32>
    %sub3A_64 = arith.subf %add3A_50, %sub3A_63 : vector<128x2048xf32>
    %sub3A_65 = vector.broadcast %div3A_62 : vector<128x1xf32> to vector<128x2048xf32>
    %sub3A_66 = arith.subf %add3A_50, %sub3A_65 : vector<128x2048xf32>
    %mul3A_67 = arith.mulf %sub3A_64, %sub3A_66 : vector<128x2048xf32>
    %reduce_sum3A_68 = arith.constant dense<0.000000e+00> : vector<128xf32>
    %reduce_sum3A_69 = vector.multi_reduction <add>, %mul3A_67, %reduce_sum3A_68 [1] : vector<128x2048xf32> to vector<128xf32>
    %broadcast_in_dim3A_70 = vector.shape_cast %reduce_sum3A_69 : vector<128xf32> to vector<128x1xf32>
    %div3A_71 = arith.constant 2.048000e+03 : f32
    %div3A_72 = vector.broadcast %div3A_71 : f32 to vector<128x1xf32>
    %div3A_73 = arith.divf %broadcast_in_dim3A_70, %div3A_72 : vector<128x1xf32>
    %sub3A_74 = vector.broadcast %div3A_62 : vector<128x1xf32> to vector<128x2048xf32>
    %sub3A_75 = arith.subf %add3A_50, %sub3A_74 : vector<128x2048xf32>
    %add3A_76 = arith.constant 9.99999974E-6 : f32
    %add3A_77 = vector.broadcast %add3A_76 : f32 to vector<128x1xf32>
    %add3A_78 = arith.addf %div3A_73, %add3A_77 : vector<128x1xf32>
    %rsqrt3A_79 = math.rsqrt %add3A_78 : vector<128x1xf32>
    %mul3A_80 = vector.broadcast %rsqrt3A_79 : vector<128x1xf32> to vector<128x2048xf32>
    %mul3A_81 = arith.mulf %sub3A_75, %mul3A_80 : vector<128x2048xf32>
    %mul3A_82 = vector.broadcast %get3A_53 : vector<1x2048xf32> to vector<128x2048xf32>
    %mul3A_83 = arith.mulf %mul3A_81, %mul3A_82 : vector<128x2048xf32>
    %add3A_84 = vector.broadcast %get3A_56 : vector<1x2048xf32> to vector<128x2048xf32>
    %add3A_85 = arith.addf %mul3A_83, %add3A_84 : vector<128x2048xf32>
    %max3A_86 = arith.constant 0.000000e+00 : f32
    %max3A_87 = vector.broadcast %max3A_86 : f32 to vector<128x2048xf32>
    %max3A_88 = arith.maximumf %add3A_85, %max3A_87 : vector<128x2048xf32>
    %get3A_89 = arith.constant 0 : index
    %get3A_90 = arith.constant 0 : index
    %get3A_91 = vector.load %arg3[%get3A_89, %get3A_90] : memref<2048x512xf32, #tpu.memory_space<vmem>>, vector<2048x512xf32>
    %dot_general3A_92 = arith.constant dense<0.000000e+00> : vector<128x512xf32>
    %dot_general3A_93 = tpu.matmul %max3A_88, %get3A_91, %dot_general3A_92 {dimension_numbers = #tpu.dot_dimension_numbers<[1], [0], [0], [1], [0, 0, 1, 1], [], []>, precision = #tpu.contract_precision<fp32>, transpose_lhs_hint = false} : vector<128x2048xf32>, vector<2048x512xf32>, vector<128x512xf32> -> vector<128x512xf32>
    %get3A_94 = arith.constant 0 : index
    %get3A_95 = arith.constant 0 : index
    %get3A_96 = vector.load %arg6[%get3A_94, %get3A_95] : memref<1x512xf32, #tpu.memory_space<vmem>>, vector<1x512xf32>
    %add3A_97 = vector.broadcast %get3A_96 : vector<1x512xf32> to vector<128x512xf32>
    %add3A_98 = arith.addf %dot_general3A_93, %add3A_97 : vector<128x512xf32>
    %swap3A = arith.constant 0 : index
    %swap3A_99 = arith.constant 0 : index
    %swap3A_100 = vector.load %arg11[%swap3A, %swap3A_99] : memref<128x512xf32, #tpu.memory_space<vmem>>, vector<128x512xf32>
    tpu.vector_store %arg11[%swap3A, %swap3A_99], %add3A_98 {strides = array<i32>} : memref<128x512xf32, #tpu.memory_space<vmem>>, vector<128x512xf32>,
    return
  }
}

</mosaic_0001>

<sc_bundles>
// kernel: kernel.4.cloned.1.call-start
scs
__scs_entry_jumppad:
0x0: {  	(pc) =	sbr.rel $0x88, $3  }
0x1: {  	(tag) =	ssettag $0x0;
	lr =	simm.s32 $0x1  }
0x2: {  	[smem:$0x3F9B] =	sst lr;
	_ =	strace $0xD0000000  }
0x3: {  	_ = 	snop  }
0x4: {  	_ = 	snop  }
0x5: {  	_ = 	snop  }
0x6: {  	_ = 	snop  }
0x7: {  	_ = 	snop  }
__scs_overlays_trampoline_lowered:
0x8: {  	[smem:$0x3FAA] =	sst s0  }
0x9: {  	[smem:$0x3FAB] =	sst s1  }
0xa: {  	[smem:$0x3FAC] =	sst s2  }
0xb: {  	[smem:$0x3FAD] =	sst s3  }
0xc: {  	[smem:$0x3FAE] =	sst s4  }
0xd: {  	[smem:$0x3FAF] =	sst s5  }
0xe: {  	[smem:$0x3FB0] =	sst s6  }
0xf: {  	[smem:$0x3FB1] =	sst s7  }
0x10: {  	[smem:$0x3FB2] =	sst s8  }
0x11: {  	[smem:$0x3FB3] =	sst s9;
	s0 =	simm.s32 @!p0 $0x0  }
0x12: {  	s1 =	sld [smem:$0x3F99];
	s0 =	simm.s32 @p0 $0x1  }
0x13: {  	[smem:$0x3FB4] =	sst s0;
	s0 =	simm.s32 @!p1 $0x0  }
0x14: {  	s2 =	sld [smem:$0x3F98];
	s0 =	simm.s32 @p1 $0x1  }
0x15: {  	[smem:$0x3FB5] =	sst s0;
	s0 =	simm.s32 @!p2 $0x0  }
0x16: {  	s3 =	sld [smem:$0x3FDB];
	s0 =	simm.s32 @p2 $0x1  }
0x17: {  	s4 =	simm.s32 $0x1BF5;
	[smem:$0x3FB7] =	sst s0  }
0x18: {  	s0 =	sld [smem:$0x3F9A];
	_ =	swait.ge [sflag:s4], $0x0  }
0x19: {  	s7 =	sld [smem:$0x3F9B]  }
0x1a: {  	s8 =	sadd.s32 $0xFFFFE003, lr  }
0x1b: {  	s9 =	sadd.s32 $0xFFFFFEF7, lr;
	s5 =	simm.s32 $0xFFFFFFFF;
	p2 =	slt.u32 s8, $0xFFFFF086  }
0x1c: {  	p1 =	slt.u32 s9, $0xF7A;
	s5 =	simm.s32 @!p2 $0x0  }
0x1d: {  	s5 =	simm.s32 @p1 $0x1;
	p0 =	seq.s32 s7, s2  }
0x1e: {  	s7 =	smul.u32 @!p0 $0xF7A, s2;
	p2 =	seq.s32 @!p0 s5, $0x0  }
0x1f: {  	s9 =	smul.u32 $0xF7A, s1;
	s8 =	simm.s32 @!p0 $0x1BF5;
	p2 =	por !p2, p0  }
0x20: {  	[sflag:s8] =	ssyncset.s32 @!p0 $0xFFFFF086;
	s6 =	sadd.s32 @!p0 s3, s7;
	s7 =	simm.s32 @!p0 $0x108  }
0x21: {  	s3 =	sadd.s32 s3, s9;
	s6 =	sadd.s32 @!p0 $0x88, s6;
	s7 =	simm.s32 @p2 $0x1082  }
0x22: {  	[simem:s7], [sflag:s8] =	dma.local @!p0 [hbm:s6], $0xF7A  }
0x23: {  	s9 =	sor.u32 $0xD0000000, s2;
	s6 =	simm.s32 $0x108;
	_ =	swait.ge @!p0 [sflag:s8], $0x0  }
0x24: {  	s3 =	sadd.s32 $0x88, s3;
	s6 =	simm.s32 @!p1 $0x1082;
	[sflag:s4] =	ssyncset.s32 $0xFFFFF086  }
0x25: {  	[simem:s6], [sflag:s4] =	dma.local [hbm:s3], $0xF7A  }
0x26: {  	[smem:$0x3F9B] =	sst s1;
	(tag) =	ssettag s2;
	_ =	strace s9  }
0x27: {  	s1 =	sld [smem:$0x3FAB]  }
0x28: {  	s2 =	sld [smem:$0x3FAC]  }
0x29: {  	s4 =	sld [smem:$0x3FAE]  }
0x2a: {  	p0 =	seq.s32 s5, $0x0;
	s5 =	sld [smem:$0x3FAF]  }
0x2b: {  	s6 =	sld [smem:$0x3FB0]  }
0x2c: {  	s7 =	sld [smem:$0x3FB1]  }
0x2d: {  	s3 =	simm.s32 $0x108;
	s8 =	sld [smem:$0x3FB2]  }
0x2e: {  	s3 =	simm.s32 @!p0 $0x1082;
	s9 =	sld [smem:$0x3FB3]  }
0x2f: {  	lr =	sadd.s32 s0, s3;
	s0 =	sld [smem:$0x3FAA]  }
0x30: {  	s3 =	sld [smem:$0x3FAD]  }
0x31: {  	[smem:$0x3FB6] =	sst s10  }
0x32: {  	s10 =	sld [smem:$0x3FB4];
	_ =	sdelay $0x3  }
0x33: {  	p0 =	seq.s32 s10, $0x1;
	s10 =	sld [smem:$0x3FB6];
	_ =	sdelay $0x3  }
0x34: {  	[smem:$0x3FB6] =	sst s10  }
0x35: {  	s10 =	sld [smem:$0x3FB5];
	_ =	sdelay $0x3  }
0x36: {  	p1 =	seq.s32 s10, $0x1;
	s10 =	sld [smem:$0x3FB6];
	_ =	sdelay $0x3  }
0x37: {  	[smem:$0x3FB6] =	sst s10  }
0x38: {  	s10 =	sld [smem:$0x3FB7]  }
0x39: {  	_ = 	snop;
	(pc) =	sbr.ind lr, $3  }
0x3a: {  	_ = 	snop  }
0x3b: {  	_ = 	snop  }
0x3c: {  	p2 =	seq.s32 s10, $0x1;
	s10 =	sld [smem:$0x3FB6]  }
0x3d: {  	_ =	shalt  }
0x3e: {  	_ =	shalt  }
0x3f: {  	_ =	shalt  }
0x40: {  	_ =	shalt  }
0x41: {  	_ =	shalt  }
0x42: {  	_ =	shalt  }
0x43: {  	_ =	shalt  }
0x44: {  	_ =	shalt  }
0x45: {  	_ =	shalt  }
0x46: {  	_ =	shalt  }
0x47: {  	_ =	shalt  }
0x48: {  	_ =	shalt  }
0x49: {  	_ =	shalt  }
0x4a: {  	_ =	shalt  }
0x4b: {  	_ =	shalt  }
0x4c: {  	_ =	shalt  }
0x4d: {  	_ =	shalt  }
0x4e: {  	_ =	shalt  }
0x4f: {  	_ =	shalt  }
0x50: {  	_ =	shalt  }
0x51: {  	_ =	shalt  }
0x52: {  	_ =	shalt  }
0x53: {  	_ =	shalt  }
0x54: {  	_ =	shalt  }
0x55: {  	_ =	shalt  }
0x56: {  	_ =	shalt  }
0x57: {  	_ =	shalt  }
0x58: {  	_ =	shalt  }
0x59: {  	_ =	shalt  }
0x5a: {  	_ =	shalt  }
0x5b: {  	_ =	shalt  }
0x5c: {  	_ =	shalt  }
0x5d: {  	_ =	shalt  }
0x5e: {  	_ =	shalt  }
0x5f: {  	_ =	shalt  }
0x60: {  	_ =	shalt  }
0x61: {  	_ =	shalt  }
0x62: {  	_ =	shalt  }
0x63: {  	_ =	shalt  }
0x64: {  	_ =	shalt  }
0x65: {  	_ =	shalt  }
0x66: {  	_ =	shalt  }
0x67: {  	_ =	shalt  }
0x68: {  	_ =	shalt  }
0x69: {  	_ =	shalt  }
0x6a: {  	_ =	shalt  }
0x6b: {  	_ =	shalt  }
0x6c: {  	_ =	shalt  }
0x6d: {  	_ =	shalt  }
0x6e: {  	_ =	shalt  }
0x6f: {  	_ =	shalt  }
0x70: {  	_ =	shalt  }
0x71: {  	_ =	shalt  }
0x72: {  	_ =	shalt  }
0x73: {  	_ =	shalt  }
0x74: {  	_ =	shalt  }
0x75: {  	_ =	shalt  }
0x76: {  	_ =	shalt  }
0x77: {  	_ =	shalt  }
0x78: {  	_ =	shalt  }
0x79: {  	_ =	shalt  }
0x7a: {  	_ =	shalt  }
0x7b: {  	_ =	shalt  }
0x7c: {  	_ =	shalt  }
0x7d: {  	_ =	shalt  }
0x7e: {  	_ =	shalt  }
0x7f: {  	_ =	shalt  }
0x80: {  	_ =	shalt  }
0x81: {  	_ =	shalt  }
0x82: {  	_ =	shalt  }
0x83: {  	_ =	shalt  }
0x84: {  	_ =	shalt  }
0x85: {  	_ =	shalt  }
0x86: {  	_ =	shalt  }
0x87: {  	_ =	shalt  }
.Lfunc_end0:
.L_simem_size_0:
called_computation_lowered:
.L_overlay_start_0:
0x88: {  	s2 =	sld [smem:$0x3FD9]  }
0x89: {  	s3 =	sld [smem:$0x3FFE];
	_ =	sdelay $0x1  }
0x8a: {  	s1 =	srdreg.scid  }
0x8b: {  	s0 =	sand.u32 $0x1, s1  }
0x8c: {  	s16 =	sshll.u32 s0, $0xA;
	s2 =	sadd.s32 s3, s2  }
0x8d: {  	s2 =	sadd.s32 s2, s16  }
0x8e: {  	[smem:$0x3FC2] =	sst s2  }
0x8f: {  	_ = 	snop  }
0x90: {  	(tm) =	ssettm $0x1  }
0x91: {  	s17 =	sld [smem:$0x3FFB];
	_ =	sdelay $0x3  }
0x92: {  	_ =	strace s17  }
0x93: {  	s2 =	sld [smem:$0x3FFC];
	_ =	sdelay $0x3  }
0x94: {  	_ =	strace s2  }
0x95: {  	s2 =	sld [smem:$0x3FFD];
	_ =	sdelay $0x3  }
0x96: {  	_ =	strace s2  }
0x97: {  	_ =	strace $0x8FFFFFFF  }
0x98: {  	s18 =	sld [smem:$0x3FDB];
	_ =	sdelay $0x1  }
0x99: {  	s19 =	simm.s32 $_scs_section_size  }
0x9a: {  	s4 =	simm.s32 $_size__tile_overlayer_lowered;
	s5 =	simm.s32 $_tile_overlayer_lowered  }
0x9b: {  	s22 =	simm.s32 $0x1BFF;
	s21 =	sshll.u32 s5, $0x1;
	s2 =	sadd.s32 s19, s18  }
0x9c: {  	s6 =	simm.s32 $0x0;
	s20 =	sshll.u32 s4, $0x1;
	s4 =	sadd.s32 s21, s2  }
0x9d: {  	[timem:s6], [sflag:s22] =	dma.local [hbm:s4], s20  }
0x9e: {  	_ =	swait.ge [sflag:s22], s20  }
0x9f: {  	s3 =	ssub.s32 $0x0, s20;
	[sflag:s22] =	ssyncset.done $0x0  }
0xa0: {  	[sflag:s22] =	ssyncadd.s32 s3;
	_ =	sdelay $0x1  }
0xa1: {  	s23 =	simm.s32 $0x1B8B  }
0xa2: {  	_ =	swait.ge [sflag:s23], $0x1  }
0xa3: {  	[sflag:s23] =	ssyncset.done $0x0  }
0xa4: {  	s25 =	simm.s32 $0x1B8E;
	s24 =	sld [smem:$0x3FFE];
	[sflag:s23] =	ssyncadd.s32 $0xFFFFFFFF  }
0xa5: {  	s26 =	simm.s32 $execute0_lowered;
	[smem:$0x3FD2] =	sst s25  }
0xa6: {  	s4 =	sshll.u32 s26, $0x1;
	_ =	strace $0x80000046;
	[dreg:$0x1] =	wrdreg $0xFFFFFFFF  }
0xa7: {  	s28 =	simm.s32 $_size_execute0_lowered;
	s2 =	sadd.s32 s2, s4;
	[dreg:$0x0] =	wrdreg $0x0  }
0xa8: {  	s4 =	sshll.u32 s28, $0x1;
	[dreg:$0x2] =	wrdreg s2  }
0xa9: {  	[dreg:$0x3] =	wrdreg s4  }
0xaa: {  	[dreg:$0x4] =	wrdreg $0xC0  }
0xab: {  	_ =	task [dreg:s6], $0x5FFFF  }
0xac: {  	[dreg:$0x1] =	wrdreg $0xFFFFFFFF  }
0xad: {  	[dreg:$0x0] =	wrdreg $0x60  }
0xae: {  	[dreg:$0x2] =	wrdreg s24  }
0xaf: {  	[dreg:$0x3] =	wrdreg $0x9  }
0xb0: {  	_ =	task.clear_ibuf [dreg:s6], $0x4FFFF;
	_ =	strace $0x90000046  }
0xb1: {  	s29 =	simm.s32 $0x9;
	_ =	strace $0x80000048  }
0xb2: {  	_ =	swait.ge [sflag:s29], $0x1  }
0xb3: {  	[sflag:s29] =	ssyncadd.s32 $0xFFFFFFFF  }
0xb4: {  	_ =	strace $0x90000048  }
0xb5: {  	_ =	sfence  }
0xb6: {  	s30 =	sld [smem:$0x0];
	_ =	sdelay $0x2  }
0xb7: {  	s31 =	sshll.u32 s1, $0xD;
	s1 =	sshrl.u32 s1, $0x2  }
0xb8: {  	s3 =	sand.u32 $0x4000, s31;
	s1 =	sadd.s32 s1, s30  }
0xb9: {  	s0 =	sor.u32 s3, s0;
	s1 =	sshll.u32 s1, $0x11  }
0xba: {  	s0 =	sor.u32 s1, s0  }
0xbb: {  	s0 =	sadd.s32 $0x8F2B, s0  }
0xbc: {  	[sflag:s0] =	ssyncadd.remote.s32 $0x1  }
0xbd: {  	_ =	sfence.sel $0xFFFF  }
0xbe: {  	[dreg:$0x0] =	wrdreg $0xFFFFFFFF;
	(pc) =	sbr.abs _section_cstart, $3  }
0xbf: {  	[dreg:$0x1] =	wrdreg $0xFFFFFFFF  }
0xc0: {  	_ =	task.clear_ibuf [dreg:s6], $0x2FFFF;
	_ =	strace $0x9FFFFFFF  }
0xc1: {  	(tm) =	ssettm $0x7FFFFFFF  }
tec
execute0_lowered:
.L_overlay_start_1:
0x0: {  	(tag) =	ssettag $0x1  }
0x1: {  	s1 =	srdreg.scid;
	s0 =	stileid.u32;
	s11 =	simm.s32 $0x1D000  }
0x2: {  	s7 =	rddreg [dreg:$0x0];
	s3 =	simm.s32 $0x0;
	s16 =	simm.s32 $0x1B3000  }
0x3: {  	s9 =	simm.s32 $0x20000;
	s18 =	simm.s32 $0xFFFE2C00;
	s21 =	simm.s32 $0xFFC4C400  }
0x4: {  	s19 =	simm.s32 $0x13000;
	s12 =	simm.s32 $0x40000;
	s22 =	simm.s32 $0x9000  }
0x5: {  	s20 =	simm.s32 $0x200;
	s6 =	simm.s32 $0x1D000;
	s8 =	sand.u32 $0x1, s1  }
0x6: {  	s30 =	sshll.u32 s0, $0x1;
	[smem:$0x7FF] =	sst s3;
	p4 =	sgt.u32 s0, $0x8  }
0x7: {  	s24 =	sadd.s32 $0x65800, s7;
	s2 =	sor.u32 s8, s30;
	s9 =	simm.s32 @!p4 $0x0  }
0x8: {  	_ =	strace $0x80000047;
	s8 =	ssub.s32 $0x2, s8;
	p3 =	seq.s32 s2, $0x1  }
0x9: {  	p1 =	seq.s32 s2, $0x2;
	p2 =	seq.s32 s2, $0x3;
	p0 =	seq.s32 s2, $0x4  }
0xa: {  	p4 =	seq.s32 s2, $0x5;
	p5 =	seq.s32 s2, $0x7;
	p6 =	seq.s32 s2, $0x9  }
0xb: {  	s5 =	sadd.s32 $0xFFFFFFEA, s2;
	s13 =	sshrl.u32 s8, $0x1;
	s31 =	sshrl.u32 s9, $0x1  }
0xc: {  	s11 =	simm.s32 @!p3 $0x0;
	s16 =	simm.s32 @!p3 $0x196000;
	s18 =	simm.s32 @!p3 $0xFFFFFC00  }
0xd: {  	s21 =	simm.s32 @!p3 $0xFFC69400;
	p3 =	seq.s32 s2, $0x6;
	s25 =	ssub.s32 s8, s13  }
0xe: {  	s8 =	sor.u32 $0x400, s9;
	s9 =	sshll.u32 s9, $0x2;
	s11 =	simm.s32 @p1 $0x3A000  }
0xf: {  	s16 =	simm.s32 @p1 $0x1D0000;
	s18 =	simm.s32 @p1 $0xFFFC5C00;
	s21 =	simm.s32 @p1 $0xFFC2F400  }
0x10: {  	p1 =	seq.s32 s2, $0x8;
	s9 =	sor.u32 $0x2000, s9;
	s11 =	simm.s32 @p2 $0x57000  }
0x11: {  	s16 =	simm.s32 @p2 $0x1ED000;
	s18 =	simm.s32 @p2 $0xFFFA8C00;
	s21 =	simm.s32 @p2 $0xFFC12400  }
0x12: {  	p2 =	seq.s32 s2, $0xC;
	s11 =	simm.s32 @p0 $0x74000;
	s16 =	simm.s32 @p0 $0x20A000  }
0x13: {  	s18 =	simm.s32 @p0 $0xFFF8BC00;
	s21 =	simm.s32 @p0 $0xFFBF5400;
	p0 =	seq.s32 s2, $0xA  }
0x14: {  	s11 =	simm.s32 @p4 $0x91000;
	s16 =	simm.s32 @p4 $0x227000;
	s18 =	simm.s32 @p4 $0xFFF6EC00  }
0x15: {  	s21 =	simm.s32 @p4 $0xFFBD8400;
	p4 =	seq.s32 s2, $0xB;
	s11 =	simm.s32 @p3 $0xAE000  }
0x16: {  	s16 =	simm.s32 @p3 $0x244000;
	s18 =	simm.s32 @p3 $0xFFF51C00;
	s21 =	simm.s32 @p3 $0xFFBBB400  }
0x17: {  	p3 =	seq.s32 s2, $0xE;
	s11 =	simm.s32 @p5 $0xCB000;
	s16 =	simm.s32 @p5 $0x261000  }
0x18: {  	s18 =	simm.s32 @p5 $0xFFF34C00;
	s21 =	simm.s32 @p5 $0xFFB9E400;
	p5 =	seq.s32 s2, $0xD  }
0x19: {  	s11 =	simm.s32 @p1 $0xE8000;
	s16 =	simm.s32 @p1 $0x27E000;
	s18 =	simm.s32 @p1 $0xFFF17C00  }
0x1a: {  	s21 =	simm.s32 @p1 $0xFFB81400;
	s11 =	simm.s32 @p6 $0x105000;
	s16 =	simm.s32 @p6 $0x29B000  }
0x1b: {  	s18 =	simm.s32 @p6 $0xFFEFAC00;
	s21 =	simm.s32 @p6 $0xFFB64400  }
0x1c: {  	p6 =	seq.s32 s2, $0xF;
	s11 =	simm.s32 @p0 $0x122000;
	s16 =	simm.s32 @p0 $0x2B8000  }
0x1d: {  	s18 =	simm.s32 @p0 $0xFFEDDC00;
	s21 =	simm.s32 @p0 $0xFFB47400  }
0x1e: {  	p0 =	seq.s32 s2, $0x11;
	s11 =	simm.s32 @p4 $0x13F000;
	s18 =	simm.s32 @p4 $0xFFEC0C00  }
0x1f: {  	s16 =	simm.s32 @p4 $0x2D5000;
	s21 =	simm.s32 @p4 $0xFFB2A400;
	p4 =	seq.s32 s2, $0x13  }
0x20: {  	s19 =	simm.s32 @!p0 $0x1D000;
	s11 =	simm.s32 @p2 $0x15C000;
	s16 =	simm.s32 @p2 $0x2F2000  }
0x21: {  	s18 =	simm.s32 @p2 $0xFFEA3C00;
	s21 =	simm.s32 @p2 $0xFFB0D400  }
0x22: {  	p2 =	seq.s32 s2, $0x12;
	s11 =	simm.s32 @p5 $0x179000;
	s16 =	simm.s32 @p5 $0x30F000  }
0x23: {  	s18 =	simm.s32 @p5 $0xFFE86C00;
	s21 =	simm.s32 @p5 $0xFFAF0400  }
0x24: {  	p5 =	seq.s32 s2, $0x16;
	s11 =	simm.s32 @p3 $0x196000;
	s16 =	simm.s32 @p3 $0x32C000  }
0x25: {  	s18 =	simm.s32 @p3 $0xFFE69C00;
	s21 =	simm.s32 @p3 $0xFFAD3400  }
0x26: {  	p3 =	seq.s32 s2, $0x14;
	s11 =	simm.s32 @p6 $0x1B3000;
	s16 =	simm.s32 @p6 $0x349000  }
0x27: {  	p1 =	seq.s32 s2, $0x10;
	s18 =	simm.s32 @p6 $0xFFE4CC00;
	s21 =	simm.s32 @p6 $0xFFAB6400  }
0x28: {  	p6 =	seq.s32 s2, $0x19;
	s11 =	simm.s32 @p1 $0x1D0000;
	s16 =	simm.s32 @p1 $0x366000  }
0x29: {  	s4 =	simm.s32 $0x20;
	s18 =	simm.s32 @p1 $0xFFE2FC00;
	s21 =	simm.s32 @p1 $0xFFA99400  }
0x2a: {  	p1 =	seq.s32 s2, $0x15;
	s11 =	simm.s32 @p0 $0x1ED000;
	s18 =	simm.s32 @p0 $0xFFE12C00  }
0x2b: {  	s16 =	simm.s32 @p0 $0x383000;
	s21 =	simm.s32 @p0 $0xFFA7C400;
	p0 =	seq.s32 s2, $0x1B  }
0x2c: {  	s22 =	simm.s32 @!p1 $0x1D000;
	s11 =	simm.s32 @p2 $0x0;
	s18 =	simm.s32 @p2 $0xFFDFF400  }
0x2d: {  	s16 =	simm.s32 @p2 $0x3A0000;
	s21 =	simm.s32 @p2 $0xFFA5F400;
	p2 =	seq.s32 s2, $0x17  }
0x2e: {  	s11 =	simm.s32 @p4 $0x1D000;
	s16 =	simm.s32 @p4 $0x3BD000;
	s18 =	simm.s32 @p4 $0xFFDE2400  }
0x2f: {  	s21 =	simm.s32 @p4 $0xFFA42400;
	p4 =	seq.s32 s2, $0x1C;
	s11 =	simm.s32 @p3 $0x3A000  }
0x30: {  	v1 =	vmov s19;
	s19 =	smax.u32 s25, $0x1;
	s18 =	simm.s32 @p3 $0xFFDC5400;
	s21 =	simm.s32 @p3 $0xFFA25400  }
0x31: {  	s16 =	simm.s32 @p3 $0x3DA000;
	s11 =	simm.s32 @p1 $0x57000;
	s18 =	simm.s32 @p1 $0xFFDA8400  }
0x32: {  	s16 =	simm.s32 @p1 $0x3F7000;
	s21 =	simm.s32 @p1 $0xFFA08400;
	s11 =	simm.s32 @p5 $0x74000  }
0x33: {  	s16 =	simm.s32 @p5 $0x0;
	s18 =	simm.s32 @p5 $0xFFD8B400;
	s21 =	simm.s32 @p5 $0xFFE7EC00  }
0x34: {  	p5 =	seq.s32 s2, $0x1A;
	s11 =	simm.s32 @p2 $0x91000;
	s16 =	simm.s32 @p2 $0x1D000  }
0x35: {  	p3 =	seq.s32 s2, $0x18;
	s18 =	simm.s32 @p2 $0xFFD6E400;
	s21 =	simm.s32 @p2 $0xFFE61C00  }
0x36: {  	p2 =	seq.s32 s2, $0x1D;
	s11 =	simm.s32 @p3 $0xAE000;
	s18 =	simm.s32 @p3 $0xFFD51400  }
0x37: {  	s16 =	simm.s32 @p3 $0x3A000;
	s21 =	simm.s32 @p3 $0xFFE44C00;
	p3 =	seq.s32 s2, $0x1E  }
0x38: {  	s11 =	simm.s32 @p6 $0xCB000;
	s16 =	simm.s32 @p6 $0x57000;
	s18 =	simm.s32 @p6 $0xFFD34400  }
0x39: {  	s21 =	simm.s32 @p6 $0xFFE27C00;
	s22 =	simm.s32 @p3 $0x18000;
	s11 =	simm.s32 @p5 $0xE8000  }
0x3a: {  	p6 =	sgt.u32 s5, $0x8;
	s18 =	simm.s32 @p5 $0xFFD17400;
	s21 =	simm.s32 @p5 $0xFFE0AC00  }
0x3b: {  	s16 =	simm.s32 @p5 $0x74000;
	s11 =	simm.s32 @p0 $0x105000;
	s18 =	simm.s32 @p0 $0xFFCFA400  }
0x3c: {  	s16 =	simm.s32 @p0 $0x91000;
	s21 =	simm.s32 @p0 $0xFFDEDC00;
	p0 =	seq.s32 s2, $0x1F  }
0x3d: {  	s11 =	simm.s32 @p4 $0x122000;
	s16 =	simm.s32 @p4 $0xAE000;
	s18 =	simm.s32 @p4 $0xFFCDD400  }
0x3e: {  	s21 =	simm.s32 @p4 $0xFFDD0C00;
	p4 =	slt.u32 s5, $0x9;
	s22 =	simm.s32 @p0 $0x0  }
0x3f: {  	s5 =	sadd.s32 $0x1800, s7;
	s11 =	simm.s32 @p2 $0x13F000;
	s16 =	simm.s32 @p2 $0xCB000  }
0x40: {  	s18 =	simm.s32 @p2 $0xFFCC0400;
	s12 =	simm.s32 @!p4 $0x20000;
	s4 =	simm.s32 @!p4 $0x80  }
0x41: {  	s21 =	simm.s32 @p2 $0xFFDB3C00;
	p2 =	sne.s32 s22, $0x9000;
	s20 =	simm.s32 @!p4 $0x800  }
0x42: {  	s11 =	simm.s32 @p3 $0x15C000;
	s16 =	simm.s32 @p3 $0xE8000;
	s18 =	simm.s32 @p3 $0xFFCA3400  }
0x43: {  	s21 =	simm.s32 @p3 $0xFFD96C00;
	p3 =	seq.s32 s22, $0x1D000;
	p1 =	por p4, p2  }
0x44: {  	s15 =	smov.u32 s12;
	s20 =	simm.s32 @p0 $0x0;
	s12 =	sshrl.u32 s12, $0x1  }
0x45: {  	v4 =	vmov s22;
	s13 =	sshrl.u32 s4, $0x1;
	s22 =	simm.s32 $0x2;
	p6 =	por !p3, !p6  }
0x46: {  	p3 =	por !p4, !p3;
	s10 =	sshrl.u32 s11, $0x3;
	s23 =	sshrl.u32 s16, $0x3  }
0x47: {  	s18 =	simm.s32 @p0 $0xFFC86400;
	s11 =	simm.s32 @p0 $0x179000;
	s15 =	simm.s32 @p0 $0x0  }
0x48: {  	s21 =	simm.s32 @p0 $0x0;
	s16 =	simm.s32 @p0 $0x0;
	s12 =	sadd.s32 s5, s12  }
0x49: {  	v2 =	vmov s20;
	s20 =	simm.s32 $0x1E000;
	s10 =	sadd.s32 s10, s7;
	s17 =	sadd.s32 s23, s7  }
.Ltmp0:
0x4a: {  	s7 =	sadd.s32 s5, s31;
	s11 =	sshrl.u32 s11, $0x3;
	(pc) =	sbr.rel .LBB2_1-.Ltmp0, $4  }
0x4b: {  	s14 =	sor.u32 $0x400, s15;
	s15 =	sshll.u32 s15, $0x2;
	p2 =	por !p6, !p6  }
0x4c: {  	s16 =	sshrl.u32 s16, $0x3;
	p3 =	por !p3, !p3;
	v0 =	vmov s18;
	s18 =	sadd.s32 s24, s23  }
0x4d: {  	v3 =	vmov s21;
	s21 =	simm.s32 $0x1;
	s23 =	simm.s32 $0x0;
	s10 =	sadd.s32 $0x25800, s10  }
0x4e: {  	v5 =	vimm.f32 $0.0e+00;
	s11 =	sadd.s32 s24, s11;
	s16 =	sadd.s32 s24, s16;
	s17 =	sadd.s32 $0xE5800, s17  }
.LBB2_19:
0x4f: {  	s23 =	sadd.s32 $0x1, s23  }
0x50: {  	p4 =	sne.s32 s23, s19  }
.Ltmp1:
0x51: {  	_ = 	snop;
	(pc) =	sbr.rel @!p4 .LBB2_20-.Ltmp1, $1  }
0x52: {  	_ =	sdelay $0x3  }
.LBB2_1:
0x53: {  	s24 =	simm.s32 $0x40  }
0x54: {  	[tilespmem:s24+$0xFFFFFFC0] =	vst v5  }
0x55: {  	[tilespmem:s24+$0x30] =	vst v5  }
0x56: {  	[tilespmem:s24+$0x20] =	vst v5  }
0x57: {  	[tilespmem:s24+$0x10] =	vst v5  }
0x58: {  	[tilespmem:s24+$0x0] =	vst v5  }
0x59: {  	[tilespmem:s24+$0xFFFFFFF0] =	vst v5  }
0x5a: {  	s25 =	simm.s32 $0x0;
	[tilespmem:s24+$0xFFFFFFE0] =	vst v5  }
.LBB2_2:
0x5b: {  	s25 =	sadd.s32 $0x8, s25;
	[tilespmem:s24+$0xFFFFFFD0] =	vst v5;
	s24 =	sadd.s32 $0x80, s24  }
0x5c: {  	[tilespmem:s24+$0xFFFFFFC0] =	vst v5;
	p4 =	slt.u32 s25, $0x1CF8  }
0x5d: {  	[tilespmem:s24+$0x30] =	vst v5  }
.Ltmp2:
0x5e: {  	[tilespmem:s24+$0x20] =	vst v5;
	(pc) =	sbr.rel @p4 .LBB2_2-.Ltmp2, $4  }
0x5f: {  	[tilespmem:s24+$0x10] =	vst v5  }
0x60: {  	[tilespmem:s24+$0x0] =	vst v5  }
0x61: {  	[tilespmem:s24+$0xFFFFFFF0] =	vst v5  }
0x62: {  	[tilespmem:s24+$0xFFFFFFE0] =	vst v5  }
0x63: {  	[tilespmem:s24+$0xFFFFFFD0] =	vst v5;
	s24 =	simm.s32 $0x0;
	s25 =	simm.s32 $0x0  }
0x64: {  	[tilespmem:s6], [sflag:$0x1] =	stream.linear.gather [hbm4b:s7+s24], $0x1000, $0x38;
	[tilespmem:$0x1F000] =	vst v63  }
.LBB2_4:
0x65: {  	s26 =	sshll.u32 s25, $0xB  }
0x66: {  	s26 =	sadd.s32 s8, s26  }
0x67: {  	s26 =	sshrl.u32 s26, $0x1  }
0x68: {  	s26 =	sadd.s32 s5, s26  }
0x69: {  	[tilespmem:s20], [sflag:$0x2] =	stream.linear.gather [hbm4b:s26+s24], $0x1000, $0x38;
	[tilespmem:$0x1F000] =	vst v63  }
0x6a: {  	_ =	swait.ge [sflag:s21], $0x1000  }
0x6b: {  	s31 =	sand.u32 $0x40, s24;
	s28 =	sand.u32 $0xE00, s24;
	[sflag:s21] =	ssyncset.done $0x0  }
0x6c: {  	s26 =	sor.u32 s31, s28;
	[sflag:s21] =	ssyncadd.s32 $0xFFFFF000  }
0x6d: {  	v6 =	vld [tilespmem:s26+$0x1D030]  }
0x6e: {  	v7 =	vld [tilespmem:s26+$0x1D0B0]  }
0x6f: {  	p4 =	por $0x0, $0x0;
	s28 =	simm.s32 $0x1  }
0x70: {  	s28 =	simm.s32 @!p4 $0x0;
	v8 =	vld [tilespmem:s26+$0x1D000]  }
0x71: {  	s28 =	sshll.u32 s28, $0x6;
	v9 =	vld [tilespmem:s26+$0x1D080]  }
0x72: {  	s28 =	sadd.s32 $0x0, s28;
	v10 =	vld [tilespmem:s26+$0x1D010]  }
0x73: {  	s29 =	sadd.s32 $0x30, s28;
	v12 =	vld [tilespmem:s26+$0x1D020];
	v6 =	vshll.u32 v6, $0xB;
	v7 =	vadd.s32 v0, v7  }
0x74: {  	v13 =	vld [tilespmem:s26+$0x1D0A0];
	s29 =	sor.u32 $0x100, s29;
	v6 =	vadd.s32 v6, v7  }
0x75: {  	s0 =	sadd.s32 $0x20, s28;
	v11 =	vld [tilespmem:s29+$0x1D000];
	s29 =	sadd.s32 $0x10, s28;
	s28 =	sor.u32 $0x100, s28;
	vm0 =	vgt.s32 v6, $0xFFFFFFFF;
	vm1 =	vlt.s32 v6, v1  }
0x76: {  	v16 =	vld [tilespmem:s28+$0x1D000];
	vm0 =	vmand vm0, vm1  }
0x77: {  	s29 =	sor.u32 $0x100, s29;
	v7 =	vld [tilespmem:s26+$0x1D090];
	v6 =	vnsel vm0, $0x0, v6  }
0x78: {  	s1 =	simm.s32 $0x100;
	v14 =	vld [tilespmem:s29+$0x1D000];
	s29 =	simm.s32 $0x40;
	s26 =	sor.u32 $0x100, s0  }
0x79: {  	v8 =	vshll.u32 v8, $0xB;
	v9 =	vadd.s32 v0, v9;
	s28 =	sand.u32 $0x40, s29;
	v15 =	vld [tilespmem:s26+$0x1D000];
	s26 =	sand.u32 $0xE00, s1  }
0x7a: {  	v8 =	vadd.s32 v8, v9;
	s26 =	sor.u32 s28, s26  }
0x7b: {  	v9 =	vshll.u32 v10, $0xB;
	v10 =	vadd.s32 v0, v13;
	v11 =	vnsel vm0, $0x0, v11;
	v13 =	vld [tilespmem:s26+$0x1D010]  }
0x7c: {  	v7 =	vadd.s32 v0, v7;
	[tilespmem:v6+s3+$0x0] =	vst.idx.add.f32.msk $0xffff, v11  }
0x7d: {  	vm1 =	vlt.s32 v8, v1;
	vm0 =	vgt.s32 v8, $0xFFFFFFFF;
	v6 =	vadd.s32 v9, v7;
	v9 =	vld [tilespmem:s26+$0x1D030]  }
0x7e: {  	vm0 =	vmand vm0, vm1;
	v7 =	vshll.u32 v12, $0xB;
	v11 =	vld [tilespmem:s26+$0x1D0B0]  }
0x7f: {  	v8 =	vnsel vm0, $0x0, v8;
	v7 =	vadd.s32 v7, v10;
	v10 =	vld [tilespmem:s26+$0x1D000]  }
0x80: {  	p4 =	por !p4, !p4;
	s28 =	simm.s32 $0x1;
	v16 =	vnsel vm0, $0x0, v16;
	v12 =	vld [tilespmem:s26+$0x1D080];
	vm2 =	vgt.s32 v6, $0xFFFFFFFF;
	vm3 =	vlt.s32 v6, v1  }
0x81: {  	s28 =	simm.s32 @!p4 $0x0;
	v19 =	vld [tilespmem:s26+$0x1D0A0];
	vm1 =	vgt.s32 v7, $0xFFFFFFFF;
	vm4 =	vlt.s32 v7, v1;
	vm2 =	vmand vm2, vm3  }
0x82: {  	s28 =	sshll.u32 s28, $0x6;
	vm1 =	vmand vm1, vm4;
	v17 =	vnsel vm2, $0x0, v6;
	v18 =	vnsel vm2, $0x0, v14;
	v14 =	vld [tilespmem:s26+$0x1D090]  }
0x83: {  	s28 =	sadd.s32 $0x100, s28;
	v6 =	vnsel vm1, $0x0, v7;
	v9 =	vshll.u32 v9, $0xB;
	v11 =	vadd.s32 v0, v11  }
0x84: {  	s30 =	sadd.s32 $0x30, s28;
	v7 =	vnsel vm1, $0x0, v15;
	v15 =	vld [tilespmem:s26+$0x1D020];
	v10 =	vshll.u32 v10, $0xB;
	v20 =	vadd.s32 v9, v11  }
0x85: {  	s29 =	sadd.s32 $0x10, s28;
	[tilespmem:v8+s3+$0x0] =	vst.idx.add.f32.msk $0xffff, v16;
	s26 =	sor.u32 $0x100, s30;
	v9 =	vadd.s32 v0, v12;
	vm0 =	vgt.s32 v20, $0xFFFFFFFF;
	vm1 =	vlt.s32 v20, v1  }
0x86: {  	s29 =	sor.u32 $0x100, s29;
	v16 =	vadd.s32 v0, v19;
	s30 =	sadd.s32 $0x20, s28;
	v11 =	vld [tilespmem:s26+$0x1D000];
	v9 =	vadd.s32 v10, v9;
	vm0 =	vmand vm0, vm1  }
0x87: {  	v8 =	vld [tilespmem:s29+$0x1D000];
	s31 =	sor.u32 $0x100, s30;
	v10 =	vshll.u32 v13, $0xB;
	v13 =	vadd.s32 v0, v14;
	v12 =	vnsel vm0, $0x0, v20  }
0x88: {  	s28 =	sor.u32 $0x100, s28;
	vm1 =	vgt.s32 v9, $0xFFFFFFFF;
	vm2 =	vlt.s32 v9, v1;
	v14 =	vadd.s32 v10, v13;
	v10 =	vld [tilespmem:s31+$0x1D000]  }
0x89: {  	v15 =	vshll.u32 v15, $0xB;
	v13 =	vld [tilespmem:s28+$0x1D000];
	vm3 =	vgt.s32 v14, $0xFFFFFFFF;
	vm15 =	vlt.s32 v14, v1  }
0x8a: {  	s29 =	simm.s32 $0x80;
	s26 =	simm.s32 $0x4;
	[tilespmem:v17+s3+$0x0] =	vst.idx.add.f32.msk $0xffff, v18;
	vm1 =	vmand vm1, vm2;
	s28 =	simm.s32 $0x200;
	v15 =	vadd.s32 v15, v16;
	vm2 =	vmand vm3, vm15  }
.LBB2_5:
0x8b: {  	s30 =	sand.u32 $0x40, s29;
	s31 =	sand.u32 $0xE00, s28;
	vm3 =	vgt.s32 v15, $0xFFFFFFFF;
	vm4 =	vlt.s32 v15, v1;
	v11 =	vnsel vm0, $0x0, v11;
	[tilespmem:v6+s3+$0x0] =	vst.idx.add.f32.msk $0xffff, v7  }
0x8c: {  	s26 =	sadd.s32 $0x4, s26;
	v9 =	vnsel vm1, $0x0, v9;
	v16 =	vnsel vm2, $0x0, v14;
	s30 =	sor.u32 s30, s31;
	vm0 =	vmand vm3, vm4;
	[tilespmem:v12+s3+$0x0] =	vst.idx.add.f32.msk $0xffff, v11  }
0x8d: {  	p5 =	slt.u32 s26, $0x3C;
	v17 =	vnsel vm2, $0x0, v8;
	v11 =	vld [tilespmem:s30+$0x1D030];
	v6 =	vnsel vm0, $0x0, v15;
	v7 =	vnsel vm0, $0x0, v10  }
0x8e: {  	v8 =	vld [tilespmem:s30+$0x1D0B0];
	v10 =	vnsel vm1, $0x0, v13  }
0x8f: {  	v12 =	vld [tilespmem:s30+$0x1D000]  }
0x90: {  	p4 =	por !p4, !p4;
	s31 =	simm.s32 $0x1;
	v13 =	vld [tilespmem:s30+$0x1D080]  }
0x91: {  	s31 =	simm.s32 @!p4 $0x0;
	v14 =	vld [tilespmem:s30+$0x1D010]  }
0x92: {  	s31 =	sshll.u32 s31, $0x6;
	v15 =	vld [tilespmem:s30+$0x1D090]  }
0x93: {  	s31 =	sadd.s32 s31, s28;
	v11 =	vshll.u32 v11, $0xB;
	v18 =	vld [tilespmem:s30+$0x1D020];
	v8 =	vadd.s32 v0, v8  }
0x94: {  	s1 =	sadd.s32 $0x10, s31;
	s0 =	sadd.s32 $0x30, s31;
	v12 =	vshll.u32 v12, $0xB;
	v19 =	vld [tilespmem:s30+$0x1D0A0];
	s30 =	sadd.s32 $0x20, s31;
	v20 =	vadd.s32 v11, v8  }
0x95: {  	s1 =	sor.u32 $0x100, s1;
	s0 =	sor.u32 $0x100, s0;
	v8 =	vadd.s32 v0, v13;
	s30 =	sor.u32 $0x100, s30;
	vm0 =	vgt.s32 v20, $0xFFFFFFFF;
	vm1 =	vlt.s32 v20, v1;
	[tilespmem:v9+s3+$0x0] =	vst.idx.add.f32.msk $0xffff, v10  }
.Ltmp3:
0x96: {  	s31 =	sor.u32 $0x100, s31;
	v9 =	vadd.s32 v12, v8;
	v10 =	vshll.u32 v14, $0xB;
	v11 =	vld [tilespmem:s0+$0x1D000];
	vm0 =	vmand vm0, vm1;
	(pc) =	sbr.rel @p5 .LBB2_5-.Ltmp3, $4  }
0x97: {  	vm1 =	vgt.s32 v9, $0xFFFFFFFF;
	v8 =	vld [tilespmem:s1+$0x1D000];
	v13 =	vadd.s32 v0, v15;
	v12 =	vnsel vm0, $0x0, v20  }
0x98: {  	vm2 =	vlt.s32 v9, v1;
	v14 =	vadd.s32 v10, v13;
	v10 =	vld [tilespmem:s30+$0x1D000];
	v15 =	vshll.u32 v18, $0xB  }
0x99: {  	v13 =	vld [tilespmem:s31+$0x1D000];
	vm3 =	vgt.s32 v14, $0xFFFFFFFF;
	vm4 =	vlt.s32 v14, v1;
	v18 =	vadd.s32 v0, v19  }
0x9a: {  	s29 =	sadd.s32 $0x40, s29;
	s28 =	sadd.s32 $0x100, s28;
	vm1 =	vmand vm1, vm2;
	vm2 =	vmand vm3, vm4;
	v15 =	vadd.s32 v15, v18;
	[tilespmem:v16+s3+$0x0] =	vst.idx.add.f32.msk $0xffff, v17  }
0x9b: {  	_ = 	snop  }
0x9c: {  	vm3 =	vgt.s32 v15, $0xFFFFFFFF;
	vm4 =	vlt.s32 v15, v1;
	v9 =	vnsel vm1, $0x0, v9  }
0x9d: {  	v14 =	vnsel vm2, $0x0, v14;
	vm3 =	vmand vm3, vm4  }
0x9e: {  	v15 =	vnsel vm3, $0x0, v15  }
0x9f: {  	v11 =	vnsel vm0, $0x0, v11;
	[tilespmem:v6+s3+$0x0] =	vst.idx.add.f32.msk $0xffff, v7;
	p4 =	seq.s32 s25, $0x3F  }
0xa0: {  	[tilespmem:v12+s3+$0x0] =	vst.idx.add.f32.msk $0xffff, v11;
	s0 =	sshll.u32 @!p4 s25, $0xD;
	v6 =	vnsel vm1, $0x0, v13  }
0xa1: {  	v7 =	vnsel vm2, $0x0, v8;
	s0 =	sadd.s32 @!p4 s0, s9;
	[tilespmem:v9+s3+$0x0] =	vst.idx.add.f32.msk $0xffff, v6  }
0xa2: {  	s0 =	sshrl.u32 @!p4 s0, $0x3;
	v6 =	vnsel vm3, $0x0, v10;
	[tilespmem:v14+s3+$0x0] =	vst.idx.add.f32.msk $0xffff, v7  }
0xa3: {  	s1 =	simm.s32 @!p4 $0x0;
	s26 =	simm.s32 @!p4 $0x1D000;
	s0 =	sadd.s32 @!p4 s5, s0;
	[tilespmem:v15+s3+$0x0] =	vst.idx.add.f32.msk $0xffff, v6  }
0xa4: {  	[tilespmem:s26], [sflag:$0x1] =	stream.linear.gather @!p4 [hbm4b:s0+s1], $0x1000, $0x38;
	[tilespmem:$0x1F000] =	vst v63  }
0xa5: {  	s26 =	simm.s32 $0x0;
	_ =	swait.ge [sflag:s22], $0x1000  }
0xa6: {  	s30 =	sand.u32 $0x40, s26;
	s0 =	sand.u32 $0xE00, s26;
	[sflag:s22] =	ssyncset.done $0x0  }
0xa7: {  	s0 =	sor.u32 s30, s0;
	[sflag:s22] =	ssyncadd.s32 $0xFFFFF000  }
0xa8: {  	v6 =	vld [tilespmem:s0+$0x1E030]  }
0xa9: {  	v7 =	vld [tilespmem:s0+$0x1E0B0];
	_ =	sdelay $0x1  }
0xaa: {  	p4 =	por $0x0, $0x0;
	s1 =	simm.s32 $0x1  }
0xab: {  	s1 =	simm.s32 @!p4 $0x0;
	v8 =	vld [tilespmem:s0+$0x1E000]  }
0xac: {  	s1 =	sshll.u32 s1, $0x6;
	v9 =	vld [tilespmem:s0+$0x1E080]  }
0xad: {  	s1 =	sadd.s32 $0x0, s1;
	v10 =	vld [tilespmem:s0+$0x1E010];
	v6 =	vshll.u32 v6, $0xB;
	v7 =	vadd.s32 v0, v7  }
0xae: {  	s31 =	sadd.s32 $0x30, s1;
	v12 =	vld [tilespmem:s0+$0x1E020];
	v6 =	vadd.s32 v6, v7  }
0xaf: {  	v13 =	vld [tilespmem:s0+$0x1E0A0];
	s26 =	sor.u32 $0x100, s31;
	vm0 =	vgt.s32 v6, $0xFFFFFFFF;
	vm1 =	vlt.s32 v6, v1  }
0xb0: {  	s31 =	sadd.s32 $0x20, s1;
	v11 =	vld [tilespmem:s26+$0x1E000];
	vm0 =	vmand vm0, vm1  }
0xb1: {  	s30 =	sadd.s32 $0x10, s1;
	s1 =	sor.u32 $0x100, s1;
	v7 =	vld [tilespmem:s0+$0x1E090];
	s0 =	sor.u32 $0x100, s31;
	v6 =	vnsel vm0, $0x0, v6  }
0xb2: {  	s26 =	sor.u32 $0x100, s30;
	s30 =	simm.s32 $0x40;
	v15 =	vld [tilespmem:s0+$0x1E000];
	s0 =	simm.s32 $0x100  }
0xb3: {  	v16 =	vld [tilespmem:s1+$0x1E000];
	v8 =	vshll.u32 v8, $0xB;
	v9 =	vadd.s32 v0, v9;
	s31 =	sand.u32 $0x40, s30;
	s0 =	sand.u32 $0xE00, s0  }
0xb4: {  	v14 =	vld [tilespmem:s26+$0x1E000];
	v8 =	vadd.s32 v8, v9;
	s0 =	sor.u32 s31, s0  }
0xb5: {  	v9 =	vshll.u32 v10, $0xB;
	v10 =	vadd.s32 v0, v13;
	v11 =	vnsel vm0, $0x0, v11;
	v13 =	vld [tilespmem:s0+$0x1E010]  }
0xb6: {  	v7 =	vadd.s32 v0, v7;
	[tilespmem:v6+s3+$0x0] =	vst.idx.add.f32.msk $0xffff, v11  }
0xb7: {  	vm1 =	vlt.s32 v8, v1;
	vm0 =	vgt.s32 v8, $0xFFFFFFFF;
	v6 =	vadd.s32 v9, v7;
	v9 =	vld [tilespmem:s0+$0x1E030]  }
0xb8: {  	vm0 =	vmand vm0, vm1;
	v7 =	vshll.u32 v12, $0xB;
	v11 =	vld [tilespmem:s0+$0x1E0B0]  }
0xb9: {  	v8 =	vnsel vm0, $0x0, v8;
	v7 =	vadd.s32 v7, v10;
	v10 =	vld [tilespmem:s0+$0x1E000]  }
0xba: {  	p4 =	por !p4, !p4;
	s1 =	simm.s32 $0x1;
	v16 =	vnsel vm0, $0x0, v16;
	v12 =	vld [tilespmem:s0+$0x1E080];
	vm2 =	vgt.s32 v6, $0xFFFFFFFF;
	vm3 =	vlt.s32 v6, v1  }
0xbb: {  	s1 =	simm.s32 @!p4 $0x0;
	v19 =	vld [tilespmem:s0+$0x1E0A0];
	vm1 =	vgt.s32 v7, $0xFFFFFFFF;
	vm14 =	vlt.s32 v7, v1;
	vm2 =	vmand vm2, vm3  }
0xbc: {  	s1 =	sshll.u32 s1, $0x6;
	vm1 =	vmand vm1, vm14;
	v17 =	vnsel vm2, $0x0, v6;
	v18 =	vnsel vm2, $0x0, v14;
	v14 =	vld [tilespmem:s0+$0x1E090]  }
0xbd: {  	s1 =	sadd.s32 $0x100, s1;
	v6 =	vnsel vm1, $0x0, v7;
	v9 =	vshll.u32 v9, $0xB;
	v11 =	vadd.s32 v0, v11  }
0xbe: {  	s26 =	sadd.s32 $0x30, s1;
	v7 =	vnsel vm1, $0x0, v15;
	v15 =	vld [tilespmem:s0+$0x1E020];
	v10 =	vshll.u32 v10, $0xB;
	v20 =	vadd.s32 v9, v11  }
0xbf: {  	s30 =	sadd.s32 $0x10, s1;
	[tilespmem:v8+s3+$0x0] =	vst.idx.add.f32.msk $0xffff, v16;
	s0 =	sor.u32 $0x100, s26;
	v9 =	vadd.s32 v0, v12;
	vm0 =	vgt.s32 v20, $0xFFFFFFFF;
	vm1 =	vlt.s32 v20, v1  }
0xc0: {  	s28 =	sadd.s32 $0x20, s1;
	v16 =	vadd.s32 v0, v19;
	s26 =	sor.u32 $0x100, s30;
	v11 =	vld [tilespmem:s0+$0x1E000];
	v9 =	vadd.s32 v10, v9;
	vm0 =	vmand vm0, vm1  }
0xc1: {  	s31 =	sor.u32 $0x100, s28;
	v8 =	vld [tilespmem:s26+$0x1E000];
	v10 =	vshll.u32 v13, $0xB;
	v13 =	vadd.s32 v0, v14;
	v12 =	vnsel vm0, $0x0, v20  }
0xc2: {  	s1 =	sor.u32 $0x100, s1;
	vm1 =	vgt.s32 v9, $0xFFFFFFFF;
	vm2 =	vlt.s32 v9, v1;
	v14 =	vadd.s32 v10, v13;
	v10 =	vld [tilespmem:s31+$0x1E000]  }
0xc3: {  	v15 =	vshll.u32 v15, $0xB;
	v13 =	vld [tilespmem:s1+$0x1E000];
	vm3 =	vgt.s32 v14, $0xFFFFFFFF;
	vm15 =	vlt.s32 v14, v1  }
0xc4: {  	s29 =	simm.s32 $0x80;
	s28 =	simm.s32 $0x200;
	s26 =	simm.s32 $0x4;
	[tilespmem:v17+s3+$0x0] =	vst.idx.add.f32.msk $0xffff, v18;
	vm1 =	vmand vm1, vm2;
	v15 =	vadd.s32 v15, v16;
	vm2 =	vmand vm3, vm15  }
.LBB2_7:
0xc5: {  	s0 =	sand.u32 $0x40, s29;
	s1 =	sand.u32 $0xE00, s28;
	vm3 =	vgt.s32 v15, $0xFFFFFFFF;
	vm4 =	vlt.s32 v15, v1;
	v11 =	vnsel vm0, $0x0, v11;
	[tilespmem:v6+s3+$0x0] =	vst.idx.add.f32.msk $0xffff, v7  }
0xc6: {  	s26 =	sadd.s32 $0x4, s26;
	v9 =	vnsel vm1, $0x0, v9;
	v16 =	vnsel vm2, $0x0, v14;
	s0 =	sor.u32 s0, s1;
	vm0 =	vmand vm3, vm4;
	[tilespmem:v12+s3+$0x0] =	vst.idx.add.f32.msk $0xffff, v11  }
0xc7: {  	p5 =	slt.u32 s26, $0x3C;
	v17 =	vnsel vm2, $0x0, v8;
	v11 =	vld [tilespmem:s0+$0x1E030];
	v6 =	vnsel vm0, $0x0, v15;
	v7 =	vnsel vm0, $0x0, v10  }
0xc8: {  	v8 =	vld [tilespmem:s0+$0x1E0B0];
	v10 =	vnsel vm1, $0x0, v13  }
0xc9: {  	v12 =	vld [tilespmem:s0+$0x1E000]  }
0xca: {  	p4 =	por !p4, !p4;
	s1 =	simm.s32 $0x1;
	v13 =	vld [tilespmem:s0+$0x1E080]  }
0xcb: {  	s1 =	simm.s32 @!p4 $0x0;
	v14 =	vld [tilespmem:s0+$0x1E010]  }
0xcc: {  	s1 =	sshll.u32 s1, $0x6;
	v15 =	vld [tilespmem:s0+$0x1E090]  }
0xcd: {  	s1 =	sadd.s32 s1, s28;
	v11 =	vshll.u32 v11, $0xB;
	v18 =	vld [tilespmem:s0+$0x1E020];
	v8 =	vadd.s32 v0, v8  }
0xce: {  	s30 =	sadd.s32 $0x10, s1;
	s31 =	sadd.s32 $0x30, s1;
	v12 =	vshll.u32 v12, $0xB;
	v19 =	vld [tilespmem:s0+$0x1E0A0];
	s0 =	sadd.s32 $0x20, s1;
	v20 =	vadd.s32 v11, v8  }
0xcf: {  	s30 =	sor.u32 $0x100, s30;
	s31 =	sor.u32 $0x100, s31;
	v8 =	vadd.s32 v0, v13;
	s0 =	sor.u32 $0x100, s0;
	vm0 =	vgt.s32 v20, $0xFFFFFFFF;
	vm1 =	vlt.s32 v20, v1;
	[tilespmem:v9+s3+$0x0] =	vst.idx.add.f32.msk $0xffff, v10  }
.Ltmp4:
0xd0: {  	s1 =	sor.u32 $0x100, s1;
	v9 =	vadd.s32 v12, v8;
	v10 =	vshll.u32 v14, $0xB;
	v11 =	vld [tilespmem:s31+$0x1E000];
	vm0 =	vmand vm0, vm1;
	(pc) =	sbr.rel @p5 .LBB2_7-.Ltmp4, $4  }
0xd1: {  	vm1 =	vgt.s32 v9, $0xFFFFFFFF;
	v8 =	vld [tilespmem:s30+$0x1E000];
	v13 =	vadd.s32 v0, v15;
	v12 =	vnsel vm0, $0x0, v20  }
0xd2: {  	vm2 =	vlt.s32 v9, v1;
	v14 =	vadd.s32 v10, v13;
	v10 =	vld [tilespmem:s0+$0x1E000];
	v15 =	vshll.u32 v18, $0xB  }
0xd3: {  	v13 =	vld [tilespmem:s1+$0x1E000];
	vm3 =	vgt.s32 v14, $0xFFFFFFFF;
	vm4 =	vlt.s32 v14, v1;
	v18 =	vadd.s32 v0, v19  }
0xd4: {  	s29 =	sadd.s32 $0x40, s29;
	s28 =	sadd.s32 $0x100, s28;
	vm1 =	vmand vm1, vm2;
	vm2 =	vmand vm3, vm4;
	v15 =	vadd.s32 v15, v18;
	[tilespmem:v16+s3+$0x0] =	vst.idx.add.f32.msk $0xffff, v17  }
0xd5: {  	_ = 	snop  }
0xd6: {  	vm3 =	vgt.s32 v15, $0xFFFFFFFF;
	vm4 =	vlt.s32 v15, v1;
	v9 =	vnsel vm1, $0x0, v9  }
0xd7: {  	v14 =	vnsel vm2, $0x0, v14;
	s25 =	sadd.s32 $0x1, s25;
	vm3 =	vmand vm3, vm4  }
0xd8: {  	p4 =	sne.s32 s25, $0x40;
	v63 =	vnsel vm3, $0x0, v15  }
.Ltmp5:
0xd9: {  	v11 =	vnsel vm0, $0x0, v11;
	[tilespmem:v6+s3+$0x0] =	vst.idx.add.f32.msk $0xffff, v7;
	(pc) =	sbr.rel @p4 .LBB2_4-.Ltmp5, $4  }
0xda: {  	[tilespmem:v12+s3+$0x0] =	vst.idx.add.f32.msk $0xffff, v11;
	v6 =	vnsel vm1, $0x0, v13  }
0xdb: {  	v7 =	vnsel vm2, $0x0, v8;
	[tilespmem:v9+s3+$0x0] =	vst.idx.add.f32.msk $0xffff, v6  }
0xdc: {  	v6 =	vnsel vm3, $0x0, v10;
	[tilespmem:v14+s3+$0x0] =	vst.idx.add.f32.msk $0xffff, v7  }
0xdd: {  	[tilespmem:v63+s3+$0x0] =	vst.idx.add.f32.msk $0xffff, v6  }
0xde: {  	p4 =	sgt.u32 s2, $0x10  }
0xdf: {  	p5 =	sne.s32 @p4 s2, $0x11  }
0xe0: {  	p5 =	por p5, !p4  }
0xe1: {  	s0 =	simm.s32 @!p5 $0x0  }
0xe2: {  	[hbm4b:s10+s0] =	stream.linear.scatter @!p5 [tilespmem:s0], [sflag:$0x3], $0x13000, $0x38;
	[tilespmem:$0x1F000] =	vst v63  }
0xe3: {  	s0 =	simm.s32 @!p5 $0x3  }
0xe4: {  	_ =	swait.ge @!p5 [sflag:s0], $0x13000  }
0xe5: {  	[sflag:s0] =	ssyncset.done @!p5 $0x0  }
0xe6: {  	[sflag:s0] =	ssyncadd.s32 @!p5 $0xFFFED000;
	s0 =	simm.s32 @!p4 $0x0  }
0xe7: {  	[hbm4b:s10+s0] =	stream.linear.scatter @!p4 [tilespmem:s0], [sflag:$0x3], $0x1D000, $0x38;
	[tilespmem:$0x1F000] =	vst v63  }
0xe8: {  	s0 =	simm.s32 @!p4 $0x3  }
0xe9: {  	s1 =	stileid.u32;
	_ =	swait.ge @!p4 [sflag:s0], $0x1D000  }
0xea: {  	p5 =	slt.u32 s1, $0x9;
	[sflag:s0] =	ssyncset.done @!p4 $0x0  }
0xeb: {  	[sflag:s0] =	ssyncadd.s32 @!p4 $0xFFFE3000;
	s0 =	simm.s32 @!p5 $0x0  }
0xec: {  	[hbm4b:s11+s0] =	stream.linear.scatter @!p5 [tilespmem:s0], [sflag:$0x3], $0x1D000, $0x38;
	[tilespmem:$0x1F000] =	vst v63  }
0xed: {  	s0 =	simm.s32 @!p5 $0x3  }
0xee: {  	_ =	swait.ge @!p5 [sflag:s0], $0x1D000  }
0xef: {  	[sflag:s0] =	ssyncset.done @!p5 $0x0  }
0xf0: {  	s24 =	simm.s32 $0x40;
	[sflag:s0] =	ssyncadd.s32 @!p5 $0xFFFE3000  }
0xf1: {  	[tilespmem:s24+$0xFFFFFFC0] =	vst v5  }
0xf2: {  	[tilespmem:s24+$0x30] =	vst v5  }
0xf3: {  	[tilespmem:s24+$0x20] =	vst v5  }
0xf4: {  	[tilespmem:s24+$0x10] =	vst v5  }
0xf5: {  	[tilespmem:s24+$0x0] =	vst v5  }
0xf6: {  	[tilespmem:s24+$0xFFFFFFF0] =	vst v5  }
0xf7: {  	s25 =	simm.s32 $0x0;
	[tilespmem:s24+$0xFFFFFFE0] =	vst v5  }
.LBB2_10:
0xf8: {  	s25 =	sadd.s32 $0x8, s25;
	[tilespmem:s24+$0xFFFFFFD0] =	vst v5;
	s24 =	sadd.s32 $0x80, s24  }
0xf9: {  	[tilespmem:s24+$0xFFFFFFC0] =	vst v5;
	p4 =	slt.u32 s25, $0x1CF8  }
0xfa: {  	[tilespmem:s24+$0x30] =	vst v5  }
.Ltmp6:
0xfb: {  	[tilespmem:s24+$0x20] =	vst v5;
	(pc) =	sbr.rel @p4 .LBB2_10-.Ltmp6, $4  }
0xfc: {  	[tilespmem:s24+$0x10] =	vst v5  }
0xfd: {  	[tilespmem:s24+$0x0] =	vst v5  }
0xfe: {  	[tilespmem:s24+$0xFFFFFFF0] =	vst v5  }
0xff: {  	[tilespmem:s24+$0xFFFFFFE0] =	vst v5  }
.Ltmp7:
0x100: {  	(pc) =	sbr.rel @p0 .LBB2_19-.Ltmp7, $2  }
0x101: {  	_ =	sdelay $0x2  }
0x102: {  	[tilespmem:s24+$0xFFFFFFD0] =	vst v5  }
0x103: {  	s24 =	simm.s32 $0x0;
	s25 =	simm.s32 $0x0  }
0x104: {  	[tilespmem:s6], [sflag:$0x1] =	stream.linear.gather [hbm4b:s12+s24], $0x1000, $0x38;
	[tilespmem:$0x1F000] =	vst v63  }
.LBB2_13:
0x105: {  	s0 =	sshll.u32 s25, $0xB  }
0x106: {  	s0 =	sadd.s32 s0, s14  }
0x107: {  	s0 =	sshrl.u32 s0, $0x1  }
0x108: {  	s0 =	sadd.s32 s5, s0  }
0x109: {  	[tilespmem:s20], [sflag:$0x2] =	stream.linear.gather [hbm4b:s0+s24], $0x1000, $0x38;
	[tilespmem:$0x1F000] =	vst v63  }
0x10a: {  	_ =	swait.ge [sflag:s21], $0x1000  }
0x10b: {  	s26 =	sand.u32 $0x40, s24;
	s1 =	sand.u32 $0xE00, s24;
	[sflag:s21] =	ssyncset.done $0x0  }
0x10c: {  	s0 =	sor.u32 s26, s1;
	[sflag:s21] =	ssyncadd.s32 $0xFFFFF000  }
0x10d: {  	v6 =	vld [tilespmem:s0+$0x1D030]  }
0x10e: {  	v7 =	vld [tilespmem:s0+$0x1D0B0];
	_ =	sdelay $0x1  }
0x10f: {  	p4 =	por $0x0, $0x0;
	s1 =	simm.s32 $0x1  }
0x110: {  	s1 =	simm.s32 @!p4 $0x0;
	v8 =	vld [tilespmem:s0+$0x1D000]  }
0x111: {  	s1 =	sshll.u32 s1, $0x6;
	v9 =	vld [tilespmem:s0+$0x1D010];
	v6 =	vmul.u32 v2, v6  }
0x112: {  	s1 =	sadd.s32 $0x0, s1;
	v10 =	vld [tilespmem:s0+$0x1D020];
	v7 =	vadd.s32 v3, v7  }
0x113: {  	s26 =	sadd.s32 $0x30, s1;
	v12 =	vld [tilespmem:s0+$0x1D090];
	v6 =	vadd.s32 v6, v7  }
0x114: {  	s26 =	sor.u32 $0x100, s26;
	v7 =	vld [tilespmem:s0+$0x1D080];
	vm0 =	vgt.s32 v6, $0xFFFFFFFF;
	vm1 =	vlt.s32 v6, v4  }
0x115: {  	s31 =	sadd.s32 $0x20, s1;
	v11 =	vld [tilespmem:s26+$0x1D000];
	vm0 =	vmand vm0, vm1  }
0x116: {  	s30 =	sadd.s32 $0x10, s1;
	v13 =	vld [tilespmem:s0+$0x1D0A0];
	s1 =	sor.u32 $0x100, s1;
	s0 =	sor.u32 $0x100, s31;
	v6 =	vnsel vm0, $0x0, v6  }
0x117: {  	s26 =	sor.u32 $0x100, s30;
	s30 =	simm.s32 $0x40;
	v15 =	vld [tilespmem:s0+$0x1D000];
	s0 =	simm.s32 $0x100  }
0x118: {  	v16 =	vld [tilespmem:s1+$0x1D000];
	v8 =	vmul.u32 v2, v8;
	s31 =	sand.u32 $0x40, s30;
	s0 =	sand.u32 $0xE00, s0  }
0x119: {  	v14 =	vld [tilespmem:s26+$0x1D000];
	s0 =	sor.u32 s31, s0;
	v7 =	vadd.s32 v3, v7  }
0x11a: {  	v11 =	vnsel vm0, $0x0, v11;
	v7 =	vadd.s32 v8, v7;
	v8 =	vld [tilespmem:s0+$0x1D030]  }
0x11b: {  	vm0 =	vgt.s32 v7, $0xFFFFFFFF;
	[tilespmem:v6+s3+$0x0] =	vst.idx.add.f32.msk $0xffff, v11;
	v6 =	vmul.u32 v2, v9  }
0x11c: {  	vm1 =	vlt.s32 v7, v4;
	v9 =	vmul.u32 v2, v10;
	v10 =	vadd.s32 v3, v12;
	v11 =	vld [tilespmem:s0+$0x1D0B0]  }
0x11d: {  	vm0 =	vmand vm0, vm1;
	v12 =	vld [tilespmem:s0+$0x1D000];
	v6 =	vadd.s32 v6, v10;
	v10 =	vadd.s32 v3, v13  }
0x11e: {  	p4 =	por !p4, !p4;
	s1 =	simm.s32 $0x1;
	v17 =	vld [tilespmem:s0+$0x1D010];
	v13 =	vnsel vm0, $0x0, v7;
	vm1 =	vgt.s32 v6, $0xFFFFFFFF;
	vm2 =	vlt.s32 v6, v4  }
0x11f: {  	s1 =	simm.s32 @!p4 $0x0;
	v19 =	vld [tilespmem:s0+$0x1D080];
	v7 =	vadd.s32 v9, v10;
	v10 =	vnsel vm0, $0x0, v16;
	v8 =	vmul.u32 v2, v8  }
0x120: {  	s1 =	sshll.u32 s1, $0x6;
	v9 =	vld [tilespmem:s0+$0x1D020];
	vm1 =	vmand vm1, vm2;
	vm2 =	vgt.s32 v7, $0xFFFFFFFF;
	vm3 =	vlt.s32 v7, v4  }
0x121: {  	s1 =	sadd.s32 $0x100, s1;
	v16 =	vld [tilespmem:s0+$0x1D090];
	v18 =	vnsel vm1, $0x0, v6;
	vm2 =	vmand vm2, vm3;
	v11 =	vadd.s32 v3, v11  }
0x122: {  	s26 =	sadd.s32 $0x30, s1;
	v21 =	vld [tilespmem:s0+$0x1D0A0];
	v20 =	vnsel vm1, $0x0, v14;
	v12 =	vmul.u32 v2, v12;
	v11 =	vadd.s32 v8, v11  }
0x123: {  	s30 =	sadd.s32 $0x10, s1;
	s0 =	sor.u32 $0x100, s26;
	v14 =	vmul.u32 v2, v17;
	[tilespmem:v13+s3+$0x0] =	vst.idx.add.f32.msk $0xffff, v10;
	vm0 =	vgt.s32 v11, $0xFFFFFFFF;
	vm1 =	vlt.s32 v11, v4  }
0x124: {  	s28 =	sadd.s32 $0x20, s1;
	s26 =	sor.u32 $0x100, s30;
	v6 =	vnsel vm2, $0x0, v7;
	v7 =	vnsel vm2, $0x0, v15;
	v10 =	vld [tilespmem:s0+$0x1D000];
	vm0 =	vmand vm0, vm1  }
0x125: {  	s31 =	sor.u32 $0x100, s28;
	v8 =	vld [tilespmem:s26+$0x1D000];
	v15 =	vmul.u32 v2, v9;
	v9 =	vadd.s32 v3, v19;
	v11 =	vnsel vm0, $0x0, v11  }
0x126: {  	s1 =	sor.u32 $0x100, s1;
	v16 =	vadd.s32 v3, v16;
	v13 =	vadd.s32 v12, v9;
	v9 =	vld [tilespmem:s31+$0x1D000]  }
0x127: {  	v12 =	vld [tilespmem:s1+$0x1D000];
	v14 =	vadd.s32 v14, v16;
	v16 =	vadd.s32 v3, v21;
	vm1 =	vgt.s32 v13, $0xFFFFFFFF  }
0x128: {  	s29 =	simm.s32 $0x80;
	s28 =	simm.s32 $0x200;
	s26 =	simm.s32 $0x4;
	vm2 =	vlt.s32 v13, v4;
	vm3 =	vgt.s32 v14, $0xFFFFFFFF;
	v15 =	vadd.s32 v15, v16;
	[tilespmem:v18+s3+$0x0] =	vst.idx.add.f32.msk $0xffff, v20  }
.LBB2_14:
0x129: {  	s0 =	sand.u32 $0x40, s29;
	s1 =	sand.u32 $0xE00, s28;
	s26 =	sadd.s32 $0x4, s26;
	vm4 =	vlt.s32 v14, v4;
	vm5 =	vgt.s32 v15, $0xFFFFFFFF;
	v10 =	vnsel vm0, $0x0, v10;
	[tilespmem:v6+s3+$0x0] =	vst.idx.add.f32.msk $0xffff, v7  }
0x12a: {  	vm0 =	vmand vm1, vm2;
	vm2 =	vlt.s32 v15, v4;
	s0 =	sor.u32 s0, s1;
	p5 =	slt.u32 s26, $0x3C;
	vm1 =	vmand vm3, vm4;
	[tilespmem:v11+s3+$0x0] =	vst.idx.add.f32.msk $0xffff, v10  }
0x12b: {  	v11 =	vnsel vm0, $0x0, v13;
	vm2 =	vmand vm5, vm2;
	v10 =	vld [tilespmem:s0+$0x1D030];
	v16 =	vnsel vm1, $0x0, v14  }
0x12c: {  	v17 =	vnsel vm1, $0x0, v8;
	v6 =	vnsel vm2, $0x0, v15;
	v13 =	vld [tilespmem:s0+$0x1D0B0];
	v12 =	vnsel vm0, $0x0, v12  }
0x12d: {  	v7 =	vnsel vm2, $0x0, v9;
	v8 =	vld [tilespmem:s0+$0x1D000]  }
0x12e: {  	p4 =	por !p4, !p4;
	s1 =	simm.s32 $0x1;
	v9 =	vld [tilespmem:s0+$0x1D010]  }
0x12f: {  	s1 =	simm.s32 @!p4 $0x0;
	v14 =	vld [tilespmem:s0+$0x1D020]  }
0x130: {  	s1 =	sshll.u32 s1, $0x6;
	v15 =	vld [tilespmem:s0+$0x1D080];
	v10 =	vmul.u32 v2, v10  }
0x131: {  	s1 =	sadd.s32 s1, s28;
	v18 =	vld [tilespmem:s0+$0x1D090];
	v13 =	vadd.s32 v3, v13  }
0x132: {  	s30 =	sadd.s32 $0x10, s1;
	s31 =	sadd.s32 $0x30, s1;
	v19 =	vmul.u32 v2, v8;
	v20 =	vld [tilespmem:s0+$0x1D0A0];
	s0 =	sadd.s32 $0x20, s1;
	v13 =	vadd.s32 v10, v13  }
0x133: {  	s30 =	sor.u32 $0x100, s30;
	s31 =	sor.u32 $0x100, s31;
	v21 =	vmul.u32 v2, v9;
	s0 =	sor.u32 $0x100, s0;
	vm0 =	vgt.s32 v13, $0xFFFFFFFF;
	vm1 =	vlt.s32 v13, v4;
	[tilespmem:v11+s3+$0x0] =	vst.idx.add.f32.msk $0xffff, v12  }
.Ltmp8:
0x134: {  	s1 =	sor.u32 $0x100, s1;
	v22 =	vmul.u32 v2, v14;
	v10 =	vld [tilespmem:s31+$0x1D000];
	vm0 =	vmand vm0, vm1;
	(pc) =	sbr.rel @p5 .LBB2_14-.Ltmp8, $4  }
0x135: {  	v9 =	vadd.s32 v3, v15;
	v8 =	vld [tilespmem:s30+$0x1D000];
	v11 =	vnsel vm0, $0x0, v13  }
0x136: {  	v13 =	vadd.s32 v19, v9;
	v14 =	vadd.s32 v3, v18;
	v9 =	vld [tilespmem:s0+$0x1D000]  }
0x137: {  	v12 =	vld [tilespmem:s1+$0x1D000];
	vm1 =	vgt.s32 v13, $0xFFFFFFFF;
	v14 =	vadd.s32 v21, v14;
	v15 =	vadd.s32 v3, v20  }
0x138: {  	s29 =	sadd.s32 $0x40, s29;
	s28 =	sadd.s32 $0x100, s28;
	vm2 =	vlt.s32 v13, v4;
	vm3 =	vgt.s32 v14, $0xFFFFFFFF;
	v15 =	vadd.s32 v22, v15;
	[tilespmem:v16+s3+$0x0] =	vst.idx.add.f32.msk $0xffff, v17  }
0x139: {  	vm4 =	vlt.s32 v14, v4;
	vm5 =	vgt.s32 v15, $0xFFFFFFFF;
	vm1 =	vmand vm1, vm2  }
0x13a: {  	vm2 =	vmand vm3, vm4;
	vm3 =	vlt.s32 v15, v4;
	v13 =	vnsel vm1, $0x0, v13  }
0x13b: {  	s0 =	sshll.u32 s25, $0x1;
	v14 =	vnsel vm2, $0x0, v14;
	vm3 =	vmand vm5, vm3  }
0x13c: {  	s0 =	sadd.s32 $0x2, s0;
	v15 =	vnsel vm3, $0x0, v15  }
0x13d: {  	v10 =	vnsel vm0, $0x0, v10;
	[tilespmem:v6+s3+$0x0] =	vst.idx.add.f32.msk $0xffff, v7;
	p4 =	sle.u32 s4, s0  }
0x13e: {  	[tilespmem:v11+s3+$0x0] =	vst.idx.add.f32.msk $0xffff, v10;
	v6 =	vnsel vm1, $0x0, v12;
	s0 =	sshll.u32 @!p4 s0, $0xC  }
0x13f: {  	v7 =	vnsel vm2, $0x0, v8;
	s0 =	sadd.s32 @!p4 s15, s0;
	[tilespmem:v13+s3+$0x0] =	vst.idx.add.f32.msk $0xffff, v6  }
0x140: {  	s0 =	sshrl.u32 @!p4 s0, $0x3;
	v6 =	vnsel vm3, $0x0, v9;
	[tilespmem:v14+s3+$0x0] =	vst.idx.add.f32.msk $0xffff, v7  }
0x141: {  	s1 =	simm.s32 @!p4 $0x0;
	s26 =	simm.s32 @!p4 $0x1D000;
	s0 =	sadd.s32 @!p4 s5, s0;
	[tilespmem:v15+s3+$0x0] =	vst.idx.add.f32.msk $0xffff, v6  }
0x142: {  	[tilespmem:s26], [sflag:$0x1] =	stream.linear.gather @!p4 [hbm4b:s0+s1], $0x1000, $0x38;
	[tilespmem:$0x1F000] =	vst v63  }
0x143: {  	s26 =	simm.s32 $0x0;
	_ =	swait.ge [sflag:s22], $0x1000  }
0x144: {  	s30 =	sand.u32 $0x40, s26;
	s0 =	sand.u32 $0xE00, s26;
	[sflag:s22] =	ssyncset.done $0x0  }
0x145: {  	s0 =	sor.u32 s30, s0;
	[sflag:s22] =	ssyncadd.s32 $0xFFFFF000  }
0x146: {  	v6 =	vld [tilespmem:s0+$0x1E030]  }
0x147: {  	v7 =	vld [tilespmem:s0+$0x1E0B0];
	_ =	sdelay $0x1  }
0x148: {  	p4 =	por $0x0, $0x0;
	s1 =	simm.s32 $0x1  }
0x149: {  	s1 =	simm.s32 @!p4 $0x0;
	v8 =	vld [tilespmem:s0+$0x1E000]  }
0x14a: {  	s1 =	sshll.u32 s1, $0x6;
	v9 =	vld [tilespmem:s0+$0x1E010];
	v6 =	vmul.u32 v2, v6  }
0x14b: {  	s1 =	sadd.s32 $0x0, s1;
	v10 =	vld [tilespmem:s0+$0x1E020];
	v7 =	vadd.s32 v3, v7  }
0x14c: {  	s31 =	sadd.s32 $0x30, s1;
	v12 =	vld [tilespmem:s0+$0x1E090];
	v6 =	vadd.s32 v6, v7  }
0x14d: {  	s26 =	sor.u32 $0x100, s31;
	v7 =	vld [tilespmem:s0+$0x1E080];
	vm0 =	vgt.s32 v6, $0xFFFFFFFF;
	vm1 =	vlt.s32 v6, v4  }
0x14e: {  	s31 =	sadd.s32 $0x20, s1;
	v11 =	vld [tilespmem:s26+$0x1E000];
	vm0 =	vmand vm0, vm1  }
0x14f: {  	s30 =	sadd.s32 $0x10, s1;
	v13 =	vld [tilespmem:s0+$0x1E0A0];
	s1 =	sor.u32 $0x100, s1;
	s0 =	sor.u32 $0x100, s31;
	v6 =	vnsel vm0, $0x0, v6  }
0x150: {  	s26 =	sor.u32 $0x100, s30;
	s30 =	simm.s32 $0x40;
	v15 =	vld [tilespmem:s0+$0x1E000];
	s0 =	simm.s32 $0x100  }
0x151: {  	v16 =	vld [tilespmem:s1+$0x1E000];
	v8 =	vmul.u32 v2, v8;
	s31 =	sand.u32 $0x40, s30;
	s0 =	sand.u32 $0xE00, s0  }
0x152: {  	v14 =	vld [tilespmem:s26+$0x1E000];
	s0 =	sor.u32 s31, s0;
	v7 =	vadd.s32 v3, v7  }
0x153: {  	v11 =	vnsel vm0, $0x0, v11;
	v7 =	vadd.s32 v8, v7;
	v8 =	vld [tilespmem:s0+$0x1E030]  }
0x154: {  	vm0 =	vgt.s32 v7, $0xFFFFFFFF;
	[tilespmem:v6+s3+$0x0] =	vst.idx.add.f32.msk $0xffff, v11;
	v6 =	vmul.u32 v2, v9  }
0x155: {  	vm1 =	vlt.s32 v7, v4;
	v9 =	vmul.u32 v2, v10;
	v10 =	vadd.s32 v3, v12;
	v11 =	vld [tilespmem:s0+$0x1E0B0]  }
0x156: {  	vm0 =	vmand vm0, vm1;
	v12 =	vld [tilespmem:s0+$0x1E000];
	v6 =	vadd.s32 v6, v10;
	v10 =	vadd.s32 v3, v13  }
0x157: {  	p4 =	por !p4, !p4;
	s1 =	simm.s32 $0x1;
	v17 =	vld [tilespmem:s0+$0x1E010];
	v13 =	vnsel vm0, $0x0, v7;
	vm1 =	vgt.s32 v6, $0xFFFFFFFF;
	vm2 =	vlt.s32 v6, v4  }
0x158: {  	s1 =	simm.s32 @!p4 $0x0;
	v19 =	vld [tilespmem:s0+$0x1E080];
	v7 =	vadd.s32 v9, v10;
	v10 =	vnsel vm0, $0x0, v16;
	v8 =	vmul.u32 v2, v8  }
0x159: {  	s1 =	sshll.u32 s1, $0x6;
	v9 =	vld [tilespmem:s0+$0x1E020];
	vm1 =	vmand vm1, vm2;
	vm2 =	vgt.s32 v7, $0xFFFFFFFF;
	vm3 =	vlt.s32 v7, v4  }
0x15a: {  	s1 =	sadd.s32 $0x100, s1;
	v16 =	vld [tilespmem:s0+$0x1E090];
	v18 =	vnsel vm1, $0x0, v6;
	vm2 =	vmand vm2, vm3;
	v11 =	vadd.s32 v3, v11  }
0x15b: {  	s26 =	sadd.s32 $0x30, s1;
	v21 =	vld [tilespmem:s0+$0x1E0A0];
	v20 =	vnsel vm1, $0x0, v14;
	v12 =	vmul.u32 v2, v12;
	v11 =	vadd.s32 v8, v11  }
0x15c: {  	s30 =	sadd.s32 $0x10, s1;
	s0 =	sor.u32 $0x100, s26;
	v14 =	vmul.u32 v2, v17;
	[tilespmem:v13+s3+$0x0] =	vst.idx.add.f32.msk $0xffff, v10;
	vm0 =	vgt.s32 v11, $0xFFFFFFFF;
	vm1 =	vlt.s32 v11, v4  }
0x15d: {  	s28 =	sadd.s32 $0x20, s1;
	s26 =	sor.u32 $0x100, s30;
	v6 =	vnsel vm2, $0x0, v7;
	v7 =	vnsel vm2, $0x0, v15;
	v10 =	vld [tilespmem:s0+$0x1E000];
	vm0 =	vmand vm0, vm1  }
0x15e: {  	s31 =	sor.u32 $0x100, s28;
	v8 =	vld [tilespmem:s26+$0x1E000];
	v15 =	vmul.u32 v2, v9;
	v9 =	vadd.s32 v3, v19;
	v11 =	vnsel vm0, $0x0, v11  }
0x15f: {  	s1 =	sor.u32 $0x100, s1;
	v16 =	vadd.s32 v3, v16;
	v13 =	vadd.s32 v12, v9;
	v9 =	vld [tilespmem:s31+$0x1E000]  }
0x160: {  	v12 =	vld [tilespmem:s1+$0x1E000];
	v14 =	vadd.s32 v14, v16;
	v16 =	vadd.s32 v3, v21;
	vm1 =	vgt.s32 v13, $0xFFFFFFFF  }
0x161: {  	s29 =	simm.s32 $0x80;
	s28 =	simm.s32 $0x200;
	s26 =	simm.s32 $0x4;
	vm2 =	vlt.s32 v13, v4;
	vm3 =	vgt.s32 v14, $0xFFFFFFFF;
	v15 =	vadd.s32 v15, v16;
	[tilespmem:v18+s3+$0x0] =	vst.idx.add.f32.msk $0xffff, v20  }
.LBB2_16:
0x162: {  	s0 =	sand.u32 $0x40, s29;
	s1 =	sand.u32 $0xE00, s28;
	s26 =	sadd.s32 $0x4, s26;
	vm4 =	vlt.s32 v14, v4;
	vm5 =	vgt.s32 v15, $0xFFFFFFFF;
	v10 =	vnsel vm0, $0x0, v10;
	[tilespmem:v6+s3+$0x0] =	vst.idx.add.f32.msk $0xffff, v7  }
0x163: {  	vm0 =	vmand vm1, vm2;
	vm2 =	vlt.s32 v15, v4;
	s0 =	sor.u32 s0, s1;
	p5 =	slt.u32 s26, $0x3C;
	vm1 =	vmand vm3, vm4;
	[tilespmem:v11+s3+$0x0] =	vst.idx.add.f32.msk $0xffff, v10  }
0x164: {  	v11 =	vnsel vm0, $0x0, v13;
	vm2 =	vmand vm5, vm2;
	v10 =	vld [tilespmem:s0+$0x1E030];
	v16 =	vnsel vm1, $0x0, v14  }
0x165: {  	v17 =	vnsel vm1, $0x0, v8;
	v6 =	vnsel vm2, $0x0, v15;
	v13 =	vld [tilespmem:s0+$0x1E0B0];
	v12 =	vnsel vm0, $0x0, v12  }
0x166: {  	v7 =	vnsel vm2, $0x0, v9;
	v8 =	vld [tilespmem:s0+$0x1E000]  }
0x167: {  	p4 =	por !p4, !p4;
	s1 =	simm.s32 $0x1;
	v9 =	vld [tilespmem:s0+$0x1E010]  }
0x168: {  	s1 =	simm.s32 @!p4 $0x0;
	v14 =	vld [tilespmem:s0+$0x1E020]  }
0x169: {  	s1 =	sshll.u32 s1, $0x6;
	v15 =	vld [tilespmem:s0+$0x1E080];
	v10 =	vmul.u32 v2, v10  }
0x16a: {  	s1 =	sadd.s32 s1, s28;
	v18 =	vld [tilespmem:s0+$0x1E090];
	v13 =	vadd.s32 v3, v13  }
0x16b: {  	s30 =	sadd.s32 $0x10, s1;
	s31 =	sadd.s32 $0x30, s1;
	v19 =	vmul.u32 v2, v8;
	v20 =	vld [tilespmem:s0+$0x1E0A0];
	s0 =	sadd.s32 $0x20, s1;
	v13 =	vadd.s32 v10, v13  }
0x16c: {  	s30 =	sor.u32 $0x100, s30;
	s31 =	sor.u32 $0x100, s31;
	v21 =	vmul.u32 v2, v9;
	s0 =	sor.u32 $0x100, s0;
	vm0 =	vgt.s32 v13, $0xFFFFFFFF;
	vm1 =	vlt.s32 v13, v4;
	[tilespmem:v11+s3+$0x0] =	vst.idx.add.f32.msk $0xffff, v12  }
.Ltmp9:
0x16d: {  	s1 =	sor.u32 $0x100, s1;
	v22 =	vmul.u32 v2, v14;
	v10 =	vld [tilespmem:s31+$0x1E000];
	vm0 =	vmand vm0, vm1;
	(pc) =	sbr.rel @p5 .LBB2_16-.Ltmp9, $4  }
0x16e: {  	v9 =	vadd.s32 v3, v15;
	v8 =	vld [tilespmem:s30+$0x1E000];
	v11 =	vnsel vm0, $0x0, v13  }
0x16f: {  	v13 =	vadd.s32 v19, v9;
	v14 =	vadd.s32 v3, v18;
	v9 =	vld [tilespmem:s0+$0x1E000]  }
0x170: {  	v12 =	vld [tilespmem:s1+$0x1E000];
	vm1 =	vgt.s32 v13, $0xFFFFFFFF;
	v14 =	vadd.s32 v21, v14;
	v15 =	vadd.s32 v3, v20  }
0x171: {  	s29 =	sadd.s32 $0x40, s29;
	s28 =	sadd.s32 $0x100, s28;
	vm2 =	vlt.s32 v13, v4;
	vm3 =	vgt.s32 v14, $0xFFFFFFFF;
	v15 =	vadd.s32 v22, v15;
	[tilespmem:v16+s3+$0x0] =	vst.idx.add.f32.msk $0xffff, v17  }
0x172: {  	vm4 =	vlt.s32 v14, v4;
	vm5 =	vgt.s32 v15, $0xFFFFFFFF;
	vm1 =	vmand vm1, vm2  }
0x173: {  	vm15 =	vlt.s32 v15, v4;
	vm14 =	vmand vm3, vm4;
	v13 =	vnsel vm1, $0x0, v13  }
0x174: {  	s25 =	sadd.s32 $0x1, s25;
	vm3 =	vmand vm5, vm15;
	v62 =	vnsel vm14, $0x0, v14  }
0x175: {  	p4 =	sne.s32 s25, s13;
	v63 =	vnsel vm3, $0x0, v15  }
.Ltmp10:
0x176: {  	v10 =	vnsel vm0, $0x0, v10;
	[tilespmem:v6+s3+$0x0] =	vst.idx.add.f32.msk $0xffff, v7;
	(pc) =	sbr.rel @p4 .LBB2_13-.Ltmp10, $4  }
0x177: {  	[tilespmem:v11+s3+$0x0] =	vst.idx.add.f32.msk $0xffff, v10;
	v6 =	vnsel vm1, $0x0, v12  }
0x178: {  	v7 =	vnsel vm14, $0x0, v8;
	[tilespmem:v13+s3+$0x0] =	vst.idx.add.f32.msk $0xffff, v6  }
0x179: {  	v6 =	vnsel vm3, $0x0, v9;
	[tilespmem:v62+s3+$0x0] =	vst.idx.add.f32.msk $0xffff, v7  }
0x17a: {  	[tilespmem:v63+s3+$0x0] =	vst.idx.add.f32.msk $0xffff, v6  }
0x17b: {  	p4 =	por p1, p2  }
0x17c: {  	s0 =	simm.s32 @!p4 $0x0  }
0x17d: {  	[hbm4b:s16+s0] =	stream.linear.scatter @!p4 [tilespmem:s0], [sflag:$0x3], $0x9000, $0x38;
	[tilespmem:$0x1F000] =	vst v63  }
0x17e: {  	s0 =	simm.s32 @!p4 $0x3  }
0x17f: {  	_ =	swait.ge @!p4 [sflag:s0], $0x9000  }
0x180: {  	p5 =	por !p3, p2;
	[sflag:s0] =	ssyncset.done @!p4 $0x0  }
0x181: {  	[sflag:s0] =	ssyncadd.s32 @!p4 $0xFFFF7000;
	s0 =	simm.s32 @!p5 $0x0  }
0x182: {  	[hbm4b:s17+s0] =	stream.linear.scatter @!p5 [tilespmem:s0], [sflag:$0x3], $0x1D000, $0x38;
	[tilespmem:$0x1F000] =	vst v63  }
0x183: {  	s0 =	simm.s32 @!p5 $0x3  }
0x184: {  	p4 =	sne.s32 @!p2 s2, $0x1E;
	_ =	swait.ge @!p5 [sflag:s0], $0x1D000  }
0x185: {  	p4 =	por p4, p2;
	[sflag:s0] =	ssyncset.done @!p5 $0x0  }
0x186: {  	[sflag:s0] =	ssyncadd.s32 @!p5 $0xFFFE3000;
	s0 =	simm.s32 @!p4 $0x0  }
0x187: {  	[hbm4b:s17+s0] =	stream.linear.scatter @!p4 [tilespmem:s0], [sflag:$0x3], $0x18000, $0x38;
	[tilespmem:$0x1F000] =	vst v63  }
0x188: {  	s0 =	simm.s32 @!p4 $0x3  }
0x189: {  	_ =	swait.ge @!p4 [sflag:s0], $0x18000  }
0x18a: {  	[sflag:s0] =	ssyncset.done @!p4 $0x0  }
0x18b: {  	[sflag:s0] =	ssyncadd.s32 @!p4 $0xFFFE8000;
	s0 =	simm.s32 @p2 $0x0  }
0x18c: {  	[hbm4b:s18+s0] =	stream.linear.scatter @p2 [tilespmem:s0], [sflag:$0x3], $0x1D000, $0x38;
	[tilespmem:$0x1F000] =	vst v63  }
.Ltmp11:
0x18d: {  	_ = 	snop;
	(pc) =	sbr.rel .LBB2_19-.Ltmp11, $4  }
0x18e: {  	s0 =	simm.s32 @p2 $0x3  }
0x18f: {  	_ =	swait.ge @p2 [sflag:s0], $0x1D000  }
0x190: {  	[sflag:s0] =	ssyncset.done @p2 $0x0  }
0x191: {  	[sflag:s0] =	ssyncadd.s32 @p2 $0xFFFE3000  }
.LBB2_20:
0x192: {  	_ =	sfence.sel $0x180000  }
0x193: {  	[bflag:$0x0] =	sbarrier.arrive $0xFFFF  }
0x194: {  	_ =	strace $0x90000047  }
0x195: {  	s0 =	stileid.u32;
	[bflag:$0x2] =	sbarrier.arrive $0xFFFF  }
0x196: {  	p0 =	sne.s32 s0, $0x0;
	s0 =	rddreg [dreg:$0x1]  }
0x197: {  	s0 =	sadd.s32 @!p0 $0x100000, s0  }
0x198: {  	[sflag:s0] =	ssyncadd.tile.s32 @!p0 $0x1;
	_ =	shalt  }
.Lfunc_end2:
_tile_overlayer_lowered:
.L_overlay_start_2:
0x199: {  	(tag) =	ssettag $0x2  }
0x19a: {  	s0 =	rddreg [dreg:$0x0];
	s2 =	stileid.u32  }
0x19b: {  	s1 =	rddreg [dreg:$0x1];
	p0 =	sne.s32 s2, $0x0  }
0x19c: {  	s3 =	rddreg [dreg:$0x2];
	[bflag:$0x3] =	sbarrier.arrive $0xFFFF;
	s2 =	simm.s32 @!p0 $0x1C03  }
0x19d: {  	[timem:s3], [sflag:s2] =	dma.local @!p0 [hbm:s0], s1  }
0x19e: {  	s0 =	simm.s32 @!p0 $0x3  }
0x19f: {  	_ =	swait.ge @!p0 [sflag:s0], s1  }
0x1a0: {  	s1 =	ssub.s32 @!p0 $0x0, s1;
	[sflag:s0] =	ssyncset.done @!p0 $0x0  }
0x1a1: {  	[sflag:s0] =	ssyncadd.s32 @!p0 s1  }
0x1a2: {  	[bflag:$0x3] =	sbarrier.arrive $0xFFFF  }
0x1a3: {  	_ =	shalt  }

</sc_bundles>
